<compile_context>
chip_gen: v7x
topology: tpu7x:2x2x1
jax: 0.10.2.dev20260603
libtpu: 0.0.44.dev20260713+nightly
codegen_flags: <defaults>
</compile_context>

<pallas_src>
import jax
import jax.numpy as jnp
from jax import lax
from jax.experimental import pallas as pl
from jax.experimental.pallas import tpu as pltpu
from jax.experimental.pallas import tpu_sc as plsc

N, E, D = 10000, 320000, 128
NC, NS = 2, 16
NW = NC * NS
EW = E // NW
CH = 125
NCHUNK = 80
WB = 200
F32 = jnp.float32
_MESH = plsc.VectorSubcoreMesh(core_axis_name="c", subcore_axis_name="s")


def _writeback(c, s, copies):
    nfull = N // WB // NS
    for j in range(nfull):
        copies(j * NS + s)
    rem = N // WB - nfull * NS

    @pl.when(s < rem)
    def _():
        copies(nfull * NS + s)


def _zero_shared(s, zbuf, sh):
    nzfull = N // CH // NS
    for j in range(nzfull):
        pltpu.sync_copy(zbuf, sh.at[pl.ds((j * NS + s) * CH, CH)])
    zrem = N // CH - nzfull * NS

    @pl.when(s < zrem)
    def _():
        pltpu.sync_copy(zbuf, sh.at[pl.ds((nzfull * NS + s) * CH, CH)])

    tail = N - (N // CH) * CH
    if tail:
        @pl.when(s == NS - 1)
        def _():
            pltpu.sync_copy(zbuf.at[pl.ds(0, tail)],
                            sh.at[pl.ds((N // CH) * CH, tail)])


def _sc_agg_body(h_hbm, src_hbm, dst_hbm, agg_out,
                 src_v, dst_v, rows_v, agg_sh, sem):
    c = lax.axis_index("c")
    s = lax.axis_index("s")
    wid = s * NC + c

    zero16 = jnp.zeros((16,), F32)

    def zfill(i, _):
        for k in range(D // 16):
            rows_v[i, pl.ds(16 * k, 16)] = zero16
        return 0

    lax.fori_loop(0, CH, zfill, 0)

    _zero_shared(s, rows_v, agg_sh)

    pltpu.sync_copy(src_hbm.at[wid], src_v)
    pltpu.sync_copy(dst_hbm.at[wid], dst_v)

    plsc.subcore_barrier()

    def chunk(j, _):
        pltpu.async_copy(h_hbm.at[src_v.at[j]], rows_v, sem).wait()
        pltpu.sync_copy(rows_v, agg_sh.at[dst_v.at[j]], add=True)
        return 0

    lax.fori_loop(0, NCHUNK, chunk, 0)

    plsc.subcore_barrier()

    def wb(cid):
        sl = pl.ds(cid * WB, WB)
        pltpu.sync_copy(agg_sh.at[sl], agg_out.at[c, sl])

    _writeback(c, s, wb)


_sc_agg = pl.kernel(
    _sc_agg_body,
    out_type=(jax.ShapeDtypeStruct((NC, N, D), F32),),
    mesh=_MESH,
    scratch_types=[
        pltpu.VMEM((NCHUNK, CH), jnp.int32),
        pltpu.VMEM((NCHUNK, CH), jnp.int32),
        pltpu.VMEM((CH, D), F32),
        pltpu.VMEM_SHARED((N, D), F32),
        pltpu.SemaphoreType.DMA,
    ],
)


def _sc_deg_body(dst_hbm, deg_out, dst_v, ones_v, deg_sh):
    c = lax.axis_index("c")
    s = lax.axis_index("s")
    wid = s * NC + c

    zero16 = jnp.zeros((16,), F32)
    one16 = jnp.full((16,), 1.0, F32)

    def zfill(i, _):
        for k in range(D // 16):
            ones_v[i, pl.ds(16 * k, 16)] = zero16
        return 0

    lax.fori_loop(0, CH, zfill, 0)

    _zero_shared(s, ones_v, deg_sh)

    def ofill(i, _):
        for k in range(D // 16):
            ones_v[i, pl.ds(16 * k, 16)] = one16
        return 0

    lax.fori_loop(0, CH, ofill, 0)

    pltpu.sync_copy(dst_hbm.at[wid], dst_v)

    plsc.subcore_barrier()

    def chunk(j, _):
        pltpu.sync_copy(ones_v, deg_sh.at[dst_v.at[j]], add=True)
        return 0

    lax.fori_loop(0, NCHUNK, chunk, 0)

    plsc.subcore_barrier()

    def wb(cid):
        sl = pl.ds(cid * WB, WB)
        pltpu.sync_copy(deg_sh.at[sl], deg_out.at[c, sl])

    _writeback(c, s, wb)


_sc_deg = pl.kernel(
    _sc_deg_body,
    out_type=(jax.ShapeDtypeStruct((NC, N, D), F32),),
    mesh=_MESH,
    scratch_types=[
        pltpu.VMEM((NCHUNK, CH), jnp.int32),
        pltpu.VMEM((CH, D), F32),
        pltpu.VMEM_SHARED((N, D), F32),
    ],
)


def _tc_layer(h, parts, degp, W, b, mode):
    BN = 1000

    def body(h_ref, p_ref, dg_ref, w_ref, b_ref, o_ref):
        dg = dg_ref[0, :, 0:1] + dg_ref[1, :, 0:1]
        inv = 1.0 / jnp.maximum(dg, 1.0)
        agg = (p_ref[0] + p_ref[1]) * inv
        acc = (
            jnp.dot(h_ref[...], w_ref[:D],
                    preferred_element_type=F32,
                    precision=lax.Precision.HIGHEST)
            + jnp.dot(agg, w_ref[D:],
                      preferred_element_type=F32,
                      precision=lax.Precision.HIGHEST)
            + b_ref[...]
        )
        if mode == "relu":
            o_ref[...] = jnp.maximum(acc, 0.0)
        else:
            m = jnp.max(acc, axis=-1, keepdims=True)
            lse = jnp.log(jnp.sum(jnp.exp(acc - m), axis=-1, keepdims=True)) + m
            o_ref[...] = acc - lse

    return pl.pallas_call(
        body,
        grid=(N // BN,),
        in_specs=[
            pl.BlockSpec((BN, D), lambda i: (i, 0)),
            pl.BlockSpec((NC, BN, D), lambda i: (0, i, 0)),
            pl.BlockSpec((NC, BN, D), lambda i: (0, i, 0)),
            pl.BlockSpec((2 * D, D), lambda i: (0, 0)),
            pl.BlockSpec((1, D), lambda i: (0, 0)),
        ],
        out_specs=pl.BlockSpec((BN, D), lambda i: (i, 0)),
        out_shape=jax.ShapeDtypeStruct((N, D), F32),
    )(h, parts, degp, W, b.reshape(1, D))


def kernel(x, edge_index, W1, b1, W2, b2, W3, b3):
    src = edge_index[0].reshape(NW, NCHUNK, CH)
    dst = edge_index[1].reshape(NW, NCHUNK, CH)
    (degp,) = _sc_deg(dst)
    (agg1,) = _sc_agg(x, src, dst)
    h1 = _tc_layer(x, agg1, degp, W1, b1, "relu")
    (agg2,) = _sc_agg(h1, src, dst)
    h2 = _tc_layer(h1, agg2, degp, W2, b2, "relu")
    (agg3,) = _sc_agg(h2, src, dst)
    return _tc_layer(h2, agg3, degp, W3, b3, "logsoftmax")

# --- scband reference (transcript-rebuilt; emitter-appended) ---
"""Pipeline reference for scband-sage-31181462569098 (READ-ONLY COPY).

The authoritative reference and input builder live on the scoring server;
editing this copy changes nothing except your own understanding.
"""

import jax, jax.numpy as jnp
import numpy as np

N, E, D = 10000, 320000, 128

def setup_inputs(seed: int = 0):
    key = jax.random.key(seed)
    ks = jax.random.split(key, 8)
    x = jax.random.normal(ks[0], (N, D), dtype=jnp.float32)
    edge_index = jax.random.randint(ks[1], (2, E), 0, N, dtype=jnp.int32)
    W1 = jax.random.normal(ks[2], (2 * D, D), dtype=jnp.float32) * 0.05
    b1 = jnp.zeros((D,), dtype=jnp.float32)
    W2 = jax.random.normal(ks[3], (2 * D, D), dtype=jnp.float32) * 0.05
    b2 = jnp.zeros((D,), dtype=jnp.float32)
    W3 = jax.random.normal(ks[4], (2 * D, D), dtype=jnp.float32) * 0.05
    b3 = jnp.zeros((D,), dtype=jnp.float32)
    return {"x": x, "edge_index": edge_index, "W1": W1, "b1": b1, "W2": W2, "b2": b2, "W3": W3, "b3": b3}

def _sage_conv(h, edge_index, W, b):
    src = edge_index[0]
    dst = edge_index[1]
    msgs = jnp.take(h, src, axis=0)
    agg = jax.ops.segment_sum(msgs, dst, num_segments=N)
    deg = jax.ops.segment_sum(jnp.ones((E,), dtype=h.dtype), dst, num_segments=N)
    agg = agg / jnp.clip(deg, 1.0, None)[:, None]
    cat = jnp.concatenate([h, agg], axis=-1)
    return cat @ W + b

def reference(x, edge_index, W1, b1, W2, b2, W3, b3):
    # dropout is identity in eval mode
    h = jax.nn.relu(_sage_conv(x, edge_index, W1, b1))
    h = jax.nn.relu(_sage_conv(h, edge_index, W2, b2))
    h = _sage_conv(h, edge_index, W3, b3)
    return jax.nn.log_softmax(h, axis=-1)

if __name__ == "__main__":
    import jax
    _d = setup_inputs()
    print(jax.jit(kernel)(*tuple(_d.values())))

</pallas_src>

<mosaic_0001>
#map = affine_map<(d0, d1) -> (0, 0)>
#map1 = affine_map<(d0, d1) -> (0, 0, 0)>
module attributes {stable_mosaic.version = 14 : i64} {
  func.func @_sc_agg_body(%arg0: i32, %arg1: i32, %arg2: memref<10000x128xf32, #tpu.memory_space<hbm>>, %arg3: memref<32x80x125xi32, #tpu.memory_space<hbm>>, %arg4: memref<32x80x125xi32, #tpu.memory_space<hbm>>, %arg5: memref<2x10000x128xf32, #tpu.memory_space<hbm>>, %arg6: memref<80x125xi32, #tpu.memory_space<vmem>>, %arg7: memref<80x125xi32, #tpu.memory_space<vmem>>, %arg8: memref<125x128xf32, #tpu.memory_space<vmem>>, %arg9: memref<10000x128xf32, #tpu.memory_space<vmem_shared>>, %arg10: memref<!tpu.dma_semaphore, #tpu.memory_space<semaphore_mem>>) attributes {dimension_semantics = [#tpu.dimension_semantics<core_parallel>, #tpu.dimension_semantics<subcore_parallel>], iteration_bounds = array<i64: 2, 16>, scalar_prefetch = 0 : i64, scratch_operands = 5 : i64, tpu.core_type = #tpu.core_type<sc_vector_subcore>, window_params = [{transform_indices = #map}, {transform_indices = #map1}, {transform_indices = #map1}, {transform_indices = #map1}]} {
    %mul3A = arith.constant 2 : i32
    %mul3A_0 = arith.muli %arg1, %mul3A : i32
    %add3A = arith.addi %mul3A_0, %arg0 : i32
    %broadcast_in_dim3A = arith.constant 0.000000e+00 : f32
    %broadcast_in_dim3A_1 = vector.broadcast %broadcast_in_dim3A : f32 to vector<16xf32>
    %scan3A = arith.constant 0 : i32
    %scan3A_2 = arith.constant 0 : i32
    %scan3A_3 = arith.constant 125 : i32
    %scan3A_4 = arith.addi %scan3A_2, %scan3A_3 : i32
    %scan3A_5 = arith.constant 1 : i32
    %scan3A_6 = scf.for %scan3A_55 = %scan3A_2 to %scan3A_4 step %scan3A_5 iter_args(%scan3A_56 = %scan3A) -> (i32)  : i32 {
      %swap3A = arith.index_cast %scan3A_55 : i32 to index
      %swap3A_57 = arith.constant 0 : index
      %swap3A_58 = tpu.vector_load %arg8[%swap3A, %swap3A_57] {strides = array<i32>} : memref<125x128xf32, #tpu.memory_space<vmem>>, vector<1x16xf32>,
      %swap3A_59 = vector.shape_cast %swap3A_58 : vector<1x16xf32> to vector<16xf32>
      %swap3A_60 = vector.shape_cast %broadcast_in_dim3A_1 : vector<16xf32> to vector<1x16xf32>
      tpu.vector_store %arg8[%swap3A, %swap3A_57], %swap3A_60 {strides = array<i32>} : memref<125x128xf32, #tpu.memory_space<vmem>>, vector<1x16xf32>,
      %swap3A_61 = arith.index_cast %scan3A_55 : i32 to index
      %swap3A_62 = arith.constant 16 : index
      %swap3A_63 = tpu.vector_load %arg8[%swap3A_61, %swap3A_62] {strides = array<i32>} : memref<125x128xf32, #tpu.memory_space<vmem>>, vector<1x16xf32>,
      %swap3A_64 = vector.shape_cast %swap3A_63 : vector<1x16xf32> to vector<16xf32>
      %swap3A_65 = vector.shape_cast %broadcast_in_dim3A_1 : vector<16xf32> to vector<1x16xf32>
      tpu.vector_store %arg8[%swap3A_61, %swap3A_62], %swap3A_65 {strides = array<i32>} : memref<125x128xf32, #tpu.memory_space<vmem>>, vector<1x16xf32>,
      %swap3A_66 = arith.index_cast %scan3A_55 : i32 to index
      %swap3A_67 = arith.constant 32 : index
      %swap3A_68 = tpu.vector_load %arg8[%swap3A_66, %swap3A_67] {strides = array<i32>} : memref<125x128xf32, #tpu.memory_space<vmem>>, vector<1x16xf32>,
      %swap3A_69 = vector.shape_cast %swap3A_68 : vector<1x16xf32> to vector<16xf32>
      %swap3A_70 = vector.shape_cast %broadcast_in_dim3A_1 : vector<16xf32> to vector<1x16xf32>
      tpu.vector_store %arg8[%swap3A_66, %swap3A_67], %swap3A_70 {strides = array<i32>} : memref<125x128xf32, #tpu.memory_space<vmem>>, vector<1x16xf32>,
      %swap3A_71 = arith.index_cast %scan3A_55 : i32 to index
      %swap3A_72 = arith.constant 48 : index
      %swap3A_73 = tpu.vector_load %arg8[%swap3A_71, %swap3A_72] {strides = array<i32>} : memref<125x128xf32, #tpu.memory_space<vmem>>, vector<1x16xf32>,
      %swap3A_74 = vector.shape_cast %swap3A_73 : vector<1x16xf32> to vector<16xf32>
      %swap3A_75 = vector.shape_cast %broadcast_in_dim3A_1 : vector<16xf32> to vector<1x16xf32>
      tpu.vector_store %arg8[%swap3A_71, %swap3A_72], %swap3A_75 {strides = array<i32>} : memref<125x128xf32, #tpu.memory_space<vmem>>, vector<1x16xf32>,
      %swap3A_76 = arith.index_cast %scan3A_55 : i32 to index
      %swap3A_77 = arith.constant 64 : index
      %swap3A_78 = tpu.vector_load %arg8[%swap3A_76, %swap3A_77] {strides = array<i32>} : memref<125x128xf32, #tpu.memory_space<vmem>>, vector<1x16xf32>,
      %swap3A_79 = vector.shape_cast %swap3A_78 : vector<1x16xf32> to vector<16xf32>
      %swap3A_80 = vector.shape_cast %broadcast_in_dim3A_1 : vector<16xf32> to vector<1x16xf32>
      tpu.vector_store %arg8[%swap3A_76, %swap3A_77], %swap3A_80 {strides = array<i32>} : memref<125x128xf32, #tpu.memory_space<vmem>>, vector<1x16xf32>,
      %swap3A_81 = arith.index_cast %scan3A_55 : i32 to index
      %swap3A_82 = arith.constant 80 : index
      %swap3A_83 = tpu.vector_load %arg8[%swap3A_81, %swap3A_82] {strides = array<i32>} : memref<125x128xf32, #tpu.memory_space<vmem>>, vector<1x16xf32>,
      %swap3A_84 = vector.shape_cast %swap3A_83 : vector<1x16xf32> to vector<16xf32>
      %swap3A_85 = vector.shape_cast %broadcast_in_dim3A_1 : vector<16xf32> to vector<1x16xf32>
      tpu.vector_store %arg8[%swap3A_81, %swap3A_82], %swap3A_85 {strides = array<i32>} : memref<125x128xf32, #tpu.memory_space<vmem>>, vector<1x16xf32>,
      %swap3A_86 = arith.index_cast %scan3A_55 : i32 to index
      %swap3A_87 = arith.constant 96 : index
      %swap3A_88 = tpu.vector_load %arg8[%swap3A_86, %swap3A_87] {strides = array<i32>} : memref<125x128xf32, #tpu.memory_space<vmem>>, vector<1x16xf32>,
      %swap3A_89 = vector.shape_cast %swap3A_88 : vector<1x16xf32> to vector<16xf32>
      %swap3A_90 = vector.shape_cast %broadcast_in_dim3A_1 : vector<16xf32> to vector<1x16xf32>
      tpu.vector_store %arg8[%swap3A_86, %swap3A_87], %swap3A_90 {strides = array<i32>} : memref<125x128xf32, #tpu.memory_space<vmem>>, vector<1x16xf32>,
      %swap3A_91 = arith.index_cast %scan3A_55 : i32 to index
      %swap3A_92 = arith.constant 112 : index
      %swap3A_93 = tpu.vector_load %arg8[%swap3A_91, %swap3A_92] {strides = array<i32>} : memref<125x128xf32, #tpu.memory_space<vmem>>, vector<1x16xf32>,
      %swap3A_94 = vector.shape_cast %swap3A_93 : vector<1x16xf32> to vector<16xf32>
      %swap3A_95 = vector.shape_cast %broadcast_in_dim3A_1 : vector<16xf32> to vector<1x16xf32>
      tpu.vector_store %arg8[%swap3A_91, %swap3A_92], %swap3A_95 {strides = array<i32>} : memref<125x128xf32, #tpu.memory_space<vmem>>, vector<1x16xf32>,
      %scan3A_96 = arith.constant 0 : i32
      scf.yield %scan3A_96 : i32
    }
    %scan3A_7 = arith.constant 125 : i32
    %add3A_8 = arith.constant 0 : i32
    %add3A_9 = arith.addi %add3A_8, %arg1 : i32
    %mul3A_10 = arith.constant 125 : i32
    %mul3A_11 = arith.muli %add3A_9, %mul3A_10 : i32
    "tpu.region"() ({
      %run_scoped3A = tpu.sem_alloc : memref<!tpu.dma_semaphore, #tpu.memory_space<semaphore_mem>>
      %dma_start3A = arith.constant 0 : i32
      %dma_start3A_55 = tpu.memref_slice %arg9[%mul3A_11, %dma_start3A] : memref<10000x128xf32, #tpu.memory_space<vmem_shared>> -> memref<125x128xf32, #tpu.memory_space<vmem_shared>>
      %dma_start3A_56 = arith.constant 0 : i32
      %dma_start3A_57 = tpu.memref_slice %arg9[%mul3A_11, %dma_start3A_56] : memref<10000x128xf32, #tpu.memory_space<vmem_shared>> -> memref<125x128xf32, #tpu.memory_space<vmem_shared>>
      tpu.enqueue_dma source(%arg8 : memref<125x128xf32, #tpu.memory_space<vmem>>) target(%dma_start3A_57 : memref<125x128xf32, #tpu.memory_space<vmem_shared>>) target_semaphore(%run_scoped3A : memref<!tpu.dma_semaphore, #tpu.memory_space<semaphore_mem>>)
      %dma_wait3A = arith.constant 0 : i32
      %dma_wait3A_58 = tpu.memref_slice %arg9[%mul3A_11, %dma_wait3A] : memref<10000x128xf32, #tpu.memory_space<vmem_shared>> -> memref<125x128xf32, #tpu.memory_space<vmem_shared>>
      %dma_wait3A_59 = arith.constant 0 : i32
      %dma_wait3A_60 = tpu.memref_slice %arg9[%mul3A_11, %dma_wait3A_59] : memref<10000x128xf32, #tpu.memory_space<vmem_shared>> -> memref<125x128xf32, #tpu.memory_space<vmem_shared>>
      tpu.wait_dma2 semaphore(%run_scoped3A : memref<!tpu.dma_semaphore, #tpu.memory_space<semaphore_mem>>) src(%arg8 : memref<125x128xf32, #tpu.memory_space<vmem>>) dst(%dma_wait3A_60 : memref<125x128xf32, #tpu.memory_space<vmem_shared>>)
      tpu.yield
    }) : () -> ()
    %add3A_12 = arith.constant 16 : i32
    %add3A_13 = arith.addi %add3A_12, %arg1 : i32
    %mul3A_14 = arith.constant 125 : i32
    %mul3A_15 = arith.muli %add3A_13, %mul3A_14 : i32
    "tpu.region"() ({
      %run_scoped3A = tpu.sem_alloc : memref<!tpu.dma_semaphore, #tpu.memory_space<semaphore_mem>>
      %dma_start3A = arith.constant 0 : i32
      %dma_start3A_55 = tpu.memref_slice %arg9[%mul3A_15, %dma_start3A] : memref<10000x128xf32, #tpu.memory_space<vmem_shared>> -> memref<125x128xf32, #tpu.memory_space<vmem_shared>>
      %dma_start3A_56 = arith.constant 0 : i32
      %dma_start3A_57 = tpu.memref_slice %arg9[%mul3A_15, %dma_start3A_56] : memref<10000x128xf32, #tpu.memory_space<vmem_shared>> -> memref<125x128xf32, #tpu.memory_space<vmem_shared>>
      tpu.enqueue_dma source(%arg8 : memref<125x128xf32, #tpu.memory_space<vmem>>) target(%dma_start3A_57 : memref<125x128xf32, #tpu.memory_space<vmem_shared>>) target_semaphore(%run_scoped3A : memref<!tpu.dma_semaphore, #tpu.memory_space<semaphore_mem>>)
      %dma_wait3A = arith.constant 0 : i32
      %dma_wait3A_58 = tpu.memref_slice %arg9[%mul3A_15, %dma_wait3A] : memref<10000x128xf32, #tpu.memory_space<vmem_shared>> -> memref<125x128xf32, #tpu.memory_space<vmem_shared>>
      %dma_wait3A_59 = arith.constant 0 : i32
      %dma_wait3A_60 = tpu.memref_slice %arg9[%mul3A_15, %dma_wait3A_59] : memref<10000x128xf32, #tpu.memory_space<vmem_shared>> -> memref<125x128xf32, #tpu.memory_space<vmem_shared>>
      tpu.wait_dma2 semaphore(%run_scoped3A : memref<!tpu.dma_semaphore, #tpu.memory_space<semaphore_mem>>) src(%arg8 : memref<125x128xf32, #tpu.memory_space<vmem>>) dst(%dma_wait3A_60 : memref<125x128xf32, #tpu.memory_space<vmem_shared>>)
      tpu.yield
    }) : () -> ()
    %add3A_16 = arith.constant 32 : i32
    %add3A_17 = arith.addi %add3A_16, %arg1 : i32
    %mul3A_18 = arith.constant 125 : i32
    %mul3A_19 = arith.muli %add3A_17, %mul3A_18 : i32
    "tpu.region"() ({
      %run_scoped3A = tpu.sem_alloc : memref<!tpu.dma_semaphore, #tpu.memory_space<semaphore_mem>>
      %dma_start3A = arith.constant 0 : i32
      %dma_start3A_55 = tpu.memref_slice %arg9[%mul3A_19, %dma_start3A] : memref<10000x128xf32, #tpu.memory_space<vmem_shared>> -> memref<125x128xf32, #tpu.memory_space<vmem_shared>>
      %dma_start3A_56 = arith.constant 0 : i32
      %dma_start3A_57 = tpu.memref_slice %arg9[%mul3A_19, %dma_start3A_56] : memref<10000x128xf32, #tpu.memory_space<vmem_shared>> -> memref<125x128xf32, #tpu.memory_space<vmem_shared>>
      tpu.enqueue_dma source(%arg8 : memref<125x128xf32, #tpu.memory_space<vmem>>) target(%dma_start3A_57 : memref<125x128xf32, #tpu.memory_space<vmem_shared>>) target_semaphore(%run_scoped3A : memref<!tpu.dma_semaphore, #tpu.memory_space<semaphore_mem>>)
      %dma_wait3A = arith.constant 0 : i32
      %dma_wait3A_58 = tpu.memref_slice %arg9[%mul3A_19, %dma_wait3A] : memref<10000x128xf32, #tpu.memory_space<vmem_shared>> -> memref<125x128xf32, #tpu.memory_space<vmem_shared>>
      %dma_wait3A_59 = arith.constant 0 : i32
      %dma_wait3A_60 = tpu.memref_slice %arg9[%mul3A_19, %dma_wait3A_59] : memref<10000x128xf32, #tpu.memory_space<vmem_shared>> -> memref<125x128xf32, #tpu.memory_space<vmem_shared>>
      tpu.wait_dma2 semaphore(%run_scoped3A : memref<!tpu.dma_semaphore, #tpu.memory_space<semaphore_mem>>) src(%arg8 : memref<125x128xf32, #tpu.memory_space<vmem>>) dst(%dma_wait3A_60 : memref<125x128xf32, #tpu.memory_space<vmem_shared>>)
      tpu.yield
    }) : () -> ()
    %add3A_20 = arith.constant 48 : i32
    %add3A_21 = arith.addi %add3A_20, %arg1 : i32
    %mul3A_22 = arith.constant 125 : i32
    %mul3A_23 = arith.muli %add3A_21, %mul3A_22 : i32
    "tpu.region"() ({
      %run_scoped3A = tpu.sem_alloc : memref<!tpu.dma_semaphore, #tpu.memory_space<semaphore_mem>>
      %dma_start3A = arith.constant 0 : i32
      %dma_start3A_55 = tpu.memref_slice %arg9[%mul3A_23, %dma_start3A] : memref<10000x128xf32, #tpu.memory_space<vmem_shared>> -> memref<125x128xf32, #tpu.memory_space<vmem_shared>>
      %dma_start3A_56 = arith.constant 0 : i32
      %dma_start3A_57 = tpu.memref_slice %arg9[%mul3A_23, %dma_start3A_56] : memref<10000x128xf32, #tpu.memory_space<vmem_shared>> -> memref<125x128xf32, #tpu.memory_space<vmem_shared>>
      tpu.enqueue_dma source(%arg8 : memref<125x128xf32, #tpu.memory_space<vmem>>) target(%dma_start3A_57 : memref<125x128xf32, #tpu.memory_space<vmem_shared>>) target_semaphore(%run_scoped3A : memref<!tpu.dma_semaphore, #tpu.memory_space<semaphore_mem>>)
      %dma_wait3A = arith.constant 0 : i32
      %dma_wait3A_58 = tpu.memref_slice %arg9[%mul3A_23, %dma_wait3A] : memref<10000x128xf32, #tpu.memory_space<vmem_shared>> -> memref<125x128xf32, #tpu.memory_space<vmem_shared>>
      %dma_wait3A_59 = arith.constant 0 : i32
      %dma_wait3A_60 = tpu.memref_slice %arg9[%mul3A_23, %dma_wait3A_59] : memref<10000x128xf32, #tpu.memory_space<vmem_shared>> -> memref<125x128xf32, #tpu.memory_space<vmem_shared>>
      tpu.wait_dma2 semaphore(%run_scoped3A : memref<!tpu.dma_semaphore, #tpu.memory_space<semaphore_mem>>) src(%arg8 : memref<125x128xf32, #tpu.memory_space<vmem>>) dst(%dma_wait3A_60 : memref<125x128xf32, #tpu.memory_space<vmem_shared>>)
      tpu.yield
    }) : () -> ()
    %add3A_24 = arith.constant 64 : i32
    %add3A_25 = arith.addi %add3A_24, %arg1 : i32
    %mul3A_26 = arith.constant 125 : i32
    %mul3A_27 = arith.muli %add3A_25, %mul3A_26 : i32
    "tpu.region"() ({
      %run_scoped3A = tpu.sem_alloc : memref<!tpu.dma_semaphore, #tpu.memory_space<semaphore_mem>>
      %dma_start3A = arith.constant 0 : i32
      %dma_start3A_55 = tpu.memref_slice %arg9[%mul3A_27, %dma_start3A] : memref<10000x128xf32, #tpu.memory_space<vmem_shared>> -> memref<125x128xf32, #tpu.memory_space<vmem_shared>>
      %dma_start3A_56 = arith.constant 0 : i32
      %dma_start3A_57 = tpu.memref_slice %arg9[%mul3A_27, %dma_start3A_56] : memref<10000x128xf32, #tpu.memory_space<vmem_shared>> -> memref<125x128xf32, #tpu.memory_space<vmem_shared>>
      tpu.enqueue_dma source(%arg8 : memref<125x128xf32, #tpu.memory_space<vmem>>) target(%dma_start3A_57 : memref<125x128xf32, #tpu.memory_space<vmem_shared>>) target_semaphore(%run_scoped3A : memref<!tpu.dma_semaphore, #tpu.memory_space<semaphore_mem>>)
      %dma_wait3A = arith.constant 0 : i32
      %dma_wait3A_58 = tpu.memref_slice %arg9[%mul3A_27, %dma_wait3A] : memref<10000x128xf32, #tpu.memory_space<vmem_shared>> -> memref<125x128xf32, #tpu.memory_space<vmem_shared>>
      %dma_wait3A_59 = arith.constant 0 : i32
      %dma_wait3A_60 = tpu.memref_slice %arg9[%mul3A_27, %dma_wait3A_59] : memref<10000x128xf32, #tpu.memory_space<vmem_shared>> -> memref<125x128xf32, #tpu.memory_space<vmem_shared>>
      tpu.wait_dma2 semaphore(%run_scoped3A : memref<!tpu.dma_semaphore, #tpu.memory_space<semaphore_mem>>) src(%arg8 : memref<125x128xf32, #tpu.memory_space<vmem>>) dst(%dma_wait3A_60 : memref<125x128xf32, #tpu.memory_space<vmem_shared>>)
      tpu.yield
    }) : () -> ()
    %lt3A = arith.constant 0 : i32
    %lt3A_28 = arith.cmpi slt, %arg1, %lt3A : i32
    %convert_element_type3A = arith.extui %lt3A_28 : i1 to i32
    %cond3A = arith.constant 0 : i32
    %cond3A_29 = arith.cmpi ne, %convert_element_type3A, %cond3A : i32
    scf.if %cond3A_29 {
      %add3A_55 = arith.constant 80 : i32
      %add3A_56 = arith.addi %add3A_55, %arg1 : i32
      %mul3A_57 = arith.constant 125 : i32
      %mul3A_58 = arith.muli %add3A_56, %mul3A_57 : i32
      "tpu.region"() ({
        %run_scoped3A = tpu.sem_alloc : memref<!tpu.dma_semaphore, #tpu.memory_space<semaphore_mem>>
        %dma_start3A = arith.constant 0 : i32
        %dma_start3A_59 = tpu.memref_slice %arg9[%mul3A_58, %dma_start3A] : memref<10000x128xf32, #tpu.memory_space<vmem_shared>> -> memref<125x128xf32, #tpu.memory_space<vmem_shared>>
        %dma_start3A_60 = arith.constant 0 : i32
        %dma_start3A_61 = tpu.memref_slice %arg9[%mul3A_58, %dma_start3A_60] : memref<10000x128xf32, #tpu.memory_space<vmem_shared>> -> memref<125x128xf32, #tpu.memory_space<vmem_shared>>
        tpu.enqueue_dma source(%arg8 : memref<125x128xf32, #tpu.memory_space<vmem>>) target(%dma_start3A_61 : memref<125x128xf32, #tpu.memory_space<vmem_shared>>) target_semaphore(%run_scoped3A : memref<!tpu.dma_semaphore, #tpu.memory_space<semaphore_mem>>)
        %dma_wait3A = arith.constant 0 : i32
        %dma_wait3A_62 = tpu.memref_slice %arg9[%mul3A_58, %dma_wait3A] : memref<10000x128xf32, #tpu.memory_space<vmem_shared>> -> memref<125x128xf32, #tpu.memory_space<vmem_shared>>
        %dma_wait3A_63 = arith.constant 0 : i32
        %dma_wait3A_64 = tpu.memref_slice %arg9[%mul3A_58, %dma_wait3A_63] : memref<10000x128xf32, #tpu.memory_space<vmem_shared>> -> memref<125x128xf32, #tpu.memory_space<vmem_shared>>
        tpu.wait_dma2 semaphore(%run_scoped3A : memref<!tpu.dma_semaphore, #tpu.memory_space<semaphore_mem>>) src(%arg8 : memref<125x128xf32, #tpu.memory_space<vmem>>) dst(%dma_wait3A_64 : memref<125x128xf32, #tpu.memory_space<vmem_shared>>)
        tpu.yield
      }) : () -> ()
    } else {
    }
    "tpu.region"() ({
      %run_scoped3A = tpu.sem_alloc : memref<!tpu.dma_semaphore, #tpu.memory_space<semaphore_mem>>
      %dma_start3A = arith.constant 0 : i32
      %dma_start3A_55 = arith.constant 0 : i32
      %dma_start3A_56 = tpu.memref_slice %arg3[%add3A, %dma_start3A, %dma_start3A_55] : memref<32x80x125xi32, #tpu.memory_space<hbm>> -> memref<1x80x125xi32, #tpu.memory_space<hbm>>
      %dma_start3A_57 = tpu.memref_squeeze %dma_start3A_56 : memref<1x80x125xi32, #tpu.memory_space<hbm>> -> memref<80x125xi32, #tpu.memory_space<hbm>>
      %dma_start3A_58 = arith.constant 0 : i32
      %dma_start3A_59 = arith.constant 0 : i32
      %dma_start3A_60 = tpu.memref_slice %arg3[%add3A, %dma_start3A_58, %dma_start3A_59] : memref<32x80x125xi32, #tpu.memory_space<hbm>> -> memref<1x80x125xi32, #tpu.memory_space<hbm>>
      %dma_start3A_61 = tpu.memref_squeeze %dma_start3A_60 : memref<1x80x125xi32, #tpu.memory_space<hbm>> -> memref<80x125xi32, #tpu.memory_space<hbm>>
      tpu.enqueue_dma source(%dma_start3A_61 : memref<80x125xi32, #tpu.memory_space<hbm>>) target(%arg6 : memref<80x125xi32, #tpu.memory_space<vmem>>) target_semaphore(%run_scoped3A : memref<!tpu.dma_semaphore, #tpu.memory_space<semaphore_mem>>)
      %dma_wait3A = arith.constant 0 : i32
      %dma_wait3A_62 = arith.constant 0 : i32
      %dma_wait3A_63 = tpu.memref_slice %arg3[%add3A, %dma_wait3A, %dma_wait3A_62] : memref<32x80x125xi32, #tpu.memory_space<hbm>> -> memref<1x80x125xi32, #tpu.memory_space<hbm>>
      %dma_wait3A_64 = tpu.memref_squeeze %dma_wait3A_63 : memref<1x80x125xi32, #tpu.memory_space<hbm>> -> memref<80x125xi32, #tpu.memory_space<hbm>>
      %dma_wait3A_65 = arith.constant 0 : i32
      %dma_wait3A_66 = arith.constant 0 : i32
      %dma_wait3A_67 = tpu.memref_slice %arg3[%add3A, %dma_wait3A_65, %dma_wait3A_66] : memref<32x80x125xi32, #tpu.memory_space<hbm>> -> memref<1x80x125xi32, #tpu.memory_space<hbm>>
      %dma_wait3A_68 = tpu.memref_squeeze %dma_wait3A_67 : memref<1x80x125xi32, #tpu.memory_space<hbm>> -> memref<80x125xi32, #tpu.memory_space<hbm>>
      tpu.wait_dma2 semaphore(%run_scoped3A : memref<!tpu.dma_semaphore, #tpu.memory_space<semaphore_mem>>) src(%dma_wait3A_68 : memref<80x125xi32, #tpu.memory_space<hbm>>) dst(%arg6 : memref<80x125xi32, #tpu.memory_space<vmem>>)
      tpu.yield
    }) : () -> ()
    "tpu.region"() ({
      %run_scoped3A = tpu.sem_alloc : memref<!tpu.dma_semaphore, #tpu.memory_space<semaphore_mem>>
      %dma_start3A = arith.constant 0 : i32
      %dma_start3A_55 = arith.constant 0 : i32
      %dma_start3A_56 = tpu.memref_slice %arg4[%add3A, %dma_start3A, %dma_start3A_55] : memref<32x80x125xi32, #tpu.memory_space<hbm>> -> memref<1x80x125xi32, #tpu.memory_space<hbm>>
      %dma_start3A_57 = tpu.memref_squeeze %dma_start3A_56 : memref<1x80x125xi32, #tpu.memory_space<hbm>> -> memref<80x125xi32, #tpu.memory_space<hbm>>
      %dma_start3A_58 = arith.constant 0 : i32
      %dma_start3A_59 = arith.constant 0 : i32
      %dma_start3A_60 = tpu.memref_slice %arg4[%add3A, %dma_start3A_58, %dma_start3A_59] : memref<32x80x125xi32, #tpu.memory_space<hbm>> -> memref<1x80x125xi32, #tpu.memory_space<hbm>>
      %dma_start3A_61 = tpu.memref_squeeze %dma_start3A_60 : memref<1x80x125xi32, #tpu.memory_space<hbm>> -> memref<80x125xi32, #tpu.memory_space<hbm>>
      tpu.enqueue_dma source(%dma_start3A_61 : memref<80x125xi32, #tpu.memory_space<hbm>>) target(%arg7 : memref<80x125xi32, #tpu.memory_space<vmem>>) target_semaphore(%run_scoped3A : memref<!tpu.dma_semaphore, #tpu.memory_space<semaphore_mem>>)
      %dma_wait3A = arith.constant 0 : i32
      %dma_wait3A_62 = arith.constant 0 : i32
      %dma_wait3A_63 = tpu.memref_slice %arg4[%add3A, %dma_wait3A, %dma_wait3A_62] : memref<32x80x125xi32, #tpu.memory_space<hbm>> -> memref<1x80x125xi32, #tpu.memory_space<hbm>>
      %dma_wait3A_64 = tpu.memref_squeeze %dma_wait3A_63 : memref<1x80x125xi32, #tpu.memory_space<hbm>> -> memref<80x125xi32, #tpu.memory_space<hbm>>
      %dma_wait3A_65 = arith.constant 0 : i32
      %dma_wait3A_66 = arith.constant 0 : i32
      %dma_wait3A_67 = tpu.memref_slice %arg4[%add3A, %dma_wait3A_65, %dma_wait3A_66] : memref<32x80x125xi32, #tpu.memory_space<hbm>> -> memref<1x80x125xi32, #tpu.memory_space<hbm>>
      %dma_wait3A_68 = tpu.memref_squeeze %dma_wait3A_67 : memref<1x80x125xi32, #tpu.memory_space<hbm>> -> memref<80x125xi32, #tpu.memory_space<hbm>>
      tpu.wait_dma2 semaphore(%run_scoped3A : memref<!tpu.dma_semaphore, #tpu.memory_space<semaphore_mem>>) src(%dma_wait3A_68 : memref<80x125xi32, #tpu.memory_space<hbm>>) dst(%arg7 : memref<80x125xi32, #tpu.memory_space<vmem>>)
      tpu.yield
    }) : () -> ()
    %barrier3A = arith.constant 0 : index
    tpu.barrier barrier_id(%barrier3A)
    %scan3A_30 = arith.constant 0 : i32
    %scan3A_31 = arith.constant 0 : i32
    %scan3A_32 = arith.constant 80 : i32
    %scan3A_33 = arith.addi %scan3A_31, %scan3A_32 : i32
    %scan3A_34 = arith.constant 1 : i32
    %scan3A_35 = scf.for %scan3A_55 = %scan3A_31 to %scan3A_33 step %scan3A_34 iter_args(%scan3A_56 = %scan3A_30) -> (i32)  : i32 {
      %dma_start3A = arith.constant 0 : i32
      %dma_start3A_57 = tpu.memref_slice %arg6[%scan3A_55, %dma_start3A] : memref<80x125xi32, #tpu.memory_space<vmem>> -> memref<1x125xi32, #tpu.memory_space<vmem>>
      %dma_start3A_58 = tpu.memref_squeeze %dma_start3A_57 : memref<1x125xi32, #tpu.memory_space<vmem>> -> memref<125xi32, #tpu.memory_space<vmem>>
      %dma_start3A_59 = arith.constant 0 : i32
      %dma_start3A_60 = arith.constant 0 : i32
      %dma_start3A_61 = tpu.memref_slice %arg2[%dma_start3A_59, %dma_start3A_60] : memref<10000x128xf32, #tpu.memory_space<hbm>> -> memref<10000x128xf32, #tpu.memory_space<hbm>>
      tpu.enqueue_indirect_dma source(%dma_start3A_61 : memref<10000x128xf32, #tpu.memory_space<hbm>>) target(%arg8 : memref<125x128xf32, #tpu.memory_space<vmem>>) offsets(%dma_start3A_58 : memref<125xi32, #tpu.memory_space<vmem>>) semaphore(%arg10 : memref<!tpu.dma_semaphore, #tpu.memory_space<semaphore_mem>>)
      %dma_wait3A = arith.constant 0 : i32
      %dma_wait3A_62 = tpu.memref_slice %arg6[%scan3A_55, %dma_wait3A] : memref<80x125xi32, #tpu.memory_space<vmem>> -> memref<1x125xi32, #tpu.memory_space<vmem>>
      %dma_wait3A_63 = tpu.memref_squeeze %dma_wait3A_62 : memref<1x125xi32, #tpu.memory_space<vmem>> -> memref<125xi32, #tpu.memory_space<vmem>>
      %dma_wait3A_64 = arith.constant 0 : i32
      %dma_wait3A_65 = arith.constant 0 : i32
      %dma_wait3A_66 = tpu.memref_slice %arg2[%dma_wait3A_64, %dma_wait3A_65] : memref<10000x128xf32, #tpu.memory_space<hbm>> -> memref<10000x128xf32, #tpu.memory_space<hbm>>
      tpu.wait_indirect_dma semaphore(%arg10 : memref<!tpu.dma_semaphore, #tpu.memory_space<semaphore_mem>>) src(%dma_wait3A_66 : memref<10000x128xf32, #tpu.memory_space<hbm>>) dst(%arg8 : memref<125x128xf32, #tpu.memory_space<vmem>>)
      "tpu.region"() ({
        %run_scoped3A = tpu.sem_alloc : memref<!tpu.dma_semaphore, #tpu.memory_space<semaphore_mem>>
        %dma_start3A_68 = arith.constant 0 : i32
        %dma_start3A_69 = tpu.memref_slice %arg7[%scan3A_55, %dma_start3A_68] : memref<80x125xi32, #tpu.memory_space<vmem>> -> memref<1x125xi32, #tpu.memory_space<vmem>>
        %dma_start3A_70 = tpu.memref_squeeze %dma_start3A_69 : memref<1x125xi32, #tpu.memory_space<vmem>> -> memref<125xi32, #tpu.memory_space<vmem>>
        %dma_start3A_71 = arith.constant 0 : i32
        %dma_start3A_72 = arith.constant 0 : i32
        %dma_start3A_73 = tpu.memref_slice %arg9[%dma_start3A_71, %dma_start3A_72] : memref<10000x128xf32, #tpu.memory_space<vmem_shared>> -> memref<10000x128xf32, #tpu.memory_space<vmem_shared>>
        tpu.enqueue_indirect_dma source(%arg8 : memref<125x128xf32, #tpu.memory_space<vmem>>) target(%dma_start3A_73 : memref<10000x128xf32, #tpu.memory_space<vmem_shared>>) offsets(%dma_start3A_70 : memref<125xi32, #tpu.memory_space<vmem>>) semaphore(%run_scoped3A : memref<!tpu.dma_semaphore, #tpu.memory_space<semaphore_mem>>) {add = true}
        %dma_wait3A_74 = arith.constant 0 : i32
        %dma_wait3A_75 = tpu.memref_slice %arg7[%scan3A_55, %dma_wait3A_74] : memref<80x125xi32, #tpu.memory_space<vmem>> -> memref<1x125xi32, #tpu.memory_space<vmem>>
        %dma_wait3A_76 = tpu.memref_squeeze %dma_wait3A_75 : memref<1x125xi32, #tpu.memory_space<vmem>> -> memref<125xi32, #tpu.memory_space<vmem>>
        %dma_wait3A_77 = arith.constant 0 : i32
        %dma_wait3A_78 = arith.constant 0 : i32
        %dma_wait3A_79 = tpu.memref_slice %arg9[%dma_wait3A_77, %dma_wait3A_78] : memref<10000x128xf32, #tpu.memory_space<vmem_shared>> -> memref<10000x128xf32, #tpu.memory_space<vmem_shared>>
        tpu.wait_indirect_dma semaphore(%run_scoped3A : memref<!tpu.dma_semaphore, #tpu.memory_space<semaphore_mem>>) src(%arg8 : memref<125x128xf32, #tpu.memory_space<vmem>>) dst(%dma_wait3A_79 : memref<10000x128xf32, #tpu.memory_space<vmem_shared>>)
        tpu.yield
      }) : () -> ()
      %scan3A_67 = arith.constant 0 : i32
      scf.yield %scan3A_67 : i32
    }
    %scan3A_36 = arith.constant 80 : i32
    %barrier3A_37 = arith.constant 0 : index
    tpu.barrier barrier_id(%barrier3A_37)
    %add3A_38 = arith.constant 0 : i32
    %add3A_39 = arith.addi %add3A_38, %arg1 : i32
    %mul3A_40 = arith.constant 200 : i32
    %mul3A_41 = arith.muli %add3A_39, %mul3A_40 : i32
    "tpu.region"() ({
      %run_scoped3A = tpu.sem_alloc : memref<!tpu.dma_semaphore, #tpu.memory_space<semaphore_mem>>
      %dma_start3A = arith.constant 0 : i32
      %dma_start3A_55 = tpu.memref_slice %arg5[%arg0, %mul3A_41, %dma_start3A] : memref<2x10000x128xf32, #tpu.memory_space<hbm>> -> memref<1x200x128xf32, #tpu.memory_space<hbm>>
      %dma_start3A_56 = tpu.memref_squeeze %dma_start3A_55 : memref<1x200x128xf32, #tpu.memory_space<hbm>> -> memref<200x128xf32, #tpu.memory_space<hbm>>
      %dma_start3A_57 = arith.constant 0 : i32
      %dma_start3A_58 = tpu.memref_slice %arg9[%mul3A_41, %dma_start3A_57] : memref<10000x128xf32, #tpu.memory_space<vmem_shared>> -> memref<200x128xf32, #tpu.memory_space<vmem_shared>>
      tpu.enqueue_dma source(%dma_start3A_58 : memref<200x128xf32, #tpu.memory_space<vmem_shared>>) target(%dma_start3A_56 : memref<200x128xf32, #tpu.memory_space<hbm>>) target_semaphore(%run_scoped3A : memref<!tpu.dma_semaphore, #tpu.memory_space<semaphore_mem>>)
      %dma_wait3A = arith.constant 0 : i32
      %dma_wait3A_59 = tpu.memref_slice %arg5[%arg0, %mul3A_41, %dma_wait3A] : memref<2x10000x128xf32, #tpu.memory_space<hbm>> -> memref<1x200x128xf32, #tpu.memory_space<hbm>>
      %dma_wait3A_60 = tpu.memref_squeeze %dma_wait3A_59 : memref<1x200x128xf32, #tpu.memory_space<hbm>> -> memref<200x128xf32, #tpu.memory_space<hbm>>
      %dma_wait3A_61 = arith.constant 0 : i32
      %dma_wait3A_62 = tpu.memref_slice %arg9[%mul3A_41, %dma_wait3A_61] : memref<10000x128xf32, #tpu.memory_space<vmem_shared>> -> memref<200x128xf32, #tpu.memory_space<vmem_shared>>
      tpu.wait_dma2 semaphore(%run_scoped3A : memref<!tpu.dma_semaphore, #tpu.memory_space<semaphore_mem>>) src(%dma_wait3A_62 : memref<200x128xf32, #tpu.memory_space<vmem_shared>>) dst(%dma_wait3A_60 : memref<200x128xf32, #tpu.memory_space<hbm>>)
      tpu.yield
    }) : () -> ()
    %add3A_42 = arith.constant 16 : i32
    %add3A_43 = arith.addi %add3A_42, %arg1 : i32
    %mul3A_44 = arith.constant 200 : i32
    %mul3A_45 = arith.muli %add3A_43, %mul3A_44 : i32
    "tpu.region"() ({
      %run_scoped3A = tpu.sem_alloc : memref<!tpu.dma_semaphore, #tpu.memory_space<semaphore_mem>>
      %dma_start3A = arith.constant 0 : i32
      %dma_start3A_55 = tpu.memref_slice %arg5[%arg0, %mul3A_45, %dma_start3A] : memref<2x10000x128xf32, #tpu.memory_space<hbm>> -> memref<1x200x128xf32, #tpu.memory_space<hbm>>
      %dma_start3A_56 = tpu.memref_squeeze %dma_start3A_55 : memref<1x200x128xf32, #tpu.memory_space<hbm>> -> memref<200x128xf32, #tpu.memory_space<hbm>>
      %dma_start3A_57 = arith.constant 0 : i32
      %dma_start3A_58 = tpu.memref_slice %arg9[%mul3A_45, %dma_start3A_57] : memref<10000x128xf32, #tpu.memory_space<vmem_shared>> -> memref<200x128xf32, #tpu.memory_space<vmem_shared>>
      tpu.enqueue_dma source(%dma_start3A_58 : memref<200x128xf32, #tpu.memory_space<vmem_shared>>) target(%dma_start3A_56 : memref<200x128xf32, #tpu.memory_space<hbm>>) target_semaphore(%run_scoped3A : memref<!tpu.dma_semaphore, #tpu.memory_space<semaphore_mem>>)
      %dma_wait3A = arith.constant 0 : i32
      %dma_wait3A_59 = tpu.memref_slice %arg5[%arg0, %mul3A_45, %dma_wait3A] : memref<2x10000x128xf32, #tpu.memory_space<hbm>> -> memref<1x200x128xf32, #tpu.memory_space<hbm>>
      %dma_wait3A_60 = tpu.memref_squeeze %dma_wait3A_59 : memref<1x200x128xf32, #tpu.memory_space<hbm>> -> memref<200x128xf32, #tpu.memory_space<hbm>>
      %dma_wait3A_61 = arith.constant 0 : i32
      %dma_wait3A_62 = tpu.memref_slice %arg9[%mul3A_45, %dma_wait3A_61] : memref<10000x128xf32, #tpu.memory_space<vmem_shared>> -> memref<200x128xf32, #tpu.memory_space<vmem_shared>>
      tpu.wait_dma2 semaphore(%run_scoped3A : memref<!tpu.dma_semaphore, #tpu.memory_space<semaphore_mem>>) src(%dma_wait3A_62 : memref<200x128xf32, #tpu.memory_space<vmem_shared>>) dst(%dma_wait3A_60 : memref<200x128xf32, #tpu.memory_space<hbm>>)
      tpu.yield
    }) : () -> ()
    %add3A_46 = arith.constant 32 : i32
    %add3A_47 = arith.addi %add3A_46, %arg1 : i32
    %mul3A_48 = arith.constant 200 : i32
    %mul3A_49 = arith.muli %add3A_47, %mul3A_48 : i32
    "tpu.region"() ({
      %run_scoped3A = tpu.sem_alloc : memref<!tpu.dma_semaphore, #tpu.memory_space<semaphore_mem>>
      %dma_start3A = arith.constant 0 : i32
      %dma_start3A_55 = tpu.memref_slice %arg5[%arg0, %mul3A_49, %dma_start3A] : memref<2x10000x128xf32, #tpu.memory_space<hbm>> -> memref<1x200x128xf32, #tpu.memory_space<hbm>>
      %dma_start3A_56 = tpu.memref_squeeze %dma_start3A_55 : memref<1x200x128xf32, #tpu.memory_space<hbm>> -> memref<200x128xf32, #tpu.memory_space<hbm>>
      %dma_start3A_57 = arith.constant 0 : i32
      %dma_start3A_58 = tpu.memref_slice %arg9[%mul3A_49, %dma_start3A_57] : memref<10000x128xf32, #tpu.memory_space<vmem_shared>> -> memref<200x128xf32, #tpu.memory_space<vmem_shared>>
      tpu.enqueue_dma source(%dma_start3A_58 : memref<200x128xf32, #tpu.memory_space<vmem_shared>>) target(%dma_start3A_56 : memref<200x128xf32, #tpu.memory_space<hbm>>) target_semaphore(%run_scoped3A : memref<!tpu.dma_semaphore, #tpu.memory_space<semaphore_mem>>)
      %dma_wait3A = arith.constant 0 : i32
      %dma_wait3A_59 = tpu.memref_slice %arg5[%arg0, %mul3A_49, %dma_wait3A] : memref<2x10000x128xf32, #tpu.memory_space<hbm>> -> memref<1x200x128xf32, #tpu.memory_space<hbm>>
      %dma_wait3A_60 = tpu.memref_squeeze %dma_wait3A_59 : memref<1x200x128xf32, #tpu.memory_space<hbm>> -> memref<200x128xf32, #tpu.memory_space<hbm>>
      %dma_wait3A_61 = arith.constant 0 : i32
      %dma_wait3A_62 = tpu.memref_slice %arg9[%mul3A_49, %dma_wait3A_61] : memref<10000x128xf32, #tpu.memory_space<vmem_shared>> -> memref<200x128xf32, #tpu.memory_space<vmem_shared>>
      tpu.wait_dma2 semaphore(%run_scoped3A : memref<!tpu.dma_semaphore, #tpu.memory_space<semaphore_mem>>) src(%dma_wait3A_62 : memref<200x128xf32, #tpu.memory_space<vmem_shared>>) dst(%dma_wait3A_60 : memref<200x128xf32, #tpu.memory_space<hbm>>)
      tpu.yield
    }) : () -> ()
    %lt3A_50 = arith.constant 2 : i32
    %lt3A_51 = arith.cmpi slt, %arg1, %lt3A_50 : i32
    %convert_element_type3A_52 = arith.extui %lt3A_51 : i1 to i32
    %cond3A_53 = arith.constant 0 : i32
    %cond3A_54 = arith.cmpi ne, %convert_element_type3A_52, %cond3A_53 : i32
    scf.if %cond3A_54 {
      %add3A_55 = arith.constant 48 : i32
      %add3A_56 = arith.addi %add3A_55, %arg1 : i32
      %mul3A_57 = arith.constant 200 : i32
      %mul3A_58 = arith.muli %add3A_56, %mul3A_57 : i32
      "tpu.region"() ({
        %run_scoped3A = tpu.sem_alloc : memref<!tpu.dma_semaphore, #tpu.memory_space<semaphore_mem>>
        %dma_start3A = arith.constant 0 : i32
        %dma_start3A_59 = tpu.memref_slice %arg5[%arg0, %mul3A_58, %dma_start3A] : memref<2x10000x128xf32, #tpu.memory_space<hbm>> -> memref<1x200x128xf32, #tpu.memory_space<hbm>>
        %dma_start3A_60 = tpu.memref_squeeze %dma_start3A_59 : memref<1x200x128xf32, #tpu.memory_space<hbm>> -> memref<200x128xf32, #tpu.memory_space<hbm>>
        %dma_start3A_61 = arith.constant 0 : i32
        %dma_start3A_62 = tpu.memref_slice %arg9[%mul3A_58, %dma_start3A_61] : memref<10000x128xf32, #tpu.memory_space<vmem_shared>> -> memref<200x128xf32, #tpu.memory_space<vmem_shared>>
        tpu.enqueue_dma source(%dma_start3A_62 : memref<200x128xf32, #tpu.memory_space<vmem_shared>>) target(%dma_start3A_60 : memref<200x128xf32, #tpu.memory_space<hbm>>) target_semaphore(%run_scoped3A : memref<!tpu.dma_semaphore, #tpu.memory_space<semaphore_mem>>)
        %dma_wait3A = arith.constant 0 : i32
        %dma_wait3A_63 = tpu.memref_slice %arg5[%arg0, %mul3A_58, %dma_wait3A] : memref<2x10000x128xf32, #tpu.memory_space<hbm>> -> memref<1x200x128xf32, #tpu.memory_space<hbm>>
        %dma_wait3A_64 = tpu.memref_squeeze %dma_wait3A_63 : memref<1x200x128xf32, #tpu.memory_space<hbm>> -> memref<200x128xf32, #tpu.memory_space<hbm>>
        %dma_wait3A_65 = arith.constant 0 : i32
        %dma_wait3A_66 = tpu.memref_slice %arg9[%mul3A_58, %dma_wait3A_65] : memref<10000x128xf32, #tpu.memory_space<vmem_shared>> -> memref<200x128xf32, #tpu.memory_space<vmem_shared>>
        tpu.wait_dma2 semaphore(%run_scoped3A : memref<!tpu.dma_semaphore, #tpu.memory_space<semaphore_mem>>) src(%dma_wait3A_66 : memref<200x128xf32, #tpu.memory_space<vmem_shared>>) dst(%dma_wait3A_64 : memref<200x128xf32, #tpu.memory_space<hbm>>)
        tpu.yield
      }) : () -> ()
    } else {
    }
    return
  }
}

#map = affine_map<(d0, d1) -> (0, 0)>
#map1 = affine_map<(d0, d1) -> (0, 0, 0)>
module attributes {stable_mosaic.version = 14 : i64} {
  func.func @_sc_agg_body(%arg0: i32, %arg1: i32, %arg2: memref<10000x128xf32, #tpu.memory_space<hbm>>, %arg3: memref<32x80x125xi32, #tpu.memory_space<hbm>>, %arg4: memref<32x80x125xi32, #tpu.memory_space<hbm>>, %arg5: memref<2x10000x128xf32, #tpu.memory_space<hbm>>, %arg6: memref<80x125xi32, #tpu.memory_space<vmem>>, %arg7: memref<80x125xi32, #tpu.memory_space<vmem>>, %arg8: memref<125x128xf32, #tpu.memory_space<vmem>>, %arg9: memref<10000x128xf32, #tpu.memory_space<vmem_shared>>, %arg10: memref<!tpu.dma_semaphore, #tpu.memory_space<semaphore_mem>>) attributes {dimension_semantics = [#tpu.dimension_semantics<core_parallel>, #tpu.dimension_semantics<subcore_parallel>], iteration_bounds = array<i64: 2, 16>, scalar_prefetch = 0 : i64, scratch_operands = 5 : i64, tpu.core_type = #tpu.core_type<sc_vector_subcore>, window_params = [{transform_indices = #map}, {transform_indices = #map1}, {transform_indices = #map1}, {transform_indices = #map1}]} {
    %mul3A = arith.constant 2 : i32
    %mul3A_0 = arith.muli %arg1, %mul3A : i32
    %add3A = arith.addi %mul3A_0, %arg0 : i32
    %broadcast_in_dim3A = arith.constant 0.000000e+00 : f32
    %broadcast_in_dim3A_1 = vector.broadcast %broadcast_in_dim3A : f32 to vector<16xf32>
    %scan3A = arith.constant 0 : i32
    %scan3A_2 = arith.constant 0 : i32
    %scan3A_3 = arith.constant 125 : i32
    %scan3A_4 = arith.addi %scan3A_2, %scan3A_3 : i32
    %scan3A_5 = arith.constant 1 : i32
    %scan3A_6 = scf.for %scan3A_55 = %scan3A_2 to %scan3A_4 step %scan3A_5 iter_args(%scan3A_56 = %scan3A) -> (i32)  : i32 {
      %swap3A = arith.index_cast %scan3A_55 : i32 to index
      %swap3A_57 = arith.constant 0 : index
      %swap3A_58 = tpu.vector_load %arg8[%swap3A, %swap3A_57] {strides = array<i32>} : memref<125x128xf32, #tpu.memory_space<vmem>>, vector<1x16xf32>,
      %swap3A_59 = vector.shape_cast %swap3A_58 : vector<1x16xf32> to vector<16xf32>
      %swap3A_60 = vector.shape_cast %broadcast_in_dim3A_1 : vector<16xf32> to vector<1x16xf32>
      tpu.vector_store %arg8[%swap3A, %swap3A_57], %swap3A_60 {strides = array<i32>} : memref<125x128xf32, #tpu.memory_space<vmem>>, vector<1x16xf32>,
      %swap3A_61 = arith.index_cast %scan3A_55 : i32 to index
      %swap3A_62 = arith.constant 16 : index
      %swap3A_63 = tpu.vector_load %arg8[%swap3A_61, %swap3A_62] {strides = array<i32>} : memref<125x128xf32, #tpu.memory_space<vmem>>, vector<1x16xf32>,
      %swap3A_64 = vector.shape_cast %swap3A_63 : vector<1x16xf32> to vector<16xf32>
      %swap3A_65 = vector.shape_cast %broadcast_in_dim3A_1 : vector<16xf32> to vector<1x16xf32>
      tpu.vector_store %arg8[%swap3A_61, %swap3A_62], %swap3A_65 {strides = array<i32>} : memref<125x128xf32, #tpu.memory_space<vmem>>, vector<1x16xf32>,
      %swap3A_66 = arith.index_cast %scan3A_55 : i32 to index
      %swap3A_67 = arith.constant 32 : index
      %swap3A_68 = tpu.vector_load %arg8[%swap3A_66, %swap3A_67] {strides = array<i32>} : memref<125x128xf32, #tpu.memory_space<vmem>>, vector<1x16xf32>,
      %swap3A_69 = vector.shape_cast %swap3A_68 : vector<1x16xf32> to vector<16xf32>
      %swap3A_70 = vector.shape_cast %broadcast_in_dim3A_1 : vector<16xf32> to vector<1x16xf32>
      tpu.vector_store %arg8[%swap3A_66, %swap3A_67], %swap3A_70 {strides = array<i32>} : memref<125x128xf32, #tpu.memory_space<vmem>>, vector<1x16xf32>,
      %swap3A_71 = arith.index_cast %scan3A_55 : i32 to index
      %swap3A_72 = arith.constant 48 : index
      %swap3A_73 = tpu.vector_load %arg8[%swap3A_71, %swap3A_72] {strides = array<i32>} : memref<125x128xf32, #tpu.memory_space<vmem>>, vector<1x16xf32>,
      %swap3A_74 = vector.shape_cast %swap3A_73 : vector<1x16xf32> to vector<16xf32>
      %swap3A_75 = vector.shape_cast %broadcast_in_dim3A_1 : vector<16xf32> to vector<1x16xf32>
      tpu.vector_store %arg8[%swap3A_71, %swap3A_72], %swap3A_75 {strides = array<i32>} : memref<125x128xf32, #tpu.memory_space<vmem>>, vector<1x16xf32>,
      %swap3A_76 = arith.index_cast %scan3A_55 : i32 to index
      %swap3A_77 = arith.constant 64 : index
      %swap3A_78 = tpu.vector_load %arg8[%swap3A_76, %swap3A_77] {strides = array<i32>} : memref<125x128xf32, #tpu.memory_space<vmem>>, vector<1x16xf32>,
      %swap3A_79 = vector.shape_cast %swap3A_78 : vector<1x16xf32> to vector<16xf32>
      %swap3A_80 = vector.shape_cast %broadcast_in_dim3A_1 : vector<16xf32> to vector<1x16xf32>
      tpu.vector_store %arg8[%swap3A_76, %swap3A_77], %swap3A_80 {strides = array<i32>} : memref<125x128xf32, #tpu.memory_space<vmem>>, vector<1x16xf32>,
      %swap3A_81 = arith.index_cast %scan3A_55 : i32 to index
      %swap3A_82 = arith.constant 80 : index
      %swap3A_83 = tpu.vector_load %arg8[%swap3A_81, %swap3A_82] {strides = array<i32>} : memref<125x128xf32, #tpu.memory_space<vmem>>, vector<1x16xf32>,
      %swap3A_84 = vector.shape_cast %swap3A_83 : vector<1x16xf32> to vector<16xf32>
      %swap3A_85 = vector.shape_cast %broadcast_in_dim3A_1 : vector<16xf32> to vector<1x16xf32>
      tpu.vector_store %arg8[%swap3A_81, %swap3A_82], %swap3A_85 {strides = array<i32>} : memref<125x128xf32, #tpu.memory_space<vmem>>, vector<1x16xf32>,
      %swap3A_86 = arith.index_cast %scan3A_55 : i32 to index
      %swap3A_87 = arith.constant 96 : index
      %swap3A_88 = tpu.vector_load %arg8[%swap3A_86, %swap3A_87] {strides = array<i32>} : memref<125x128xf32, #tpu.memory_space<vmem>>, vector<1x16xf32>,
      %swap3A_89 = vector.shape_cast %swap3A_88 : vector<1x16xf32> to vector<16xf32>
      %swap3A_90 = vector.shape_cast %broadcast_in_dim3A_1 : vector<16xf32> to vector<1x16xf32>
      tpu.vector_store %arg8[%swap3A_86, %swap3A_87], %swap3A_90 {strides = array<i32>} : memref<125x128xf32, #tpu.memory_space<vmem>>, vector<1x16xf32>,
      %swap3A_91 = arith.index_cast %scan3A_55 : i32 to index
      %swap3A_92 = arith.constant 112 : index
      %swap3A_93 = tpu.vector_load %arg8[%swap3A_91, %swap3A_92] {strides = array<i32>} : memref<125x128xf32, #tpu.memory_space<vmem>>, vector<1x16xf32>,
      %swap3A_94 = vector.shape_cast %swap3A_93 : vector<1x16xf32> to vector<16xf32>
      %swap3A_95 = vector.shape_cast %broadcast_in_dim3A_1 : vector<16xf32> to vector<1x16xf32>
      tpu.vector_store %arg8[%swap3A_91, %swap3A_92], %swap3A_95 {strides = array<i32>} : memref<125x128xf32, #tpu.memory_space<vmem>>, vector<1x16xf32>,
      %scan3A_96 = arith.constant 0 : i32
      scf.yield %scan3A_96 : i32
    }
    %scan3A_7 = arith.constant 125 : i32
    %add3A_8 = arith.constant 0 : i32
    %add3A_9 = arith.addi %add3A_8, %arg1 : i32
    %mul3A_10 = arith.constant 125 : i32
    %mul3A_11 = arith.muli %add3A_9, %mul3A_10 : i32
    "tpu.region"() ({
      %run_scoped3A = tpu.sem_alloc : memref<!tpu.dma_semaphore, #tpu.memory_space<semaphore_mem>>
      %dma_start3A = arith.constant 0 : i32
      %dma_start3A_55 = tpu.memref_slice %arg9[%mul3A_11, %dma_start3A] : memref<10000x128xf32, #tpu.memory_space<vmem_shared>> -> memref<125x128xf32, #tpu.memory_space<vmem_shared>>
      %dma_start3A_56 = arith.constant 0 : i32
      %dma_start3A_57 = tpu.memref_slice %arg9[%mul3A_11, %dma_start3A_56] : memref<10000x128xf32, #tpu.memory_space<vmem_shared>> -> memref<125x128xf32, #tpu.memory_space<vmem_shared>>
      tpu.enqueue_dma source(%arg8 : memref<125x128xf32, #tpu.memory_space<vmem>>) target(%dma_start3A_57 : memref<125x128xf32, #tpu.memory_space<vmem_shared>>) target_semaphore(%run_scoped3A : memref<!tpu.dma_semaphore, #tpu.memory_space<semaphore_mem>>)
      %dma_wait3A = arith.constant 0 : i32
      %dma_wait3A_58 = tpu.memref_slice %arg9[%mul3A_11, %dma_wait3A] : memref<10000x128xf32, #tpu.memory_space<vmem_shared>> -> memref<125x128xf32, #tpu.memory_space<vmem_shared>>
      %dma_wait3A_59 = arith.constant 0 : i32
      %dma_wait3A_60 = tpu.memref_slice %arg9[%mul3A_11, %dma_wait3A_59] : memref<10000x128xf32, #tpu.memory_space<vmem_shared>> -> memref<125x128xf32, #tpu.memory_space<vmem_shared>>
      tpu.wait_dma2 semaphore(%run_scoped3A : memref<!tpu.dma_semaphore, #tpu.memory_space<semaphore_mem>>) src(%arg8 : memref<125x128xf32, #tpu.memory_space<vmem>>) dst(%dma_wait3A_60 : memref<125x128xf32, #tpu.memory_space<vmem_shared>>)
      tpu.yield
    }) : () -> ()
    %add3A_12 = arith.constant 16 : i32
    %add3A_13 = arith.addi %add3A_12, %arg1 : i32
    %mul3A_14 = arith.constant 125 : i32
    %mul3A_15 = arith.muli %add3A_13, %mul3A_14 : i32
    "tpu.region"() ({
      %run_scoped3A = tpu.sem_alloc : memref<!tpu.dma_semaphore, #tpu.memory_space<semaphore_mem>>
      %dma_start3A = arith.constant 0 : i32
      %dma_start3A_55 = tpu.memref_slice %arg9[%mul3A_15, %dma_start3A] : memref<10000x128xf32, #tpu.memory_space<vmem_shared>> -> memref<125x128xf32, #tpu.memory_space<vmem_shared>>
      %dma_start3A_56 = arith.constant 0 : i32
      %dma_start3A_57 = tpu.memref_slice %arg9[%mul3A_15, %dma_start3A_56] : memref<10000x128xf32, #tpu.memory_space<vmem_shared>> -> memref<125x128xf32, #tpu.memory_space<vmem_shared>>
      tpu.enqueue_dma source(%arg8 : memref<125x128xf32, #tpu.memory_space<vmem>>) target(%dma_start3A_57 : memref<125x128xf32, #tpu.memory_space<vmem_shared>>) target_semaphore(%run_scoped3A : memref<!tpu.dma_semaphore, #tpu.memory_space<semaphore_mem>>)
      %dma_wait3A = arith.constant 0 : i32
      %dma_wait3A_58 = tpu.memref_slice %arg9[%mul3A_15, %dma_wait3A] : memref<10000x128xf32, #tpu.memory_space<vmem_shared>> -> memref<125x128xf32, #tpu.memory_space<vmem_shared>>
      %dma_wait3A_59 = arith.constant 0 : i32
      %dma_wait3A_60 = tpu.memref_slice %arg9[%mul3A_15, %dma_wait3A_59] : memref<10000x128xf32, #tpu.memory_space<vmem_shared>> -> memref<125x128xf32, #tpu.memory_space<vmem_shared>>
      tpu.wait_dma2 semaphore(%run_scoped3A : memref<!tpu.dma_semaphore, #tpu.memory_space<semaphore_mem>>) src(%arg8 : memref<125x128xf32, #tpu.memory_space<vmem>>) dst(%dma_wait3A_60 : memref<125x128xf32, #tpu.memory_space<vmem_shared>>)
      tpu.yield
    }) : () -> ()
    %add3A_16 = arith.constant 32 : i32
    %add3A_17 = arith.addi %add3A_16, %arg1 : i32
    %mul3A_18 = arith.constant 125 : i32
    %mul3A_19 = arith.muli %add3A_17, %mul3A_18 : i32
    "tpu.region"() ({
      %run_scoped3A = tpu.sem_alloc : memref<!tpu.dma_semaphore, #tpu.memory_space<semaphore_mem>>
      %dma_start3A = arith.constant 0 : i32
      %dma_start3A_55 = tpu.memref_slice %arg9[%mul3A_19, %dma_start3A] : memref<10000x128xf32, #tpu.memory_space<vmem_shared>> -> memref<125x128xf32, #tpu.memory_space<vmem_shared>>
      %dma_start3A_56 = arith.constant 0 : i32
      %dma_start3A_57 = tpu.memref_slice %arg9[%mul3A_19, %dma_start3A_56] : memref<10000x128xf32, #tpu.memory_space<vmem_shared>> -> memref<125x128xf32, #tpu.memory_space<vmem_shared>>
      tpu.enqueue_dma source(%arg8 : memref<125x128xf32, #tpu.memory_space<vmem>>) target(%dma_start3A_57 : memref<125x128xf32, #tpu.memory_space<vmem_shared>>) target_semaphore(%run_scoped3A : memref<!tpu.dma_semaphore, #tpu.memory_space<semaphore_mem>>)
      %dma_wait3A = arith.constant 0 : i32
      %dma_wait3A_58 = tpu.memref_slice %arg9[%mul3A_19, %dma_wait3A] : memref<10000x128xf32, #tpu.memory_space<vmem_shared>> -> memref<125x128xf32, #tpu.memory_space<vmem_shared>>
      %dma_wait3A_59 = arith.constant 0 : i32
      %dma_wait3A_60 = tpu.memref_slice %arg9[%mul3A_19, %dma_wait3A_59] : memref<10000x128xf32, #tpu.memory_space<vmem_shared>> -> memref<125x128xf32, #tpu.memory_space<vmem_shared>>
      tpu.wait_dma2 semaphore(%run_scoped3A : memref<!tpu.dma_semaphore, #tpu.memory_space<semaphore_mem>>) src(%arg8 : memref<125x128xf32, #tpu.memory_space<vmem>>) dst(%dma_wait3A_60 : memref<125x128xf32, #tpu.memory_space<vmem_shared>>)
      tpu.yield
    }) : () -> ()
    %add3A_20 = arith.constant 48 : i32
    %add3A_21 = arith.addi %add3A_20, %arg1 : i32
    %mul3A_22 = arith.constant 125 : i32
    %mul3A_23 = arith.muli %add3A_21, %mul3A_22 : i32
    "tpu.region"() ({
      %run_scoped3A = tpu.sem_alloc : memref<!tpu.dma_semaphore, #tpu.memory_space<semaphore_mem>>
      %dma_start3A = arith.constant 0 : i32
      %dma_start3A_55 = tpu.memref_slice %arg9[%mul3A_23, %dma_start3A] : memref<10000x128xf32, #tpu.memory_space<vmem_shared>> -> memref<125x128xf32, #tpu.memory_space<vmem_shared>>
      %dma_start3A_56 = arith.constant 0 : i32
      %dma_start3A_57 = tpu.memref_slice %arg9[%mul3A_23, %dma_start3A_56] : memref<10000x128xf32, #tpu.memory_space<vmem_shared>> -> memref<125x128xf32, #tpu.memory_space<vmem_shared>>
      tpu.enqueue_dma source(%arg8 : memref<125x128xf32, #tpu.memory_space<vmem>>) target(%dma_start3A_57 : memref<125x128xf32, #tpu.memory_space<vmem_shared>>) target_semaphore(%run_scoped3A : memref<!tpu.dma_semaphore, #tpu.memory_space<semaphore_mem>>)
      %dma_wait3A = arith.constant 0 : i32
      %dma_wait3A_58 = tpu.memref_slice %arg9[%mul3A_23, %dma_wait3A] : memref<10000x128xf32, #tpu.memory_space<vmem_shared>> -> memref<125x128xf32, #tpu.memory_space<vmem_shared>>
      %dma_wait3A_59 = arith.constant 0 : i32
      %dma_wait3A_60 = tpu.memref_slice %arg9[%mul3A_23, %dma_wait3A_59] : memref<10000x128xf32, #tpu.memory_space<vmem_shared>> -> memref<125x128xf32, #tpu.memory_space<vmem_shared>>
      tpu.wait_dma2 semaphore(%run_scoped3A : memref<!tpu.dma_semaphore, #tpu.memory_space<semaphore_mem>>) src(%arg8 : memref<125x128xf32, #tpu.memory_space<vmem>>) dst(%dma_wait3A_60 : memref<125x128xf32, #tpu.memory_space<vmem_shared>>)
      tpu.yield
    }) : () -> ()
    %add3A_24 = arith.constant 64 : i32
    %add3A_25 = arith.addi %add3A_24, %arg1 : i32
    %mul3A_26 = arith.constant 125 : i32
    %mul3A_27 = arith.muli %add3A_25, %mul3A_26 : i32
    "tpu.region"() ({
      %run_scoped3A = tpu.sem_alloc : memref<!tpu.dma_semaphore, #tpu.memory_space<semaphore_mem>>
      %dma_start3A = arith.constant 0 : i32
      %dma_start3A_55 = tpu.memref_slice %arg9[%mul3A_27, %dma_start3A] : memref<10000x128xf32, #tpu.memory_space<vmem_shared>> -> memref<125x128xf32, #tpu.memory_space<vmem_shared>>
      %dma_start3A_56 = arith.constant 0 : i32
      %dma_start3A_57 = tpu.memref_slice %arg9[%mul3A_27, %dma_start3A_56] : memref<10000x128xf32, #tpu.memory_space<vmem_shared>> -> memref<125x128xf32, #tpu.memory_space<vmem_shared>>
      tpu.enqueue_dma source(%arg8 : memref<125x128xf32, #tpu.memory_space<vmem>>) target(%dma_start3A_57 : memref<125x128xf32, #tpu.memory_space<vmem_shared>>) target_semaphore(%run_scoped3A : memref<!tpu.dma_semaphore, #tpu.memory_space<semaphore_mem>>)
      %dma_wait3A = arith.constant 0 : i32
      %dma_wait3A_58 = tpu.memref_slice %arg9[%mul3A_27, %dma_wait3A] : memref<10000x128xf32, #tpu.memory_space<vmem_shared>> -> memref<125x128xf32, #tpu.memory_space<vmem_shared>>
      %dma_wait3A_59 = arith.constant 0 : i32
      %dma_wait3A_60 = tpu.memref_slice %arg9[%mul3A_27, %dma_wait3A_59] : memref<10000x128xf32, #tpu.memory_space<vmem_shared>> -> memref<125x128xf32, #tpu.memory_space<vmem_shared>>
      tpu.wait_dma2 semaphore(%run_scoped3A : memref<!tpu.dma_semaphore, #tpu.memory_space<semaphore_mem>>) src(%arg8 : memref<125x128xf32, #tpu.memory_space<vmem>>) dst(%dma_wait3A_60 : memref<125x128xf32, #tpu.memory_space<vmem_shared>>)
      tpu.yield
    }) : () -> ()
    %lt3A = arith.constant 0 : i32
    %lt3A_28 = arith.cmpi slt, %arg1, %lt3A : i32
    %convert_element_type3A = arith.extui %lt3A_28 : i1 to i32
    %cond3A = arith.constant 0 : i32
    %cond3A_29 = arith.cmpi ne, %convert_element_type3A, %cond3A : i32
    scf.if %cond3A_29 {
      %add3A_55 = arith.constant 80 : i32
      %add3A_56 = arith.addi %add3A_55, %arg1 : i32
      %mul3A_57 = arith.constant 125 : i32
      %mul3A_58 = arith.muli %add3A_56, %mul3A_57 : i32
      "tpu.region"() ({
        %run_scoped3A = tpu.sem_alloc : memref<!tpu.dma_semaphore, #tpu.memory_space<semaphore_mem>>
        %dma_start3A = arith.constant 0 : i32
        %dma_start3A_59 = tpu.memref_slice %arg9[%mul3A_58, %dma_start3A] : memref<10000x128xf32, #tpu.memory_space<vmem_shared>> -> memref<125x128xf32, #tpu.memory_space<vmem_shared>>
        %dma_start3A_60 = arith.constant 0 : i32
        %dma_start3A_61 = tpu.memref_slice %arg9[%mul3A_58, %dma_start3A_60] : memref<10000x128xf32, #tpu.memory_space<vmem_shared>> -> memref<125x128xf32, #tpu.memory_space<vmem_shared>>
        tpu.enqueue_dma source(%arg8 : memref<125x128xf32, #tpu.memory_space<vmem>>) target(%dma_start3A_61 : memref<125x128xf32, #tpu.memory_space<vmem_shared>>) target_semaphore(%run_scoped3A : memref<!tpu.dma_semaphore, #tpu.memory_space<semaphore_mem>>)
        %dma_wait3A = arith.constant 0 : i32
        %dma_wait3A_62 = tpu.memref_slice %arg9[%mul3A_58, %dma_wait3A] : memref<10000x128xf32, #tpu.memory_space<vmem_shared>> -> memref<125x128xf32, #tpu.memory_space<vmem_shared>>
        %dma_wait3A_63 = arith.constant 0 : i32
        %dma_wait3A_64 = tpu.memref_slice %arg9[%mul3A_58, %dma_wait3A_63] : memref<10000x128xf32, #tpu.memory_space<vmem_shared>> -> memref<125x128xf32, #tpu.memory_space<vmem_shared>>
        tpu.wait_dma2 semaphore(%run_scoped3A : memref<!tpu.dma_semaphore, #tpu.memory_space<semaphore_mem>>) src(%arg8 : memref<125x128xf32, #tpu.memory_space<vmem>>) dst(%dma_wait3A_64 : memref<125x128xf32, #tpu.memory_space<vmem_shared>>)
        tpu.yield
      }) : () -> ()
    } else {
    }
    "tpu.region"() ({
      %run_scoped3A = tpu.sem_alloc : memref<!tpu.dma_semaphore, #tpu.memory_space<semaphore_mem>>
      %dma_start3A = arith.constant 0 : i32
      %dma_start3A_55 = arith.constant 0 : i32
      %dma_start3A_56 = tpu.memref_slice %arg3[%add3A, %dma_start3A, %dma_start3A_55] : memref<32x80x125xi32, #tpu.memory_space<hbm>> -> memref<1x80x125xi32, #tpu.memory_space<hbm>>
      %dma_start3A_57 = tpu.memref_squeeze %dma_start3A_56 : memref<1x80x125xi32, #tpu.memory_space<hbm>> -> memref<80x125xi32, #tpu.memory_space<hbm>>
      %dma_start3A_58 = arith.constant 0 : i32
      %dma_start3A_59 = arith.constant 0 : i32
      %dma_start3A_60 = tpu.memref_slice %arg3[%add3A, %dma_start3A_58, %dma_start3A_59] : memref<32x80x125xi32, #tpu.memory_space<hbm>> -> memref<1x80x125xi32, #tpu.memory_space<hbm>>
      %dma_start3A_61 = tpu.memref_squeeze %dma_start3A_60 : memref<1x80x125xi32, #tpu.memory_space<hbm>> -> memref<80x125xi32, #tpu.memory_space<hbm>>
      tpu.enqueue_dma source(%dma_start3A_61 : memref<80x125xi32, #tpu.memory_space<hbm>>) target(%arg6 : memref<80x125xi32, #tpu.memory_space<vmem>>) target_semaphore(%run_scoped3A : memref<!tpu.dma_semaphore, #tpu.memory_space<semaphore_mem>>)
      %dma_wait3A = arith.constant 0 : i32
      %dma_wait3A_62 = arith.constant 0 : i32
      %dma_wait3A_63 = tpu.memref_slice %arg3[%add3A, %dma_wait3A, %dma_wait3A_62] : memref<32x80x125xi32, #tpu.memory_space<hbm>> -> memref<1x80x125xi32, #tpu.memory_space<hbm>>
      %dma_wait3A_64 = tpu.memref_squeeze %dma_wait3A_63 : memref<1x80x125xi32, #tpu.memory_space<hbm>> -> memref<80x125xi32, #tpu.memory_space<hbm>>
      %dma_wait3A_65 = arith.constant 0 : i32
      %dma_wait3A_66 = arith.constant 0 : i32
      %dma_wait3A_67 = tpu.memref_slice %arg3[%add3A, %dma_wait3A_65, %dma_wait3A_66] : memref<32x80x125xi32, #tpu.memory_space<hbm>> -> memref<1x80x125xi32, #tpu.memory_space<hbm>>
      %dma_wait3A_68 = tpu.memref_squeeze %dma_wait3A_67 : memref<1x80x125xi32, #tpu.memory_space<hbm>> -> memref<80x125xi32, #tpu.memory_space<hbm>>
      tpu.wait_dma2 semaphore(%run_scoped3A : memref<!tpu.dma_semaphore, #tpu.memory_space<semaphore_mem>>) src(%dma_wait3A_68 : memref<80x125xi32, #tpu.memory_space<hbm>>) dst(%arg6 : memref<80x125xi32, #tpu.memory_space<vmem>>)
      tpu.yield
    }) : () -> ()
    "tpu.region"() ({
      %run_scoped3A = tpu.sem_alloc : memref<!tpu.dma_semaphore, #tpu.memory_space<semaphore_mem>>
      %dma_start3A = arith.constant 0 : i32
      %dma_start3A_55 = arith.constant 0 : i32
      %dma_start3A_56 = tpu.memref_slice %arg4[%add3A, %dma_start3A, %dma_start3A_55] : memref<32x80x125xi32, #tpu.memory_space<hbm>> -> memref<1x80x125xi32, #tpu.memory_space<hbm>>
      %dma_start3A_57 = tpu.memref_squeeze %dma_start3A_56 : memref<1x80x125xi32, #tpu.memory_space<hbm>> -> memref<80x125xi32, #tpu.memory_space<hbm>>
      %dma_start3A_58 = arith.constant 0 : i32
      %dma_start3A_59 = arith.constant 0 : i32
      %dma_start3A_60 = tpu.memref_slice %arg4[%add3A, %dma_start3A_58, %dma_start3A_59] : memref<32x80x125xi32, #tpu.memory_space<hbm>> -> memref<1x80x125xi32, #tpu.memory_space<hbm>>
      %dma_start3A_61 = tpu.memref_squeeze %dma_start3A_60 : memref<1x80x125xi32, #tpu.memory_space<hbm>> -> memref<80x125xi32, #tpu.memory_space<hbm>>
      tpu.enqueue_dma source(%dma_start3A_61 : memref<80x125xi32, #tpu.memory_space<hbm>>) target(%arg7 : memref<80x125xi32, #tpu.memory_space<vmem>>) target_semaphore(%run_scoped3A : memref<!tpu.dma_semaphore, #tpu.memory_space<semaphore_mem>>)
      %dma_wait3A = arith.constant 0 : i32
      %dma_wait3A_62 = arith.constant 0 : i32
      %dma_wait3A_63 = tpu.memref_slice %arg4[%add3A, %dma_wait3A, %dma_wait3A_62] : memref<32x80x125xi32, #tpu.memory_space<hbm>> -> memref<1x80x125xi32, #tpu.memory_space<hbm>>
      %dma_wait3A_64 = tpu.memref_squeeze %dma_wait3A_63 : memref<1x80x125xi32, #tpu.memory_space<hbm>> -> memref<80x125xi32, #tpu.memory_space<hbm>>
      %dma_wait3A_65 = arith.constant 0 : i32
      %dma_wait3A_66 = arith.constant 0 : i32
      %dma_wait3A_67 = tpu.memref_slice %arg4[%add3A, %dma_wait3A_65, %dma_wait3A_66] : memref<32x80x125xi32, #tpu.memory_space<hbm>> -> memref<1x80x125xi32, #tpu.memory_space<hbm>>
      %dma_wait3A_68 = tpu.memref_squeeze %dma_wait3A_67 : memref<1x80x125xi32, #tpu.memory_space<hbm>> -> memref<80x125xi32, #tpu.memory_space<hbm>>
      tpu.wait_dma2 semaphore(%run_scoped3A : memref<!tpu.dma_semaphore, #tpu.memory_space<semaphore_mem>>) src(%dma_wait3A_68 : memref<80x125xi32, #tpu.memory_space<hbm>>) dst(%arg7 : memref<80x125xi32, #tpu.memory_space<vmem>>)
      tpu.yield
    }) : () -> ()
    %barrier3A = arith.constant 0 : index
    tpu.barrier barrier_id(%barrier3A)
    %scan3A_30 = arith.constant 0 : i32
    %scan3A_31 = arith.constant 0 : i32
    %scan3A_32 = arith.constant 80 : i32
    %scan3A_33 = arith.addi %scan3A_31, %scan3A_32 : i32
    %scan3A_34 = arith.constant 1 : i32
    %scan3A_35 = scf.for %scan3A_55 = %scan3A_31 to %scan3A_33 step %scan3A_34 iter_args(%scan3A_56 = %scan3A_30) -> (i32)  : i32 {
      %dma_start3A = arith.constant 0 : i32
      %dma_start3A_57 = tpu.memref_slice %arg6[%scan3A_55, %dma_start3A] : memref<80x125xi32, #tpu.memory_space<vmem>> -> memref<1x125xi32, #tpu.memory_space<vmem>>
      %dma_start3A_58 = tpu.memref_squeeze %dma_start3A_57 : memref<1x125xi32, #tpu.memory_space<vmem>> -> memref<125xi32, #tpu.memory_space<vmem>>
      %dma_start3A_59 = arith.constant 0 : i32
      %dma_start3A_60 = arith.constant 0 : i32
      %dma_start3A_61 = tpu.memref_slice %arg2[%dma_start3A_59, %dma_start3A_60] : memref<10000x128xf32, #tpu.memory_space<hbm>> -> memref<10000x128xf32, #tpu.memory_space<hbm>>
      tpu.enqueue_indirect_dma source(%dma_start3A_61 : memref<10000x128xf32, #tpu.memory_space<hbm>>) target(%arg8 : memref<125x128xf32, #tpu.memory_space<vmem>>) offsets(%dma_start3A_58 : memref<125xi32, #tpu.memory_space<vmem>>) semaphore(%arg10 : memref<!tpu.dma_semaphore, #tpu.memory_space<semaphore_mem>>)
      %dma_wait3A = arith.constant 0 : i32
      %dma_wait3A_62 = tpu.memref_slice %arg6[%scan3A_55, %dma_wait3A] : memref<80x125xi32, #tpu.memory_space<vmem>> -> memref<1x125xi32, #tpu.memory_space<vmem>>
      %dma_wait3A_63 = tpu.memref_squeeze %dma_wait3A_62 : memref<1x125xi32, #tpu.memory_space<vmem>> -> memref<125xi32, #tpu.memory_space<vmem>>
      %dma_wait3A_64 = arith.constant 0 : i32
      %dma_wait3A_65 = arith.constant 0 : i32
      %dma_wait3A_66 = tpu.memref_slice %arg2[%dma_wait3A_64, %dma_wait3A_65] : memref<10000x128xf32, #tpu.memory_space<hbm>> -> memref<10000x128xf32, #tpu.memory_space<hbm>>
      tpu.wait_indirect_dma semaphore(%arg10 : memref<!tpu.dma_semaphore, #tpu.memory_space<semaphore_mem>>) src(%dma_wait3A_66 : memref<10000x128xf32, #tpu.memory_space<hbm>>) dst(%arg8 : memref<125x128xf32, #tpu.memory_space<vmem>>)
      "tpu.region"() ({
        %run_scoped3A = tpu.sem_alloc : memref<!tpu.dma_semaphore, #tpu.memory_space<semaphore_mem>>
        %dma_start3A_68 = arith.constant 0 : i32
        %dma_start3A_69 = tpu.memref_slice %arg7[%scan3A_55, %dma_start3A_68] : memref<80x125xi32, #tpu.memory_space<vmem>> -> memref<1x125xi32, #tpu.memory_space<vmem>>
        %dma_start3A_70 = tpu.memref_squeeze %dma_start3A_69 : memref<1x125xi32, #tpu.memory_space<vmem>> -> memref<125xi32, #tpu.memory_space<vmem>>
        %dma_start3A_71 = arith.constant 0 : i32
        %dma_start3A_72 = arith.constant 0 : i32
        %dma_start3A_73 = tpu.memref_slice %arg9[%dma_start3A_71, %dma_start3A_72] : memref<10000x128xf32, #tpu.memory_space<vmem_shared>> -> memref<10000x128xf32, #tpu.memory_space<vmem_shared>>
        tpu.enqueue_indirect_dma source(%arg8 : memref<125x128xf32, #tpu.memory_space<vmem>>) target(%dma_start3A_73 : memref<10000x128xf32, #tpu.memory_space<vmem_shared>>) offsets(%dma_start3A_70 : memref<125xi32, #tpu.memory_space<vmem>>) semaphore(%run_scoped3A : memref<!tpu.dma_semaphore, #tpu.memory_space<semaphore_mem>>) {add = true}
        %dma_wait3A_74 = arith.constant 0 : i32
        %dma_wait3A_75 = tpu.memref_slice %arg7[%scan3A_55, %dma_wait3A_74] : memref<80x125xi32, #tpu.memory_space<vmem>> -> memref<1x125xi32, #tpu.memory_space<vmem>>
        %dma_wait3A_76 = tpu.memref_squeeze %dma_wait3A_75 : memref<1x125xi32, #tpu.memory_space<vmem>> -> memref<125xi32, #tpu.memory_space<vmem>>
        %dma_wait3A_77 = arith.constant 0 : i32
        %dma_wait3A_78 = arith.constant 0 : i32
        %dma_wait3A_79 = tpu.memref_slice %arg9[%dma_wait3A_77, %dma_wait3A_78] : memref<10000x128xf32, #tpu.memory_space<vmem_shared>> -> memref<10000x128xf32, #tpu.memory_space<vmem_shared>>
        tpu.wait_indirect_dma semaphore(%run_scoped3A : memref<!tpu.dma_semaphore, #tpu.memory_space<semaphore_mem>>) src(%arg8 : memref<125x128xf32, #tpu.memory_space<vmem>>) dst(%dma_wait3A_79 : memref<10000x128xf32, #tpu.memory_space<vmem_shared>>)
        tpu.yield
      }) : () -> ()
      %scan3A_67 = arith.constant 0 : i32
      scf.yield %scan3A_67 : i32
    }
    %scan3A_36 = arith.constant 80 : i32
    %barrier3A_37 = arith.constant 0 : index
    tpu.barrier barrier_id(%barrier3A_37)
    %add3A_38 = arith.constant 0 : i32
    %add3A_39 = arith.addi %add3A_38, %arg1 : i32
    %mul3A_40 = arith.constant 200 : i32
    %mul3A_41 = arith.muli %add3A_39, %mul3A_40 : i32
    "tpu.region"() ({
      %run_scoped3A = tpu.sem_alloc : memref<!tpu.dma_semaphore, #tpu.memory_space<semaphore_mem>>
      %dma_start3A = arith.constant 0 : i32
      %dma_start3A_55 = tpu.memref_slice %arg5[%arg0, %mul3A_41, %dma_start3A] : memref<2x10000x128xf32, #tpu.memory_space<hbm>> -> memref<1x200x128xf32, #tpu.memory_space<hbm>>
      %dma_start3A_56 = tpu.memref_squeeze %dma_start3A_55 : memref<1x200x128xf32, #tpu.memory_space<hbm>> -> memref<200x128xf32, #tpu.memory_space<hbm>>
      %dma_start3A_57 = arith.constant 0 : i32
      %dma_start3A_58 = tpu.memref_slice %arg9[%mul3A_41, %dma_start3A_57] : memref<10000x128xf32, #tpu.memory_space<vmem_shared>> -> memref<200x128xf32, #tpu.memory_space<vmem_shared>>
      tpu.enqueue_dma source(%dma_start3A_58 : memref<200x128xf32, #tpu.memory_space<vmem_shared>>) target(%dma_start3A_56 : memref<200x128xf32, #tpu.memory_space<hbm>>) target_semaphore(%run_scoped3A : memref<!tpu.dma_semaphore, #tpu.memory_space<semaphore_mem>>)
      %dma_wait3A = arith.constant 0 : i32
      %dma_wait3A_59 = tpu.memref_slice %arg5[%arg0, %mul3A_41, %dma_wait3A] : memref<2x10000x128xf32, #tpu.memory_space<hbm>> -> memref<1x200x128xf32, #tpu.memory_space<hbm>>
      %dma_wait3A_60 = tpu.memref_squeeze %dma_wait3A_59 : memref<1x200x128xf32, #tpu.memory_space<hbm>> -> memref<200x128xf32, #tpu.memory_space<hbm>>
      %dma_wait3A_61 = arith.constant 0 : i32
      %dma_wait3A_62 = tpu.memref_slice %arg9[%mul3A_41, %dma_wait3A_61] : memref<10000x128xf32, #tpu.memory_space<vmem_shared>> -> memref<200x128xf32, #tpu.memory_space<vmem_shared>>
      tpu.wait_dma2 semaphore(%run_scoped3A : memref<!tpu.dma_semaphore, #tpu.memory_space<semaphore_mem>>) src(%dma_wait3A_62 : memref<200x128xf32, #tpu.memory_space<vmem_shared>>) dst(%dma_wait3A_60 : memref<200x128xf32, #tpu.memory_space<hbm>>)
      tpu.yield
    }) : () -> ()
    %add3A_42 = arith.constant 16 : i32
    %add3A_43 = arith.addi %add3A_42, %arg1 : i32
    %mul3A_44 = arith.constant 200 : i32
    %mul3A_45 = arith.muli %add3A_43, %mul3A_44 : i32
    "tpu.region"() ({
      %run_scoped3A = tpu.sem_alloc : memref<!tpu.dma_semaphore, #tpu.memory_space<semaphore_mem>>
      %dma_start3A = arith.constant 0 : i32
      %dma_start3A_55 = tpu.memref_slice %arg5[%arg0, %mul3A_45, %dma_start3A] : memref<2x10000x128xf32, #tpu.memory_space<hbm>> -> memref<1x200x128xf32, #tpu.memory_space<hbm>>
      %dma_start3A_56 = tpu.memref_squeeze %dma_start3A_55 : memref<1x200x128xf32, #tpu.memory_space<hbm>> -> memref<200x128xf32, #tpu.memory_space<hbm>>
      %dma_start3A_57 = arith.constant 0 : i32
      %dma_start3A_58 = tpu.memref_slice %arg9[%mul3A_45, %dma_start3A_57] : memref<10000x128xf32, #tpu.memory_space<vmem_shared>> -> memref<200x128xf32, #tpu.memory_space<vmem_shared>>
      tpu.enqueue_dma source(%dma_start3A_58 : memref<200x128xf32, #tpu.memory_space<vmem_shared>>) target(%dma_start3A_56 : memref<200x128xf32, #tpu.memory_space<hbm>>) target_semaphore(%run_scoped3A : memref<!tpu.dma_semaphore, #tpu.memory_space<semaphore_mem>>)
      %dma_wait3A = arith.constant 0 : i32
      %dma_wait3A_59 = tpu.memref_slice %arg5[%arg0, %mul3A_45, %dma_wait3A] : memref<2x10000x128xf32, #tpu.memory_space<hbm>> -> memref<1x200x128xf32, #tpu.memory_space<hbm>>
      %dma_wait3A_60 = tpu.memref_squeeze %dma_wait3A_59 : memref<1x200x128xf32, #tpu.memory_space<hbm>> -> memref<200x128xf32, #tpu.memory_space<hbm>>
      %dma_wait3A_61 = arith.constant 0 : i32
      %dma_wait3A_62 = tpu.memref_slice %arg9[%mul3A_45, %dma_wait3A_61] : memref<10000x128xf32, #tpu.memory_space<vmem_shared>> -> memref<200x128xf32, #tpu.memory_space<vmem_shared>>
      tpu.wait_dma2 semaphore(%run_scoped3A : memref<!tpu.dma_semaphore, #tpu.memory_space<semaphore_mem>>) src(%dma_wait3A_62 : memref<200x128xf32, #tpu.memory_space<vmem_shared>>) dst(%dma_wait3A_60 : memref<200x128xf32, #tpu.memory_space<hbm>>)
      tpu.yield
    }) : () -> ()
    %add3A_46 = arith.constant 32 : i32
    %add3A_47 = arith.addi %add3A_46, %arg1 : i32
    %mul3A_48 = arith.constant 200 : i32
    %mul3A_49 = arith.muli %add3A_47, %mul3A_48 : i32
    "tpu.region"() ({
      %run_scoped3A = tpu.sem_alloc : memref<!tpu.dma_semaphore, #tpu.memory_space<semaphore_mem>>
      %dma_start3A = arith.constant 0 : i32
      %dma_start3A_55 = tpu.memref_slice %arg5[%arg0, %mul3A_49, %dma_start3A] : memref<2x10000x128xf32, #tpu.memory_space<hbm>> -> memref<1x200x128xf32, #tpu.memory_space<hbm>>
      %dma_start3A_56 = tpu.memref_squeeze %dma_start3A_55 : memref<1x200x128xf32, #tpu.memory_space<hbm>> -> memref<200x128xf32, #tpu.memory_space<hbm>>
      %dma_start3A_57 = arith.constant 0 : i32
      %dma_start3A_58 = tpu.memref_slice %arg9[%mul3A_49, %dma_start3A_57] : memref<10000x128xf32, #tpu.memory_space<vmem_shared>> -> memref<200x128xf32, #tpu.memory_space<vmem_shared>>
      tpu.enqueue_dma source(%dma_start3A_58 : memref<200x128xf32, #tpu.memory_space<vmem_shared>>) target(%dma_start3A_56 : memref<200x128xf32, #tpu.memory_space<hbm>>) target_semaphore(%run_scoped3A : memref<!tpu.dma_semaphore, #tpu.memory_space<semaphore_mem>>)
      %dma_wait3A = arith.constant 0 : i32
      %dma_wait3A_59 = tpu.memref_slice %arg5[%arg0, %mul3A_49, %dma_wait3A] : memref<2x10000x128xf32, #tpu.memory_space<hbm>> -> memref<1x200x128xf32, #tpu.memory_space<hbm>>
      %dma_wait3A_60 = tpu.memref_squeeze %dma_wait3A_59 : memref<1x200x128xf32, #tpu.memory_space<hbm>> -> memref<200x128xf32, #tpu.memory_space<hbm>>
      %dma_wait3A_61 = arith.constant 0 : i32
      %dma_wait3A_62 = tpu.memref_slice %arg9[%mul3A_49, %dma_wait3A_61] : memref<10000x128xf32, #tpu.memory_space<vmem_shared>> -> memref<200x128xf32, #tpu.memory_space<vmem_shared>>
      tpu.wait_dma2 semaphore(%run_scoped3A : memref<!tpu.dma_semaphore, #tpu.memory_space<semaphore_mem>>) src(%dma_wait3A_62 : memref<200x128xf32, #tpu.memory_space<vmem_shared>>) dst(%dma_wait3A_60 : memref<200x128xf32, #tpu.memory_space<hbm>>)
      tpu.yield
    }) : () -> ()
    %lt3A_50 = arith.constant 2 : i32
    %lt3A_51 = arith.cmpi slt, %arg1, %lt3A_50 : i32
    %convert_element_type3A_52 = arith.extui %lt3A_51 : i1 to i32
    %cond3A_53 = arith.constant 0 : i32
    %cond3A_54 = arith.cmpi ne, %convert_element_type3A_52, %cond3A_53 : i32
    scf.if %cond3A_54 {
      %add3A_55 = arith.constant 48 : i32
      %add3A_56 = arith.addi %add3A_55, %arg1 : i32
      %mul3A_57 = arith.constant 200 : i32
      %mul3A_58 = arith.muli %add3A_56, %mul3A_57 : i32
      "tpu.region"() ({
        %run_scoped3A = tpu.sem_alloc : memref<!tpu.dma_semaphore, #tpu.memory_space<semaphore_mem>>
        %dma_start3A = arith.constant 0 : i32
        %dma_start3A_59 = tpu.memref_slice %arg5[%arg0, %mul3A_58, %dma_start3A] : memref<2x10000x128xf32, #tpu.memory_space<hbm>> -> memref<1x200x128xf32, #tpu.memory_space<hbm>>
        %dma_start3A_60 = tpu.memref_squeeze %dma_start3A_59 : memref<1x200x128xf32, #tpu.memory_space<hbm>> -> memref<200x128xf32, #tpu.memory_space<hbm>>
        %dma_start3A_61 = arith.constant 0 : i32
        %dma_start3A_62 = tpu.memref_slice %arg9[%mul3A_58, %dma_start3A_61] : memref<10000x128xf32, #tpu.memory_space<vmem_shared>> -> memref<200x128xf32, #tpu.memory_space<vmem_shared>>
        tpu.enqueue_dma source(%dma_start3A_62 : memref<200x128xf32, #tpu.memory_space<vmem_shared>>) target(%dma_start3A_60 : memref<200x128xf32, #tpu.memory_space<hbm>>) target_semaphore(%run_scoped3A : memref<!tpu.dma_semaphore, #tpu.memory_space<semaphore_mem>>)
        %dma_wait3A = arith.constant 0 : i32
        %dma_wait3A_63 = tpu.memref_slice %arg5[%arg0, %mul3A_58, %dma_wait3A] : memref<2x10000x128xf32, #tpu.memory_space<hbm>> -> memref<1x200x128xf32, #tpu.memory_space<hbm>>
        %dma_wait3A_64 = tpu.memref_squeeze %dma_wait3A_63 : memref<1x200x128xf32, #tpu.memory_space<hbm>> -> memref<200x128xf32, #tpu.memory_space<hbm>>
        %dma_wait3A_65 = arith.constant 0 : i32
        %dma_wait3A_66 = tpu.memref_slice %arg9[%mul3A_58, %dma_wait3A_65] : memref<10000x128xf32, #tpu.memory_space<vmem_shared>> -> memref<200x128xf32, #tpu.memory_space<vmem_shared>>
        tpu.wait_dma2 semaphore(%run_scoped3A : memref<!tpu.dma_semaphore, #tpu.memory_space<semaphore_mem>>) src(%dma_wait3A_66 : memref<200x128xf32, #tpu.memory_space<vmem_shared>>) dst(%dma_wait3A_64 : memref<200x128xf32, #tpu.memory_space<hbm>>)
        tpu.yield
      }) : () -> ()
    } else {
    }
    return
  }
}

#map = affine_map<(d0, d1) -> (0, 0)>
#map1 = affine_map<(d0, d1) -> (0, 0, 0)>
module attributes {stable_mosaic.version = 14 : i64} {
  func.func @_sc_agg_body(%arg0: i32, %arg1: i32, %arg2: memref<10000x128xf32, #tpu.memory_space<hbm>>, %arg3: memref<32x80x125xi32, #tpu.memory_space<hbm>>, %arg4: memref<32x80x125xi32, #tpu.memory_space<hbm>>, %arg5: memref<2x10000x128xf32, #tpu.memory_space<hbm>>, %arg6: memref<80x125xi32, #tpu.memory_space<vmem>>, %arg7: memref<80x125xi32, #tpu.memory_space<vmem>>, %arg8: memref<125x128xf32, #tpu.memory_space<vmem>>, %arg9: memref<10000x128xf32, #tpu.memory_space<vmem_shared>>, %arg10: memref<!tpu.dma_semaphore, #tpu.memory_space<semaphore_mem>>) attributes {dimension_semantics = [#tpu.dimension_semantics<core_parallel>, #tpu.dimension_semantics<subcore_parallel>], iteration_bounds = array<i64: 2, 16>, scalar_prefetch = 0 : i64, scratch_operands = 5 : i64, tpu.core_type = #tpu.core_type<sc_vector_subcore>, window_params = [{transform_indices = #map}, {transform_indices = #map1}, {transform_indices = #map1}, {transform_indices = #map1}]} {
    %mul3A = arith.constant 2 : i32
    %mul3A_0 = arith.muli %arg1, %mul3A : i32
    %add3A = arith.addi %mul3A_0, %arg0 : i32
    %broadcast_in_dim3A = arith.constant 0.000000e+00 : f32
    %broadcast_in_dim3A_1 = vector.broadcast %broadcast_in_dim3A : f32 to vector<16xf32>
    %scan3A = arith.constant 0 : i32
    %scan3A_2 = arith.constant 0 : i32
    %scan3A_3 = arith.constant 125 : i32
    %scan3A_4 = arith.addi %scan3A_2, %scan3A_3 : i32
    %scan3A_5 = arith.constant 1 : i32
    %scan3A_6 = scf.for %scan3A_55 = %scan3A_2 to %scan3A_4 step %scan3A_5 iter_args(%scan3A_56 = %scan3A) -> (i32)  : i32 {
      %swap3A = arith.index_cast %scan3A_55 : i32 to index
      %swap3A_57 = arith.constant 0 : index
      %swap3A_58 = tpu.vector_load %arg8[%swap3A, %swap3A_57] {strides = array<i32>} : memref<125x128xf32, #tpu.memory_space<vmem>>, vector<1x16xf32>,
      %swap3A_59 = vector.shape_cast %swap3A_58 : vector<1x16xf32> to vector<16xf32>
      %swap3A_60 = vector.shape_cast %broadcast_in_dim3A_1 : vector<16xf32> to vector<1x16xf32>
      tpu.vector_store %arg8[%swap3A, %swap3A_57], %swap3A_60 {strides = array<i32>} : memref<125x128xf32, #tpu.memory_space<vmem>>, vector<1x16xf32>,
      %swap3A_61 = arith.index_cast %scan3A_55 : i32 to index
      %swap3A_62 = arith.constant 16 : index
      %swap3A_63 = tpu.vector_load %arg8[%swap3A_61, %swap3A_62] {strides = array<i32>} : memref<125x128xf32, #tpu.memory_space<vmem>>, vector<1x16xf32>,
      %swap3A_64 = vector.shape_cast %swap3A_63 : vector<1x16xf32> to vector<16xf32>
      %swap3A_65 = vector.shape_cast %broadcast_in_dim3A_1 : vector<16xf32> to vector<1x16xf32>
      tpu.vector_store %arg8[%swap3A_61, %swap3A_62], %swap3A_65 {strides = array<i32>} : memref<125x128xf32, #tpu.memory_space<vmem>>, vector<1x16xf32>,
      %swap3A_66 = arith.index_cast %scan3A_55 : i32 to index
      %swap3A_67 = arith.constant 32 : index
      %swap3A_68 = tpu.vector_load %arg8[%swap3A_66, %swap3A_67] {strides = array<i32>} : memref<125x128xf32, #tpu.memory_space<vmem>>, vector<1x16xf32>,
      %swap3A_69 = vector.shape_cast %swap3A_68 : vector<1x16xf32> to vector<16xf32>
      %swap3A_70 = vector.shape_cast %broadcast_in_dim3A_1 : vector<16xf32> to vector<1x16xf32>
      tpu.vector_store %arg8[%swap3A_66, %swap3A_67], %swap3A_70 {strides = array<i32>} : memref<125x128xf32, #tpu.memory_space<vmem>>, vector<1x16xf32>,
      %swap3A_71 = arith.index_cast %scan3A_55 : i32 to index
      %swap3A_72 = arith.constant 48 : index
      %swap3A_73 = tpu.vector_load %arg8[%swap3A_71, %swap3A_72] {strides = array<i32>} : memref<125x128xf32, #tpu.memory_space<vmem>>, vector<1x16xf32>,
      %swap3A_74 = vector.shape_cast %swap3A_73 : vector<1x16xf32> to vector<16xf32>
      %swap3A_75 = vector.shape_cast %broadcast_in_dim3A_1 : vector<16xf32> to vector<1x16xf32>
      tpu.vector_store %arg8[%swap3A_71, %swap3A_72], %swap3A_75 {strides = array<i32>} : memref<125x128xf32, #tpu.memory_space<vmem>>, vector<1x16xf32>,
      %swap3A_76 = arith.index_cast %scan3A_55 : i32 to index
      %swap3A_77 = arith.constant 64 : index
      %swap3A_78 = tpu.vector_load %arg8[%swap3A_76, %swap3A_77] {strides = array<i32>} : memref<125x128xf32, #tpu.memory_space<vmem>>, vector<1x16xf32>,
      %swap3A_79 = vector.shape_cast %swap3A_78 : vector<1x16xf32> to vector<16xf32>
      %swap3A_80 = vector.shape_cast %broadcast_in_dim3A_1 : vector<16xf32> to vector<1x16xf32>
      tpu.vector_store %arg8[%swap3A_76, %swap3A_77], %swap3A_80 {strides = array<i32>} : memref<125x128xf32, #tpu.memory_space<vmem>>, vector<1x16xf32>,
      %swap3A_81 = arith.index_cast %scan3A_55 : i32 to index
      %swap3A_82 = arith.constant 80 : index
      %swap3A_83 = tpu.vector_load %arg8[%swap3A_81, %swap3A_82] {strides = array<i32>} : memref<125x128xf32, #tpu.memory_space<vmem>>, vector<1x16xf32>,
      %swap3A_84 = vector.shape_cast %swap3A_83 : vector<1x16xf32> to vector<16xf32>
      %swap3A_85 = vector.shape_cast %broadcast_in_dim3A_1 : vector<16xf32> to vector<1x16xf32>
      tpu.vector_store %arg8[%swap3A_81, %swap3A_82], %swap3A_85 {strides = array<i32>} : memref<125x128xf32, #tpu.memory_space<vmem>>, vector<1x16xf32>,
      %swap3A_86 = arith.index_cast %scan3A_55 : i32 to index
      %swap3A_87 = arith.constant 96 : index
      %swap3A_88 = tpu.vector_load %arg8[%swap3A_86, %swap3A_87] {strides = array<i32>} : memref<125x128xf32, #tpu.memory_space<vmem>>, vector<1x16xf32>,
      %swap3A_89 = vector.shape_cast %swap3A_88 : vector<1x16xf32> to vector<16xf32>
      %swap3A_90 = vector.shape_cast %broadcast_in_dim3A_1 : vector<16xf32> to vector<1x16xf32>
      tpu.vector_store %arg8[%swap3A_86, %swap3A_87], %swap3A_90 {strides = array<i32>} : memref<125x128xf32, #tpu.memory_space<vmem>>, vector<1x16xf32>,
      %swap3A_91 = arith.index_cast %scan3A_55 : i32 to index
      %swap3A_92 = arith.constant 112 : index
      %swap3A_93 = tpu.vector_load %arg8[%swap3A_91, %swap3A_92] {strides = array<i32>} : memref<125x128xf32, #tpu.memory_space<vmem>>, vector<1x16xf32>,
      %swap3A_94 = vector.shape_cast %swap3A_93 : vector<1x16xf32> to vector<16xf32>
      %swap3A_95 = vector.shape_cast %broadcast_in_dim3A_1 : vector<16xf32> to vector<1x16xf32>
      tpu.vector_store %arg8[%swap3A_91, %swap3A_92], %swap3A_95 {strides = array<i32>} : memref<125x128xf32, #tpu.memory_space<vmem>>, vector<1x16xf32>,
      %scan3A_96 = arith.constant 0 : i32
      scf.yield %scan3A_96 : i32
    }
    %scan3A_7 = arith.constant 125 : i32
    %add3A_8 = arith.constant 0 : i32
    %add3A_9 = arith.addi %add3A_8, %arg1 : i32
    %mul3A_10 = arith.constant 125 : i32
    %mul3A_11 = arith.muli %add3A_9, %mul3A_10 : i32
    "tpu.region"() ({
      %run_scoped3A = tpu.sem_alloc : memref<!tpu.dma_semaphore, #tpu.memory_space<semaphore_mem>>
      %dma_start3A = arith.constant 0 : i32
      %dma_start3A_55 = tpu.memref_slice %arg9[%mul3A_11, %dma_start3A] : memref<10000x128xf32, #tpu.memory_space<vmem_shared>> -> memref<125x128xf32, #tpu.memory_space<vmem_shared>>
      %dma_start3A_56 = arith.constant 0 : i32
      %dma_start3A_57 = tpu.memref_slice %arg9[%mul3A_11, %dma_start3A_56] : memref<10000x128xf32, #tpu.memory_space<vmem_shared>> -> memref<125x128xf32, #tpu.memory_space<vmem_shared>>
      tpu.enqueue_dma source(%arg8 : memref<125x128xf32, #tpu.memory_space<vmem>>) target(%dma_start3A_57 : memref<125x128xf32, #tpu.memory_space<vmem_shared>>) target_semaphore(%run_scoped3A : memref<!tpu.dma_semaphore, #tpu.memory_space<semaphore_mem>>)
      %dma_wait3A = arith.constant 0 : i32
      %dma_wait3A_58 = tpu.memref_slice %arg9[%mul3A_11, %dma_wait3A] : memref<10000x128xf32, #tpu.memory_space<vmem_shared>> -> memref<125x128xf32, #tpu.memory_space<vmem_shared>>
      %dma_wait3A_59 = arith.constant 0 : i32
      %dma_wait3A_60 = tpu.memref_slice %arg9[%mul3A_11, %dma_wait3A_59] : memref<10000x128xf32, #tpu.memory_space<vmem_shared>> -> memref<125x128xf32, #tpu.memory_space<vmem_shared>>
      tpu.wait_dma2 semaphore(%run_scoped3A : memref<!tpu.dma_semaphore, #tpu.memory_space<semaphore_mem>>) src(%arg8 : memref<125x128xf32, #tpu.memory_space<vmem>>) dst(%dma_wait3A_60 : memref<125x128xf32, #tpu.memory_space<vmem_shared>>)
      tpu.yield
    }) : () -> ()
    %add3A_12 = arith.constant 16 : i32
    %add3A_13 = arith.addi %add3A_12, %arg1 : i32
    %mul3A_14 = arith.constant 125 : i32
    %mul3A_15 = arith.muli %add3A_13, %mul3A_14 : i32
    "tpu.region"() ({
      %run_scoped3A = tpu.sem_alloc : memref<!tpu.dma_semaphore, #tpu.memory_space<semaphore_mem>>
      %dma_start3A = arith.constant 0 : i32
      %dma_start3A_55 = tpu.memref_slice %arg9[%mul3A_15, %dma_start3A] : memref<10000x128xf32, #tpu.memory_space<vmem_shared>> -> memref<125x128xf32, #tpu.memory_space<vmem_shared>>
      %dma_start3A_56 = arith.constant 0 : i32
      %dma_start3A_57 = tpu.memref_slice %arg9[%mul3A_15, %dma_start3A_56] : memref<10000x128xf32, #tpu.memory_space<vmem_shared>> -> memref<125x128xf32, #tpu.memory_space<vmem_shared>>
      tpu.enqueue_dma source(%arg8 : memref<125x128xf32, #tpu.memory_space<vmem>>) target(%dma_start3A_57 : memref<125x128xf32, #tpu.memory_space<vmem_shared>>) target_semaphore(%run_scoped3A : memref<!tpu.dma_semaphore, #tpu.memory_space<semaphore_mem>>)
      %dma_wait3A = arith.constant 0 : i32
      %dma_wait3A_58 = tpu.memref_slice %arg9[%mul3A_15, %dma_wait3A] : memref<10000x128xf32, #tpu.memory_space<vmem_shared>> -> memref<125x128xf32, #tpu.memory_space<vmem_shared>>
      %dma_wait3A_59 = arith.constant 0 : i32
      %dma_wait3A_60 = tpu.memref_slice %arg9[%mul3A_15, %dma_wait3A_59] : memref<10000x128xf32, #tpu.memory_space<vmem_shared>> -> memref<125x128xf32, #tpu.memory_space<vmem_shared>>
      tpu.wait_dma2 semaphore(%run_scoped3A : memref<!tpu.dma_semaphore, #tpu.memory_space<semaphore_mem>>) src(%arg8 : memref<125x128xf32, #tpu.memory_space<vmem>>) dst(%dma_wait3A_60 : memref<125x128xf32, #tpu.memory_space<vmem_shared>>)
      tpu.yield
    }) : () -> ()
    %add3A_16 = arith.constant 32 : i32
    %add3A_17 = arith.addi %add3A_16, %arg1 : i32
    %mul3A_18 = arith.constant 125 : i32
    %mul3A_19 = arith.muli %add3A_17, %mul3A_18 : i32
    "tpu.region"() ({
      %run_scoped3A = tpu.sem_alloc : memref<!tpu.dma_semaphore, #tpu.memory_space<semaphore_mem>>
      %dma_start3A = arith.constant 0 : i32
      %dma_start3A_55 = tpu.memref_slice %arg9[%mul3A_19, %dma_start3A] : memref<10000x128xf32, #tpu.memory_space<vmem_shared>> -> memref<125x128xf32, #tpu.memory_space<vmem_shared>>
      %dma_start3A_56 = arith.constant 0 : i32
      %dma_start3A_57 = tpu.memref_slice %arg9[%mul3A_19, %dma_start3A_56] : memref<10000x128xf32, #tpu.memory_space<vmem_shared>> -> memref<125x128xf32, #tpu.memory_space<vmem_shared>>
      tpu.enqueue_dma source(%arg8 : memref<125x128xf32, #tpu.memory_space<vmem>>) target(%dma_start3A_57 : memref<125x128xf32, #tpu.memory_space<vmem_shared>>) target_semaphore(%run_scoped3A : memref<!tpu.dma_semaphore, #tpu.memory_space<semaphore_mem>>)
      %dma_wait3A = arith.constant 0 : i32
      %dma_wait3A_58 = tpu.memref_slice %arg9[%mul3A_19, %dma_wait3A] : memref<10000x128xf32, #tpu.memory_space<vmem_shared>> -> memref<125x128xf32, #tpu.memory_space<vmem_shared>>
      %dma_wait3A_59 = arith.constant 0 : i32
      %dma_wait3A_60 = tpu.memref_slice %arg9[%mul3A_19, %dma_wait3A_59] : memref<10000x128xf32, #tpu.memory_space<vmem_shared>> -> memref<125x128xf32, #tpu.memory_space<vmem_shared>>
      tpu.wait_dma2 semaphore(%run_scoped3A : memref<!tpu.dma_semaphore, #tpu.memory_space<semaphore_mem>>) src(%arg8 : memref<125x128xf32, #tpu.memory_space<vmem>>) dst(%dma_wait3A_60 : memref<125x128xf32, #tpu.memory_space<vmem_shared>>)
      tpu.yield
    }) : () -> ()
    %add3A_20 = arith.constant 48 : i32
    %add3A_21 = arith.addi %add3A_20, %arg1 : i32
    %mul3A_22 = arith.constant 125 : i32
    %mul3A_23 = arith.muli %add3A_21, %mul3A_22 : i32
    "tpu.region"() ({
      %run_scoped3A = tpu.sem_alloc : memref<!tpu.dma_semaphore, #tpu.memory_space<semaphore_mem>>
      %dma_start3A = arith.constant 0 : i32
      %dma_start3A_55 = tpu.memref_slice %arg9[%mul3A_23, %dma_start3A] : memref<10000x128xf32, #tpu.memory_space<vmem_shared>> -> memref<125x128xf32, #tpu.memory_space<vmem_shared>>
      %dma_start3A_56 = arith.constant 0 : i32
      %dma_start3A_57 = tpu.memref_slice %arg9[%mul3A_23, %dma_start3A_56] : memref<10000x128xf32, #tpu.memory_space<vmem_shared>> -> memref<125x128xf32, #tpu.memory_space<vmem_shared>>
      tpu.enqueue_dma source(%arg8 : memref<125x128xf32, #tpu.memory_space<vmem>>) target(%dma_start3A_57 : memref<125x128xf32, #tpu.memory_space<vmem_shared>>) target_semaphore(%run_scoped3A : memref<!tpu.dma_semaphore, #tpu.memory_space<semaphore_mem>>)
      %dma_wait3A = arith.constant 0 : i32
      %dma_wait3A_58 = tpu.memref_slice %arg9[%mul3A_23, %dma_wait3A] : memref<10000x128xf32, #tpu.memory_space<vmem_shared>> -> memref<125x128xf32, #tpu.memory_space<vmem_shared>>
      %dma_wait3A_59 = arith.constant 0 : i32
      %dma_wait3A_60 = tpu.memref_slice %arg9[%mul3A_23, %dma_wait3A_59] : memref<10000x128xf32, #tpu.memory_space<vmem_shared>> -> memref<125x128xf32, #tpu.memory_space<vmem_shared>>
      tpu.wait_dma2 semaphore(%run_scoped3A : memref<!tpu.dma_semaphore, #tpu.memory_space<semaphore_mem>>) src(%arg8 : memref<125x128xf32, #tpu.memory_space<vmem>>) dst(%dma_wait3A_60 : memref<125x128xf32, #tpu.memory_space<vmem_shared>>)
      tpu.yield
    }) : () -> ()
    %add3A_24 = arith.constant 64 : i32
    %add3A_25 = arith.addi %add3A_24, %arg1 : i32
    %mul3A_26 = arith.constant 125 : i32
    %mul3A_27 = arith.muli %add3A_25, %mul3A_26 : i32
    "tpu.region"() ({
      %run_scoped3A = tpu.sem_alloc : memref<!tpu.dma_semaphore, #tpu.memory_space<semaphore_mem>>
      %dma_start3A = arith.constant 0 : i32
      %dma_start3A_55 = tpu.memref_slice %arg9[%mul3A_27, %dma_start3A] : memref<10000x128xf32, #tpu.memory_space<vmem_shared>> -> memref<125x128xf32, #tpu.memory_space<vmem_shared>>
      %dma_start3A_56 = arith.constant 0 : i32
      %dma_start3A_57 = tpu.memref_slice %arg9[%mul3A_27, %dma_start3A_56] : memref<10000x128xf32, #tpu.memory_space<vmem_shared>> -> memref<125x128xf32, #tpu.memory_space<vmem_shared>>
      tpu.enqueue_dma source(%arg8 : memref<125x128xf32, #tpu.memory_space<vmem>>) target(%dma_start3A_57 : memref<125x128xf32, #tpu.memory_space<vmem_shared>>) target_semaphore(%run_scoped3A : memref<!tpu.dma_semaphore, #tpu.memory_space<semaphore_mem>>)
      %dma_wait3A = arith.constant 0 : i32
      %dma_wait3A_58 = tpu.memref_slice %arg9[%mul3A_27, %dma_wait3A] : memref<10000x128xf32, #tpu.memory_space<vmem_shared>> -> memref<125x128xf32, #tpu.memory_space<vmem_shared>>
      %dma_wait3A_59 = arith.constant 0 : i32
      %dma_wait3A_60 = tpu.memref_slice %arg9[%mul3A_27, %dma_wait3A_59] : memref<10000x128xf32, #tpu.memory_space<vmem_shared>> -> memref<125x128xf32, #tpu.memory_space<vmem_shared>>
      tpu.wait_dma2 semaphore(%run_scoped3A : memref<!tpu.dma_semaphore, #tpu.memory_space<semaphore_mem>>) src(%arg8 : memref<125x128xf32, #tpu.memory_space<vmem>>) dst(%dma_wait3A_60 : memref<125x128xf32, #tpu.memory_space<vmem_shared>>)
      tpu.yield
    }) : () -> ()
    %lt3A = arith.constant 0 : i32
    %lt3A_28 = arith.cmpi slt, %arg1, %lt3A : i32
    %convert_element_type3A = arith.extui %lt3A_28 : i1 to i32
    %cond3A = arith.constant 0 : i32
    %cond3A_29 = arith.cmpi ne, %convert_element_type3A, %cond3A : i32
    scf.if %cond3A_29 {
      %add3A_55 = arith.constant 80 : i32
      %add3A_56 = arith.addi %add3A_55, %arg1 : i32
      %mul3A_57 = arith.constant 125 : i32
      %mul3A_58 = arith.muli %add3A_56, %mul3A_57 : i32
      "tpu.region"() ({
        %run_scoped3A = tpu.sem_alloc : memref<!tpu.dma_semaphore, #tpu.memory_space<semaphore_mem>>
        %dma_start3A = arith.constant 0 : i32
        %dma_start3A_59 = tpu.memref_slice %arg9[%mul3A_58, %dma_start3A] : memref<10000x128xf32, #tpu.memory_space<vmem_shared>> -> memref<125x128xf32, #tpu.memory_space<vmem_shared>>
        %dma_start3A_60 = arith.constant 0 : i32
        %dma_start3A_61 = tpu.memref_slice %arg9[%mul3A_58, %dma_start3A_60] : memref<10000x128xf32, #tpu.memory_space<vmem_shared>> -> memref<125x128xf32, #tpu.memory_space<vmem_shared>>
        tpu.enqueue_dma source(%arg8 : memref<125x128xf32, #tpu.memory_space<vmem>>) target(%dma_start3A_61 : memref<125x128xf32, #tpu.memory_space<vmem_shared>>) target_semaphore(%run_scoped3A : memref<!tpu.dma_semaphore, #tpu.memory_space<semaphore_mem>>)
        %dma_wait3A = arith.constant 0 : i32
        %dma_wait3A_62 = tpu.memref_slice %arg9[%mul3A_58, %dma_wait3A] : memref<10000x128xf32, #tpu.memory_space<vmem_shared>> -> memref<125x128xf32, #tpu.memory_space<vmem_shared>>
        %dma_wait3A_63 = arith.constant 0 : i32
        %dma_wait3A_64 = tpu.memref_slice %arg9[%mul3A_58, %dma_wait3A_63] : memref<10000x128xf32, #tpu.memory_space<vmem_shared>> -> memref<125x128xf32, #tpu.memory_space<vmem_shared>>
        tpu.wait_dma2 semaphore(%run_scoped3A : memref<!tpu.dma_semaphore, #tpu.memory_space<semaphore_mem>>) src(%arg8 : memref<125x128xf32, #tpu.memory_space<vmem>>) dst(%dma_wait3A_64 : memref<125x128xf32, #tpu.memory_space<vmem_shared>>)
        tpu.yield
      }) : () -> ()
    } else {
    }
    "tpu.region"() ({
      %run_scoped3A = tpu.sem_alloc : memref<!tpu.dma_semaphore, #tpu.memory_space<semaphore_mem>>
      %dma_start3A = arith.constant 0 : i32
      %dma_start3A_55 = arith.constant 0 : i32
      %dma_start3A_56 = tpu.memref_slice %arg3[%add3A, %dma_start3A, %dma_start3A_55] : memref<32x80x125xi32, #tpu.memory_space<hbm>> -> memref<1x80x125xi32, #tpu.memory_space<hbm>>
      %dma_start3A_57 = tpu.memref_squeeze %dma_start3A_56 : memref<1x80x125xi32, #tpu.memory_space<hbm>> -> memref<80x125xi32, #tpu.memory_space<hbm>>
      %dma_start3A_58 = arith.constant 0 : i32
      %dma_start3A_59 = arith.constant 0 : i32
      %dma_start3A_60 = tpu.memref_slice %arg3[%add3A, %dma_start3A_58, %dma_start3A_59] : memref<32x80x125xi32, #tpu.memory_space<hbm>> -> memref<1x80x125xi32, #tpu.memory_space<hbm>>
      %dma_start3A_61 = tpu.memref_squeeze %dma_start3A_60 : memref<1x80x125xi32, #tpu.memory_space<hbm>> -> memref<80x125xi32, #tpu.memory_space<hbm>>
      tpu.enqueue_dma source(%dma_start3A_61 : memref<80x125xi32, #tpu.memory_space<hbm>>) target(%arg6 : memref<80x125xi32, #tpu.memory_space<vmem>>) target_semaphore(%run_scoped3A : memref<!tpu.dma_semaphore, #tpu.memory_space<semaphore_mem>>)
      %dma_wait3A = arith.constant 0 : i32
      %dma_wait3A_62 = arith.constant 0 : i32
      %dma_wait3A_63 = tpu.memref_slice %arg3[%add3A, %dma_wait3A, %dma_wait3A_62] : memref<32x80x125xi32, #tpu.memory_space<hbm>> -> memref<1x80x125xi32, #tpu.memory_space<hbm>>
      %dma_wait3A_64 = tpu.memref_squeeze %dma_wait3A_63 : memref<1x80x125xi32, #tpu.memory_space<hbm>> -> memref<80x125xi32, #tpu.memory_space<hbm>>
      %dma_wait3A_65 = arith.constant 0 : i32
      %dma_wait3A_66 = arith.constant 0 : i32
      %dma_wait3A_67 = tpu.memref_slice %arg3[%add3A, %dma_wait3A_65, %dma_wait3A_66] : memref<32x80x125xi32, #tpu.memory_space<hbm>> -> memref<1x80x125xi32, #tpu.memory_space<hbm>>
      %dma_wait3A_68 = tpu.memref_squeeze %dma_wait3A_67 : memref<1x80x125xi32, #tpu.memory_space<hbm>> -> memref<80x125xi32, #tpu.memory_space<hbm>>
      tpu.wait_dma2 semaphore(%run_scoped3A : memref<!tpu.dma_semaphore, #tpu.memory_space<semaphore_mem>>) src(%dma_wait3A_68 : memref<80x125xi32, #tpu.memory_space<hbm>>) dst(%arg6 : memref<80x125xi32, #tpu.memory_space<vmem>>)
      tpu.yield
    }) : () -> ()
    "tpu.region"() ({
      %run_scoped3A = tpu.sem_alloc : memref<!tpu.dma_semaphore, #tpu.memory_space<semaphore_mem>>
      %dma_start3A = arith.constant 0 : i32
      %dma_start3A_55 = arith.constant 0 : i32
      %dma_start3A_56 = tpu.memref_slice %arg4[%add3A, %dma_start3A, %dma_start3A_55] : memref<32x80x125xi32, #tpu.memory_space<hbm>> -> memref<1x80x125xi32, #tpu.memory_space<hbm>>
      %dma_start3A_57 = tpu.memref_squeeze %dma_start3A_56 : memref<1x80x125xi32, #tpu.memory_space<hbm>> -> memref<80x125xi32, #tpu.memory_space<hbm>>
      %dma_start3A_58 = arith.constant 0 : i32
      %dma_start3A_59 = arith.constant 0 : i32
      %dma_start3A_60 = tpu.memref_slice %arg4[%add3A, %dma_start3A_58, %dma_start3A_59] : memref<32x80x125xi32, #tpu.memory_space<hbm>> -> memref<1x80x125xi32, #tpu.memory_space<hbm>>
      %dma_start3A_61 = tpu.memref_squeeze %dma_start3A_60 : memref<1x80x125xi32, #tpu.memory_space<hbm>> -> memref<80x125xi32, #tpu.memory_space<hbm>>
      tpu.enqueue_dma source(%dma_start3A_61 : memref<80x125xi32, #tpu.memory_space<hbm>>) target(%arg7 : memref<80x125xi32, #tpu.memory_space<vmem>>) target_semaphore(%run_scoped3A : memref<!tpu.dma_semaphore, #tpu.memory_space<semaphore_mem>>)
      %dma_wait3A = arith.constant 0 : i32
      %dma_wait3A_62 = arith.constant 0 : i32
      %dma_wait3A_63 = tpu.memref_slice %arg4[%add3A, %dma_wait3A, %dma_wait3A_62] : memref<32x80x125xi32, #tpu.memory_space<hbm>> -> memref<1x80x125xi32, #tpu.memory_space<hbm>>
      %dma_wait3A_64 = tpu.memref_squeeze %dma_wait3A_63 : memref<1x80x125xi32, #tpu.memory_space<hbm>> -> memref<80x125xi32, #tpu.memory_space<hbm>>
      %dma_wait3A_65 = arith.constant 0 : i32
      %dma_wait3A_66 = arith.constant 0 : i32
      %dma_wait3A_67 = tpu.memref_slice %arg4[%add3A, %dma_wait3A_65, %dma_wait3A_66] : memref<32x80x125xi32, #tpu.memory_space<hbm>> -> memref<1x80x125xi32, #tpu.memory_space<hbm>>
      %dma_wait3A_68 = tpu.memref_squeeze %dma_wait3A_67 : memref<1x80x125xi32, #tpu.memory_space<hbm>> -> memref<80x125xi32, #tpu.memory_space<hbm>>
      tpu.wait_dma2 semaphore(%run_scoped3A : memref<!tpu.dma_semaphore, #tpu.memory_space<semaphore_mem>>) src(%dma_wait3A_68 : memref<80x125xi32, #tpu.memory_space<hbm>>) dst(%arg7 : memref<80x125xi32, #tpu.memory_space<vmem>>)
      tpu.yield
    }) : () -> ()
    %barrier3A = arith.constant 0 : index
    tpu.barrier barrier_id(%barrier3A)
    %scan3A_30 = arith.constant 0 : i32
    %scan3A_31 = arith.constant 0 : i32
    %scan3A_32 = arith.constant 80 : i32
    %scan3A_33 = arith.addi %scan3A_31, %scan3A_32 : i32
    %scan3A_34 = arith.constant 1 : i32
    %scan3A_35 = scf.for %scan3A_55 = %scan3A_31 to %scan3A_33 step %scan3A_34 iter_args(%scan3A_56 = %scan3A_30) -> (i32)  : i32 {
      %dma_start3A = arith.constant 0 : i32
      %dma_start3A_57 = tpu.memref_slice %arg6[%scan3A_55, %dma_start3A] : memref<80x125xi32, #tpu.memory_space<vmem>> -> memref<1x125xi32, #tpu.memory_space<vmem>>
      %dma_start3A_58 = tpu.memref_squeeze %dma_start3A_57 : memref<1x125xi32, #tpu.memory_space<vmem>> -> memref<125xi32, #tpu.memory_space<vmem>>
      %dma_start3A_59 = arith.constant 0 : i32
      %dma_start3A_60 = arith.constant 0 : i32
      %dma_start3A_61 = tpu.memref_slice %arg2[%dma_start3A_59, %dma_start3A_60] : memref<10000x128xf32, #tpu.memory_space<hbm>> -> memref<10000x128xf32, #tpu.memory_space<hbm>>
      tpu.enqueue_indirect_dma source(%dma_start3A_61 : memref<10000x128xf32, #tpu.memory_space<hbm>>) target(%arg8 : memref<125x128xf32, #tpu.memory_space<vmem>>) offsets(%dma_start3A_58 : memref<125xi32, #tpu.memory_space<vmem>>) semaphore(%arg10 : memref<!tpu.dma_semaphore, #tpu.memory_space<semaphore_mem>>)
      %dma_wait3A = arith.constant 0 : i32
      %dma_wait3A_62 = tpu.memref_slice %arg6[%scan3A_55, %dma_wait3A] : memref<80x125xi32, #tpu.memory_space<vmem>> -> memref<1x125xi32, #tpu.memory_space<vmem>>
      %dma_wait3A_63 = tpu.memref_squeeze %dma_wait3A_62 : memref<1x125xi32, #tpu.memory_space<vmem>> -> memref<125xi32, #tpu.memory_space<vmem>>
      %dma_wait3A_64 = arith.constant 0 : i32
      %dma_wait3A_65 = arith.constant 0 : i32
      %dma_wait3A_66 = tpu.memref_slice %arg2[%dma_wait3A_64, %dma_wait3A_65] : memref<10000x128xf32, #tpu.memory_space<hbm>> -> memref<10000x128xf32, #tpu.memory_space<hbm>>
      tpu.wait_indirect_dma semaphore(%arg10 : memref<!tpu.dma_semaphore, #tpu.memory_space<semaphore_mem>>) src(%dma_wait3A_66 : memref<10000x128xf32, #tpu.memory_space<hbm>>) dst(%arg8 : memref<125x128xf32, #tpu.memory_space<vmem>>)
      "tpu.region"() ({
        %run_scoped3A = tpu.sem_alloc : memref<!tpu.dma_semaphore, #tpu.memory_space<semaphore_mem>>
        %dma_start3A_68 = arith.constant 0 : i32
        %dma_start3A_69 = tpu.memref_slice %arg7[%scan3A_55, %dma_start3A_68] : memref<80x125xi32, #tpu.memory_space<vmem>> -> memref<1x125xi32, #tpu.memory_space<vmem>>
        %dma_start3A_70 = tpu.memref_squeeze %dma_start3A_69 : memref<1x125xi32, #tpu.memory_space<vmem>> -> memref<125xi32, #tpu.memory_space<vmem>>
        %dma_start3A_71 = arith.constant 0 : i32
        %dma_start3A_72 = arith.constant 0 : i32
        %dma_start3A_73 = tpu.memref_slice %arg9[%dma_start3A_71, %dma_start3A_72] : memref<10000x128xf32, #tpu.memory_space<vmem_shared>> -> memref<10000x128xf32, #tpu.memory_space<vmem_shared>>
        tpu.enqueue_indirect_dma source(%arg8 : memref<125x128xf32, #tpu.memory_space<vmem>>) target(%dma_start3A_73 : memref<10000x128xf32, #tpu.memory_space<vmem_shared>>) offsets(%dma_start3A_70 : memref<125xi32, #tpu.memory_space<vmem>>) semaphore(%run_scoped3A : memref<!tpu.dma_semaphore, #tpu.memory_space<semaphore_mem>>) {add = true}
        %dma_wait3A_74 = arith.constant 0 : i32
        %dma_wait3A_75 = tpu.memref_slice %arg7[%scan3A_55, %dma_wait3A_74] : memref<80x125xi32, #tpu.memory_space<vmem>> -> memref<1x125xi32, #tpu.memory_space<vmem>>
        %dma_wait3A_76 = tpu.memref_squeeze %dma_wait3A_75 : memref<1x125xi32, #tpu.memory_space<vmem>> -> memref<125xi32, #tpu.memory_space<vmem>>
        %dma_wait3A_77 = arith.constant 0 : i32
        %dma_wait3A_78 = arith.constant 0 : i32
        %dma_wait3A_79 = tpu.memref_slice %arg9[%dma_wait3A_77, %dma_wait3A_78] : memref<10000x128xf32, #tpu.memory_space<vmem_shared>> -> memref<10000x128xf32, #tpu.memory_space<vmem_shared>>
        tpu.wait_indirect_dma semaphore(%run_scoped3A : memref<!tpu.dma_semaphore, #tpu.memory_space<semaphore_mem>>) src(%arg8 : memref<125x128xf32, #tpu.memory_space<vmem>>) dst(%dma_wait3A_79 : memref<10000x128xf32, #tpu.memory_space<vmem_shared>>)
        tpu.yield
      }) : () -> ()
      %scan3A_67 = arith.constant 0 : i32
      scf.yield %scan3A_67 : i32
    }
    %scan3A_36 = arith.constant 80 : i32
    %barrier3A_37 = arith.constant 0 : index
    tpu.barrier barrier_id(%barrier3A_37)
    %add3A_38 = arith.constant 0 : i32
    %add3A_39 = arith.addi %add3A_38, %arg1 : i32
    %mul3A_40 = arith.constant 200 : i32
    %mul3A_41 = arith.muli %add3A_39, %mul3A_40 : i32
    "tpu.region"() ({
      %run_scoped3A = tpu.sem_alloc : memref<!tpu.dma_semaphore, #tpu.memory_space<semaphore_mem>>
      %dma_start3A = arith.constant 0 : i32
      %dma_start3A_55 = tpu.memref_slice %arg5[%arg0, %mul3A_41, %dma_start3A] : memref<2x10000x128xf32, #tpu.memory_space<hbm>> -> memref<1x200x128xf32, #tpu.memory_space<hbm>>
      %dma_start3A_56 = tpu.memref_squeeze %dma_start3A_55 : memref<1x200x128xf32, #tpu.memory_space<hbm>> -> memref<200x128xf32, #tpu.memory_space<hbm>>
      %dma_start3A_57 = arith.constant 0 : i32
      %dma_start3A_58 = tpu.memref_slice %arg9[%mul3A_41, %dma_start3A_57] : memref<10000x128xf32, #tpu.memory_space<vmem_shared>> -> memref<200x128xf32, #tpu.memory_space<vmem_shared>>
      tpu.enqueue_dma source(%dma_start3A_58 : memref<200x128xf32, #tpu.memory_space<vmem_shared>>) target(%dma_start3A_56 : memref<200x128xf32, #tpu.memory_space<hbm>>) target_semaphore(%run_scoped3A : memref<!tpu.dma_semaphore, #tpu.memory_space<semaphore_mem>>)
      %dma_wait3A = arith.constant 0 : i32
      %dma_wait3A_59 = tpu.memref_slice %arg5[%arg0, %mul3A_41, %dma_wait3A] : memref<2x10000x128xf32, #tpu.memory_space<hbm>> -> memref<1x200x128xf32, #tpu.memory_space<hbm>>
      %dma_wait3A_60 = tpu.memref_squeeze %dma_wait3A_59 : memref<1x200x128xf32, #tpu.memory_space<hbm>> -> memref<200x128xf32, #tpu.memory_space<hbm>>
      %dma_wait3A_61 = arith.constant 0 : i32
      %dma_wait3A_62 = tpu.memref_slice %arg9[%mul3A_41, %dma_wait3A_61] : memref<10000x128xf32, #tpu.memory_space<vmem_shared>> -> memref<200x128xf32, #tpu.memory_space<vmem_shared>>
      tpu.wait_dma2 semaphore(%run_scoped3A : memref<!tpu.dma_semaphore, #tpu.memory_space<semaphore_mem>>) src(%dma_wait3A_62 : memref<200x128xf32, #tpu.memory_space<vmem_shared>>) dst(%dma_wait3A_60 : memref<200x128xf32, #tpu.memory_space<hbm>>)
      tpu.yield
    }) : () -> ()
    %add3A_42 = arith.constant 16 : i32
    %add3A_43 = arith.addi %add3A_42, %arg1 : i32
    %mul3A_44 = arith.constant 200 : i32
    %mul3A_45 = arith.muli %add3A_43, %mul3A_44 : i32
    "tpu.region"() ({
      %run_scoped3A = tpu.sem_alloc : memref<!tpu.dma_semaphore, #tpu.memory_space<semaphore_mem>>
      %dma_start3A = arith.constant 0 : i32
      %dma_start3A_55 = tpu.memref_slice %arg5[%arg0, %mul3A_45, %dma_start3A] : memref<2x10000x128xf32, #tpu.memory_space<hbm>> -> memref<1x200x128xf32, #tpu.memory_space<hbm>>
      %dma_start3A_56 = tpu.memref_squeeze %dma_start3A_55 : memref<1x200x128xf32, #tpu.memory_space<hbm>> -> memref<200x128xf32, #tpu.memory_space<hbm>>
      %dma_start3A_57 = arith.constant 0 : i32
      %dma_start3A_58 = tpu.memref_slice %arg9[%mul3A_45, %dma_start3A_57] : memref<10000x128xf32, #tpu.memory_space<vmem_shared>> -> memref<200x128xf32, #tpu.memory_space<vmem_shared>>
      tpu.enqueue_dma source(%dma_start3A_58 : memref<200x128xf32, #tpu.memory_space<vmem_shared>>) target(%dma_start3A_56 : memref<200x128xf32, #tpu.memory_space<hbm>>) target_semaphore(%run_scoped3A : memref<!tpu.dma_semaphore, #tpu.memory_space<semaphore_mem>>)
      %dma_wait3A = arith.constant 0 : i32
      %dma_wait3A_59 = tpu.memref_slice %arg5[%arg0, %mul3A_45, %dma_wait3A] : memref<2x10000x128xf32, #tpu.memory_space<hbm>> -> memref<1x200x128xf32, #tpu.memory_space<hbm>>
      %dma_wait3A_60 = tpu.memref_squeeze %dma_wait3A_59 : memref<1x200x128xf32, #tpu.memory_space<hbm>> -> memref<200x128xf32, #tpu.memory_space<hbm>>
      %dma_wait3A_61 = arith.constant 0 : i32
      %dma_wait3A_62 = tpu.memref_slice %arg9[%mul3A_45, %dma_wait3A_61] : memref<10000x128xf32, #tpu.memory_space<vmem_shared>> -> memref<200x128xf32, #tpu.memory_space<vmem_shared>>
      tpu.wait_dma2 semaphore(%run_scoped3A : memref<!tpu.dma_semaphore, #tpu.memory_space<semaphore_mem>>) src(%dma_wait3A_62 : memref<200x128xf32, #tpu.memory_space<vmem_shared>>) dst(%dma_wait3A_60 : memref<200x128xf32, #tpu.memory_space<hbm>>)
      tpu.yield
    }) : () -> ()
    %add3A_46 = arith.constant 32 : i32
    %add3A_47 = arith.addi %add3A_46, %arg1 : i32
    %mul3A_48 = arith.constant 200 : i32
    %mul3A_49 = arith.muli %add3A_47, %mul3A_48 : i32
    "tpu.region"() ({
      %run_scoped3A = tpu.sem_alloc : memref<!tpu.dma_semaphore, #tpu.memory_space<semaphore_mem>>
      %dma_start3A = arith.constant 0 : i32
      %dma_start3A_55 = tpu.memref_slice %arg5[%arg0, %mul3A_49, %dma_start3A] : memref<2x10000x128xf32, #tpu.memory_space<hbm>> -> memref<1x200x128xf32, #tpu.memory_space<hbm>>
      %dma_start3A_56 = tpu.memref_squeeze %dma_start3A_55 : memref<1x200x128xf32, #tpu.memory_space<hbm>> -> memref<200x128xf32, #tpu.memory_space<hbm>>
      %dma_start3A_57 = arith.constant 0 : i32
      %dma_start3A_58 = tpu.memref_slice %arg9[%mul3A_49, %dma_start3A_57] : memref<10000x128xf32, #tpu.memory_space<vmem_shared>> -> memref<200x128xf32, #tpu.memory_space<vmem_shared>>
      tpu.enqueue_dma source(%dma_start3A_58 : memref<200x128xf32, #tpu.memory_space<vmem_shared>>) target(%dma_start3A_56 : memref<200x128xf32, #tpu.memory_space<hbm>>) target_semaphore(%run_scoped3A : memref<!tpu.dma_semaphore, #tpu.memory_space<semaphore_mem>>)
      %dma_wait3A = arith.constant 0 : i32
      %dma_wait3A_59 = tpu.memref_slice %arg5[%arg0, %mul3A_49, %dma_wait3A] : memref<2x10000x128xf32, #tpu.memory_space<hbm>> -> memref<1x200x128xf32, #tpu.memory_space<hbm>>
      %dma_wait3A_60 = tpu.memref_squeeze %dma_wait3A_59 : memref<1x200x128xf32, #tpu.memory_space<hbm>> -> memref<200x128xf32, #tpu.memory_space<hbm>>
      %dma_wait3A_61 = arith.constant 0 : i32
      %dma_wait3A_62 = tpu.memref_slice %arg9[%mul3A_49, %dma_wait3A_61] : memref<10000x128xf32, #tpu.memory_space<vmem_shared>> -> memref<200x128xf32, #tpu.memory_space<vmem_shared>>
      tpu.wait_dma2 semaphore(%run_scoped3A : memref<!tpu.dma_semaphore, #tpu.memory_space<semaphore_mem>>) src(%dma_wait3A_62 : memref<200x128xf32, #tpu.memory_space<vmem_shared>>) dst(%dma_wait3A_60 : memref<200x128xf32, #tpu.memory_space<hbm>>)
      tpu.yield
    }) : () -> ()
    %lt3A_50 = arith.constant 2 : i32
    %lt3A_51 = arith.cmpi slt, %arg1, %lt3A_50 : i32
    %convert_element_type3A_52 = arith.extui %lt3A_51 : i1 to i32
    %cond3A_53 = arith.constant 0 : i32
    %cond3A_54 = arith.cmpi ne, %convert_element_type3A_52, %cond3A_53 : i32
    scf.if %cond3A_54 {
      %add3A_55 = arith.constant 48 : i32
      %add3A_56 = arith.addi %add3A_55, %arg1 : i32
      %mul3A_57 = arith.constant 200 : i32
      %mul3A_58 = arith.muli %add3A_56, %mul3A_57 : i32
      "tpu.region"() ({
        %run_scoped3A = tpu.sem_alloc : memref<!tpu.dma_semaphore, #tpu.memory_space<semaphore_mem>>
        %dma_start3A = arith.constant 0 : i32
        %dma_start3A_59 = tpu.memref_slice %arg5[%arg0, %mul3A_58, %dma_start3A] : memref<2x10000x128xf32, #tpu.memory_space<hbm>> -> memref<1x200x128xf32, #tpu.memory_space<hbm>>
        %dma_start3A_60 = tpu.memref_squeeze %dma_start3A_59 : memref<1x200x128xf32, #tpu.memory_space<hbm>> -> memref<200x128xf32, #tpu.memory_space<hbm>>
        %dma_start3A_61 = arith.constant 0 : i32
        %dma_start3A_62 = tpu.memref_slice %arg9[%mul3A_58, %dma_start3A_61] : memref<10000x128xf32, #tpu.memory_space<vmem_shared>> -> memref<200x128xf32, #tpu.memory_space<vmem_shared>>
        tpu.enqueue_dma source(%dma_start3A_62 : memref<200x128xf32, #tpu.memory_space<vmem_shared>>) target(%dma_start3A_60 : memref<200x128xf32, #tpu.memory_space<hbm>>) target_semaphore(%run_scoped3A : memref<!tpu.dma_semaphore, #tpu.memory_space<semaphore_mem>>)
        %dma_wait3A = arith.constant 0 : i32
        %dma_wait3A_63 = tpu.memref_slice %arg5[%arg0, %mul3A_58, %dma_wait3A] : memref<2x10000x128xf32, #tpu.memory_space<hbm>> -> memref<1x200x128xf32, #tpu.memory_space<hbm>>
        %dma_wait3A_64 = tpu.memref_squeeze %dma_wait3A_63 : memref<1x200x128xf32, #tpu.memory_space<hbm>> -> memref<200x128xf32, #tpu.memory_space<hbm>>
        %dma_wait3A_65 = arith.constant 0 : i32
        %dma_wait3A_66 = tpu.memref_slice %arg9[%mul3A_58, %dma_wait3A_65] : memref<10000x128xf32, #tpu.memory_space<vmem_shared>> -> memref<200x128xf32, #tpu.memory_space<vmem_shared>>
        tpu.wait_dma2 semaphore(%run_scoped3A : memref<!tpu.dma_semaphore, #tpu.memory_space<semaphore_mem>>) src(%dma_wait3A_66 : memref<200x128xf32, #tpu.memory_space<vmem_shared>>) dst(%dma_wait3A_64 : memref<200x128xf32, #tpu.memory_space<hbm>>)
        tpu.yield
      }) : () -> ()
    } else {
    }
    return
  }
}

#map = affine_map<(d0, d1) -> (0, 0, 0)>
module attributes {stable_mosaic.version = 14 : i64} {
  func.func @_sc_deg_body(%arg0: i32, %arg1: i32, %arg2: memref<32x80x125xi32, #tpu.memory_space<hbm>>, %arg3: memref<2x10000x128xf32, #tpu.memory_space<hbm>>, %arg4: memref<80x125xi32, #tpu.memory_space<vmem>>, %arg5: memref<125x128xf32, #tpu.memory_space<vmem>>, %arg6: memref<10000x128xf32, #tpu.memory_space<vmem_shared>>) attributes {dimension_semantics = [#tpu.dimension_semantics<core_parallel>, #tpu.dimension_semantics<subcore_parallel>], iteration_bounds = array<i64: 2, 16>, scalar_prefetch = 0 : i64, scratch_operands = 3 : i64, tpu.core_type = #tpu.core_type<sc_vector_subcore>, window_params = [{transform_indices = #map}, {transform_indices = #map}]} {
    %mul3A = arith.constant 2 : i32
    %mul3A_0 = arith.muli %arg1, %mul3A : i32
    %add3A = arith.addi %mul3A_0, %arg0 : i32
    %broadcast_in_dim3A = arith.constant 0.000000e+00 : f32
    %broadcast_in_dim3A_1 = vector.broadcast %broadcast_in_dim3A : f32 to vector<16xf32>
    %broadcast_in_dim3A_2 = arith.constant 1.000000e+00 : f32
    %broadcast_in_dim3A_3 = vector.broadcast %broadcast_in_dim3A_2 : f32 to vector<16xf32>
    %scan3A = arith.constant 0 : i32
    %scan3A_4 = arith.constant 0 : i32
    %scan3A_5 = arith.constant 125 : i32
    %scan3A_6 = arith.addi %scan3A_4, %scan3A_5 : i32
    %scan3A_7 = arith.constant 1 : i32
    %scan3A_8 = scf.for %scan3A_64 = %scan3A_4 to %scan3A_6 step %scan3A_7 iter_args(%scan3A_65 = %scan3A) -> (i32)  : i32 {
      %swap3A = arith.index_cast %scan3A_64 : i32 to index
      %swap3A_66 = arith.constant 0 : index
      %swap3A_67 = tpu.vector_load %arg5[%swap3A, %swap3A_66] {strides = array<i32>} : memref<125x128xf32, #tpu.memory_space<vmem>>, vector<1x16xf32>,
      %swap3A_68 = vector.shape_cast %swap3A_67 : vector<1x16xf32> to vector<16xf32>
      %swap3A_69 = vector.shape_cast %broadcast_in_dim3A_1 : vector<16xf32> to vector<1x16xf32>
      tpu.vector_store %arg5[%swap3A, %swap3A_66], %swap3A_69 {strides = array<i32>} : memref<125x128xf32, #tpu.memory_space<vmem>>, vector<1x16xf32>,
      %swap3A_70 = arith.index_cast %scan3A_64 : i32 to index
      %swap3A_71 = arith.constant 16 : index
      %swap3A_72 = tpu.vector_load %arg5[%swap3A_70, %swap3A_71] {strides = array<i32>} : memref<125x128xf32, #tpu.memory_space<vmem>>, vector<1x16xf32>,
      %swap3A_73 = vector.shape_cast %swap3A_72 : vector<1x16xf32> to vector<16xf32>
      %swap3A_74 = vector.shape_cast %broadcast_in_dim3A_1 : vector<16xf32> to vector<1x16xf32>
      tpu.vector_store %arg5[%swap3A_70, %swap3A_71], %swap3A_74 {strides = array<i32>} : memref<125x128xf32, #tpu.memory_space<vmem>>, vector<1x16xf32>,
      %swap3A_75 = arith.index_cast %scan3A_64 : i32 to index
      %swap3A_76 = arith.constant 32 : index
      %swap3A_77 = tpu.vector_load %arg5[%swap3A_75, %swap3A_76] {strides = array<i32>} : memref<125x128xf32, #tpu.memory_space<vmem>>, vector<1x16xf32>,
      %swap3A_78 = vector.shape_cast %swap3A_77 : vector<1x16xf32> to vector<16xf32>
      %swap3A_79 = vector.shape_cast %broadcast_in_dim3A_1 : vector<16xf32> to vector<1x16xf32>
      tpu.vector_store %arg5[%swap3A_75, %swap3A_76], %swap3A_79 {strides = array<i32>} : memref<125x128xf32, #tpu.memory_space<vmem>>, vector<1x16xf32>,
      %swap3A_80 = arith.index_cast %scan3A_64 : i32 to index
      %swap3A_81 = arith.constant 48 : index
      %swap3A_82 = tpu.vector_load %arg5[%swap3A_80, %swap3A_81] {strides = array<i32>} : memref<125x128xf32, #tpu.memory_space<vmem>>, vector<1x16xf32>,
      %swap3A_83 = vector.shape_cast %swap3A_82 : vector<1x16xf32> to vector<16xf32>
      %swap3A_84 = vector.shape_cast %broadcast_in_dim3A_1 : vector<16xf32> to vector<1x16xf32>
      tpu.vector_store %arg5[%swap3A_80, %swap3A_81], %swap3A_84 {strides = array<i32>} : memref<125x128xf32, #tpu.memory_space<vmem>>, vector<1x16xf32>,
      %swap3A_85 = arith.index_cast %scan3A_64 : i32 to index
      %swap3A_86 = arith.constant 64 : index
      %swap3A_87 = tpu.vector_load %arg5[%swap3A_85, %swap3A_86] {strides = array<i32>} : memref<125x128xf32, #tpu.memory_space<vmem>>, vector<1x16xf32>,
      %swap3A_88 = vector.shape_cast %swap3A_87 : vector<1x16xf32> to vector<16xf32>
      %swap3A_89 = vector.shape_cast %broadcast_in_dim3A_1 : vector<16xf32> to vector<1x16xf32>
      tpu.vector_store %arg5[%swap3A_85, %swap3A_86], %swap3A_89 {strides = array<i32>} : memref<125x128xf32, #tpu.memory_space<vmem>>, vector<1x16xf32>,
      %swap3A_90 = arith.index_cast %scan3A_64 : i32 to index
      %swap3A_91 = arith.constant 80 : index
      %swap3A_92 = tpu.vector_load %arg5[%swap3A_90, %swap3A_91] {strides = array<i32>} : memref<125x128xf32, #tpu.memory_space<vmem>>, vector<1x16xf32>,
      %swap3A_93 = vector.shape_cast %swap3A_92 : vector<1x16xf32> to vector<16xf32>
      %swap3A_94 = vector.shape_cast %broadcast_in_dim3A_1 : vector<16xf32> to vector<1x16xf32>
      tpu.vector_store %arg5[%swap3A_90, %swap3A_91], %swap3A_94 {strides = array<i32>} : memref<125x128xf32, #tpu.memory_space<vmem>>, vector<1x16xf32>,
      %swap3A_95 = arith.index_cast %scan3A_64 : i32 to index
      %swap3A_96 = arith.constant 96 : index
      %swap3A_97 = tpu.vector_load %arg5[%swap3A_95, %swap3A_96] {strides = array<i32>} : memref<125x128xf32, #tpu.memory_space<vmem>>, vector<1x16xf32>,
      %swap3A_98 = vector.shape_cast %swap3A_97 : vector<1x16xf32> to vector<16xf32>
      %swap3A_99 = vector.shape_cast %broadcast_in_dim3A_1 : vector<16xf32> to vector<1x16xf32>
      tpu.vector_store %arg5[%swap3A_95, %swap3A_96], %swap3A_99 {strides = array<i32>} : memref<125x128xf32, #tpu.memory_space<vmem>>, vector<1x16xf32>,
      %swap3A_100 = arith.index_cast %scan3A_64 : i32 to index
      %swap3A_101 = arith.constant 112 : index
      %swap3A_102 = tpu.vector_load %arg5[%swap3A_100, %swap3A_101] {strides = array<i32>} : memref<125x128xf32, #tpu.memory_space<vmem>>, vector<1x16xf32>,
      %swap3A_103 = vector.shape_cast %swap3A_102 : vector<1x16xf32> to vector<16xf32>
      %swap3A_104 = vector.shape_cast %broadcast_in_dim3A_1 : vector<16xf32> to vector<1x16xf32>
      tpu.vector_store %arg5[%swap3A_100, %swap3A_101], %swap3A_104 {strides = array<i32>} : memref<125x128xf32, #tpu.memory_space<vmem>>, vector<1x16xf32>,
      %scan3A_105 = arith.constant 0 : i32
      scf.yield %scan3A_105 : i32
    }
    %scan3A_9 = arith.constant 125 : i32
    %add3A_10 = arith.constant 0 : i32
    %add3A_11 = arith.addi %add3A_10, %arg1 : i32
    %mul3A_12 = arith.constant 125 : i32
    %mul3A_13 = arith.muli %add3A_11, %mul3A_12 : i32
    "tpu.region"() ({
      %run_scoped3A = tpu.sem_alloc : memref<!tpu.dma_semaphore, #tpu.memory_space<semaphore_mem>>
      %dma_start3A = arith.constant 0 : i32
      %dma_start3A_64 = tpu.memref_slice %arg6[%mul3A_13, %dma_start3A] : memref<10000x128xf32, #tpu.memory_space<vmem_shared>> -> memref<125x128xf32, #tpu.memory_space<vmem_shared>>
      %dma_start3A_65 = arith.constant 0 : i32
      %dma_start3A_66 = tpu.memref_slice %arg6[%mul3A_13, %dma_start3A_65] : memref<10000x128xf32, #tpu.memory_space<vmem_shared>> -> memref<125x128xf32, #tpu.memory_space<vmem_shared>>
      tpu.enqueue_dma source(%arg5 : memref<125x128xf32, #tpu.memory_space<vmem>>) target(%dma_start3A_66 : memref<125x128xf32, #tpu.memory_space<vmem_shared>>) target_semaphore(%run_scoped3A : memref<!tpu.dma_semaphore, #tpu.memory_space<semaphore_mem>>)
      %dma_wait3A = arith.constant 0 : i32
      %dma_wait3A_67 = tpu.memref_slice %arg6[%mul3A_13, %dma_wait3A] : memref<10000x128xf32, #tpu.memory_space<vmem_shared>> -> memref<125x128xf32, #tpu.memory_space<vmem_shared>>
      %dma_wait3A_68 = arith.constant 0 : i32
      %dma_wait3A_69 = tpu.memref_slice %arg6[%mul3A_13, %dma_wait3A_68] : memref<10000x128xf32, #tpu.memory_space<vmem_shared>> -> memref<125x128xf32, #tpu.memory_space<vmem_shared>>
      tpu.wait_dma2 semaphore(%run_scoped3A : memref<!tpu.dma_semaphore, #tpu.memory_space<semaphore_mem>>) src(%arg5 : memref<125x128xf32, #tpu.memory_space<vmem>>) dst(%dma_wait3A_69 : memref<125x128xf32, #tpu.memory_space<vmem_shared>>)
      tpu.yield
    }) : () -> ()
    %add3A_14 = arith.constant 16 : i32
    %add3A_15 = arith.addi %add3A_14, %arg1 : i32
    %mul3A_16 = arith.constant 125 : i32
    %mul3A_17 = arith.muli %add3A_15, %mul3A_16 : i32
    "tpu.region"() ({
      %run_scoped3A = tpu.sem_alloc : memref<!tpu.dma_semaphore, #tpu.memory_space<semaphore_mem>>
      %dma_start3A = arith.constant 0 : i32
      %dma_start3A_64 = tpu.memref_slice %arg6[%mul3A_17, %dma_start3A] : memref<10000x128xf32, #tpu.memory_space<vmem_shared>> -> memref<125x128xf32, #tpu.memory_space<vmem_shared>>
      %dma_start3A_65 = arith.constant 0 : i32
      %dma_start3A_66 = tpu.memref_slice %arg6[%mul3A_17, %dma_start3A_65] : memref<10000x128xf32, #tpu.memory_space<vmem_shared>> -> memref<125x128xf32, #tpu.memory_space<vmem_shared>>
      tpu.enqueue_dma source(%arg5 : memref<125x128xf32, #tpu.memory_space<vmem>>) target(%dma_start3A_66 : memref<125x128xf32, #tpu.memory_space<vmem_shared>>) target_semaphore(%run_scoped3A : memref<!tpu.dma_semaphore, #tpu.memory_space<semaphore_mem>>)
      %dma_wait3A = arith.constant 0 : i32
      %dma_wait3A_67 = tpu.memref_slice %arg6[%mul3A_17, %dma_wait3A] : memref<10000x128xf32, #tpu.memory_space<vmem_shared>> -> memref<125x128xf32, #tpu.memory_space<vmem_shared>>
      %dma_wait3A_68 = arith.constant 0 : i32
      %dma_wait3A_69 = tpu.memref_slice %arg6[%mul3A_17, %dma_wait3A_68] : memref<10000x128xf32, #tpu.memory_space<vmem_shared>> -> memref<125x128xf32, #tpu.memory_space<vmem_shared>>
      tpu.wait_dma2 semaphore(%run_scoped3A : memref<!tpu.dma_semaphore, #tpu.memory_space<semaphore_mem>>) src(%arg5 : memref<125x128xf32, #tpu.memory_space<vmem>>) dst(%dma_wait3A_69 : memref<125x128xf32, #tpu.memory_space<vmem_shared>>)
      tpu.yield
    }) : () -> ()
    %add3A_18 = arith.constant 32 : i32
    %add3A_19 = arith.addi %add3A_18, %arg1 : i32
    %mul3A_20 = arith.constant 125 : i32
    %mul3A_21 = arith.muli %add3A_19, %mul3A_20 : i32
    "tpu.region"() ({
      %run_scoped3A = tpu.sem_alloc : memref<!tpu.dma_semaphore, #tpu.memory_space<semaphore_mem>>
      %dma_start3A = arith.constant 0 : i32
      %dma_start3A_64 = tpu.memref_slice %arg6[%mul3A_21, %dma_start3A] : memref<10000x128xf32, #tpu.memory_space<vmem_shared>> -> memref<125x128xf32, #tpu.memory_space<vmem_shared>>
      %dma_start3A_65 = arith.constant 0 : i32
      %dma_start3A_66 = tpu.memref_slice %arg6[%mul3A_21, %dma_start3A_65] : memref<10000x128xf32, #tpu.memory_space<vmem_shared>> -> memref<125x128xf32, #tpu.memory_space<vmem_shared>>
      tpu.enqueue_dma source(%arg5 : memref<125x128xf32, #tpu.memory_space<vmem>>) target(%dma_start3A_66 : memref<125x128xf32, #tpu.memory_space<vmem_shared>>) target_semaphore(%run_scoped3A : memref<!tpu.dma_semaphore, #tpu.memory_space<semaphore_mem>>)
      %dma_wait3A = arith.constant 0 : i32
      %dma_wait3A_67 = tpu.memref_slice %arg6[%mul3A_21, %dma_wait3A] : memref<10000x128xf32, #tpu.memory_space<vmem_shared>> -> memref<125x128xf32, #tpu.memory_space<vmem_shared>>
      %dma_wait3A_68 = arith.constant 0 : i32
      %dma_wait3A_69 = tpu.memref_slice %arg6[%mul3A_21, %dma_wait3A_68] : memref<10000x128xf32, #tpu.memory_space<vmem_shared>> -> memref<125x128xf32, #tpu.memory_space<vmem_shared>>
      tpu.wait_dma2 semaphore(%run_scoped3A : memref<!tpu.dma_semaphore, #tpu.memory_space<semaphore_mem>>) src(%arg5 : memref<125x128xf32, #tpu.memory_space<vmem>>) dst(%dma_wait3A_69 : memref<125x128xf32, #tpu.memory_space<vmem_shared>>)
      tpu.yield
    }) : () -> ()
    %add3A_22 = arith.constant 48 : i32
    %add3A_23 = arith.addi %add3A_22, %arg1 : i32
    %mul3A_24 = arith.constant 125 : i32
    %mul3A_25 = arith.muli %add3A_23, %mul3A_24 : i32
    "tpu.region"() ({
      %run_scoped3A = tpu.sem_alloc : memref<!tpu.dma_semaphore, #tpu.memory_space<semaphore_mem>>
      %dma_start3A = arith.constant 0 : i32
      %dma_start3A_64 = tpu.memref_slice %arg6[%mul3A_25, %dma_start3A] : memref<10000x128xf32, #tpu.memory_space<vmem_shared>> -> memref<125x128xf32, #tpu.memory_space<vmem_shared>>
      %dma_start3A_65 = arith.constant 0 : i32
      %dma_start3A_66 = tpu.memref_slice %arg6[%mul3A_25, %dma_start3A_65] : memref<10000x128xf32, #tpu.memory_space<vmem_shared>> -> memref<125x128xf32, #tpu.memory_space<vmem_shared>>
      tpu.enqueue_dma source(%arg5 : memref<125x128xf32, #tpu.memory_space<vmem>>) target(%dma_start3A_66 : memref<125x128xf32, #tpu.memory_space<vmem_shared>>) target_semaphore(%run_scoped3A : memref<!tpu.dma_semaphore, #tpu.memory_space<semaphore_mem>>)
      %dma_wait3A = arith.constant 0 : i32
      %dma_wait3A_67 = tpu.memref_slice %arg6[%mul3A_25, %dma_wait3A] : memref<10000x128xf32, #tpu.memory_space<vmem_shared>> -> memref<125x128xf32, #tpu.memory_space<vmem_shared>>
      %dma_wait3A_68 = arith.constant 0 : i32
      %dma_wait3A_69 = tpu.memref_slice %arg6[%mul3A_25, %dma_wait3A_68] : memref<10000x128xf32, #tpu.memory_space<vmem_shared>> -> memref<125x128xf32, #tpu.memory_space<vmem_shared>>
      tpu.wait_dma2 semaphore(%run_scoped3A : memref<!tpu.dma_semaphore, #tpu.memory_space<semaphore_mem>>) src(%arg5 : memref<125x128xf32, #tpu.memory_space<vmem>>) dst(%dma_wait3A_69 : memref<125x128xf32, #tpu.memory_space<vmem_shared>>)
      tpu.yield
    }) : () -> ()
    %add3A_26 = arith.constant 64 : i32
    %add3A_27 = arith.addi %add3A_26, %arg1 : i32
    %mul3A_28 = arith.constant 125 : i32
    %mul3A_29 = arith.muli %add3A_27, %mul3A_28 : i32
    "tpu.region"() ({
      %run_scoped3A = tpu.sem_alloc : memref<!tpu.dma_semaphore, #tpu.memory_space<semaphore_mem>>
      %dma_start3A = arith.constant 0 : i32
      %dma_start3A_64 = tpu.memref_slice %arg6[%mul3A_29, %dma_start3A] : memref<10000x128xf32, #tpu.memory_space<vmem_shared>> -> memref<125x128xf32, #tpu.memory_space<vmem_shared>>
      %dma_start3A_65 = arith.constant 0 : i32
      %dma_start3A_66 = tpu.memref_slice %arg6[%mul3A_29, %dma_start3A_65] : memref<10000x128xf32, #tpu.memory_space<vmem_shared>> -> memref<125x128xf32, #tpu.memory_space<vmem_shared>>
      tpu.enqueue_dma source(%arg5 : memref<125x128xf32, #tpu.memory_space<vmem>>) target(%dma_start3A_66 : memref<125x128xf32, #tpu.memory_space<vmem_shared>>) target_semaphore(%run_scoped3A : memref<!tpu.dma_semaphore, #tpu.memory_space<semaphore_mem>>)
      %dma_wait3A = arith.constant 0 : i32
      %dma_wait3A_67 = tpu.memref_slice %arg6[%mul3A_29, %dma_wait3A] : memref<10000x128xf32, #tpu.memory_space<vmem_shared>> -> memref<125x128xf32, #tpu.memory_space<vmem_shared>>
      %dma_wait3A_68 = arith.constant 0 : i32
      %dma_wait3A_69 = tpu.memref_slice %arg6[%mul3A_29, %dma_wait3A_68] : memref<10000x128xf32, #tpu.memory_space<vmem_shared>> -> memref<125x128xf32, #tpu.memory_space<vmem_shared>>
      tpu.wait_dma2 semaphore(%run_scoped3A : memref<!tpu.dma_semaphore, #tpu.memory_space<semaphore_mem>>) src(%arg5 : memref<125x128xf32, #tpu.memory_space<vmem>>) dst(%dma_wait3A_69 : memref<125x128xf32, #tpu.memory_space<vmem_shared>>)
      tpu.yield
    }) : () -> ()
    %lt3A = arith.constant 0 : i32
    %lt3A_30 = arith.cmpi slt, %arg1, %lt3A : i32
    %convert_element_type3A = arith.extui %lt3A_30 : i1 to i32
    %cond3A = arith.constant 0 : i32
    %cond3A_31 = arith.cmpi ne, %convert_element_type3A, %cond3A : i32
    scf.if %cond3A_31 {
      %add3A_64 = arith.constant 80 : i32
      %add3A_65 = arith.addi %add3A_64, %arg1 : i32
      %mul3A_66 = arith.constant 125 : i32
      %mul3A_67 = arith.muli %add3A_65, %mul3A_66 : i32
      "tpu.region"() ({
        %run_scoped3A = tpu.sem_alloc : memref<!tpu.dma_semaphore, #tpu.memory_space<semaphore_mem>>
        %dma_start3A = arith.constant 0 : i32
        %dma_start3A_68 = tpu.memref_slice %arg6[%mul3A_67, %dma_start3A] : memref<10000x128xf32, #tpu.memory_space<vmem_shared>> -> memref<125x128xf32, #tpu.memory_space<vmem_shared>>
        %dma_start3A_69 = arith.constant 0 : i32
        %dma_start3A_70 = tpu.memref_slice %arg6[%mul3A_67, %dma_start3A_69] : memref<10000x128xf32, #tpu.memory_space<vmem_shared>> -> memref<125x128xf32, #tpu.memory_space<vmem_shared>>
        tpu.enqueue_dma source(%arg5 : memref<125x128xf32, #tpu.memory_space<vmem>>) target(%dma_start3A_70 : memref<125x128xf32, #tpu.memory_space<vmem_shared>>) target_semaphore(%run_scoped3A : memref<!tpu.dma_semaphore, #tpu.memory_space<semaphore_mem>>)
        %dma_wait3A = arith.constant 0 : i32
        %dma_wait3A_71 = tpu.memref_slice %arg6[%mul3A_67, %dma_wait3A] : memref<10000x128xf32, #tpu.memory_space<vmem_shared>> -> memref<125x128xf32, #tpu.memory_space<vmem_shared>>
        %dma_wait3A_72 = arith.constant 0 : i32
        %dma_wait3A_73 = tpu.memref_slice %arg6[%mul3A_67, %dma_wait3A_72] : memref<10000x128xf32, #tpu.memory_space<vmem_shared>> -> memref<125x128xf32, #tpu.memory_space<vmem_shared>>
        tpu.wait_dma2 semaphore(%run_scoped3A : memref<!tpu.dma_semaphore, #tpu.memory_space<semaphore_mem>>) src(%arg5 : memref<125x128xf32, #tpu.memory_space<vmem>>) dst(%dma_wait3A_73 : memref<125x128xf32, #tpu.memory_space<vmem_shared>>)
        tpu.yield
      }) : () -> ()
    } else {
    }
    %scan3A_32 = arith.constant 0 : i32
    %scan3A_33 = arith.constant 0 : i32
    %scan3A_34 = arith.constant 125 : i32
    %scan3A_35 = arith.addi %scan3A_33, %scan3A_34 : i32
    %scan3A_36 = arith.constant 1 : i32
    %scan3A_37 = scf.for %scan3A_64 = %scan3A_33 to %scan3A_35 step %scan3A_36 iter_args(%scan3A_65 = %scan3A_32) -> (i32)  : i32 {
      %swap3A = arith.index_cast %scan3A_64 : i32 to index
      %swap3A_66 = arith.constant 0 : index
      %swap3A_67 = tpu.vector_load %arg5[%swap3A, %swap3A_66] {strides = array<i32>} : memref<125x128xf32, #tpu.memory_space<vmem>>, vector<1x16xf32>,
      %swap3A_68 = vector.shape_cast %swap3A_67 : vector<1x16xf32> to vector<16xf32>
      %swap3A_69 = vector.shape_cast %broadcast_in_dim3A_3 : vector<16xf32> to vector<1x16xf32>
      tpu.vector_store %arg5[%swap3A, %swap3A_66], %swap3A_69 {strides = array<i32>} : memref<125x128xf32, #tpu.memory_space<vmem>>, vector<1x16xf32>,
      %swap3A_70 = arith.index_cast %scan3A_64 : i32 to index
      %swap3A_71 = arith.constant 16 : index
      %swap3A_72 = tpu.vector_load %arg5[%swap3A_70, %swap3A_71] {strides = array<i32>} : memref<125x128xf32, #tpu.memory_space<vmem>>, vector<1x16xf32>,
      %swap3A_73 = vector.shape_cast %swap3A_72 : vector<1x16xf32> to vector<16xf32>
      %swap3A_74 = vector.shape_cast %broadcast_in_dim3A_3 : vector<16xf32> to vector<1x16xf32>
      tpu.vector_store %arg5[%swap3A_70, %swap3A_71], %swap3A_74 {strides = array<i32>} : memref<125x128xf32, #tpu.memory_space<vmem>>, vector<1x16xf32>,
      %swap3A_75 = arith.index_cast %scan3A_64 : i32 to index
      %swap3A_76 = arith.constant 32 : index
      %swap3A_77 = tpu.vector_load %arg5[%swap3A_75, %swap3A_76] {strides = array<i32>} : memref<125x128xf32, #tpu.memory_space<vmem>>, vector<1x16xf32>,
      %swap3A_78 = vector.shape_cast %swap3A_77 : vector<1x16xf32> to vector<16xf32>
      %swap3A_79 = vector.shape_cast %broadcast_in_dim3A_3 : vector<16xf32> to vector<1x16xf32>
      tpu.vector_store %arg5[%swap3A_75, %swap3A_76], %swap3A_79 {strides = array<i32>} : memref<125x128xf32, #tpu.memory_space<vmem>>, vector<1x16xf32>,
      %swap3A_80 = arith.index_cast %scan3A_64 : i32 to index
      %swap3A_81 = arith.constant 48 : index
      %swap3A_82 = tpu.vector_load %arg5[%swap3A_80, %swap3A_81] {strides = array<i32>} : memref<125x128xf32, #tpu.memory_space<vmem>>, vector<1x16xf32>,
      %swap3A_83 = vector.shape_cast %swap3A_82 : vector<1x16xf32> to vector<16xf32>
      %swap3A_84 = vector.shape_cast %broadcast_in_dim3A_3 : vector<16xf32> to vector<1x16xf32>
      tpu.vector_store %arg5[%swap3A_80, %swap3A_81], %swap3A_84 {strides = array<i32>} : memref<125x128xf32, #tpu.memory_space<vmem>>, vector<1x16xf32>,
      %swap3A_85 = arith.index_cast %scan3A_64 : i32 to index
      %swap3A_86 = arith.constant 64 : index
      %swap3A_87 = tpu.vector_load %arg5[%swap3A_85, %swap3A_86] {strides = array<i32>} : memref<125x128xf32, #tpu.memory_space<vmem>>, vector<1x16xf32>,
      %swap3A_88 = vector.shape_cast %swap3A_87 : vector<1x16xf32> to vector<16xf32>
      %swap3A_89 = vector.shape_cast %broadcast_in_dim3A_3 : vector<16xf32> to vector<1x16xf32>
      tpu.vector_store %arg5[%swap3A_85, %swap3A_86], %swap3A_89 {strides = array<i32>} : memref<125x128xf32, #tpu.memory_space<vmem>>, vector<1x16xf32>,
      %swap3A_90 = arith.index_cast %scan3A_64 : i32 to index
      %swap3A_91 = arith.constant 80 : index
      %swap3A_92 = tpu.vector_load %arg5[%swap3A_90, %swap3A_91] {strides = array<i32>} : memref<125x128xf32, #tpu.memory_space<vmem>>, vector<1x16xf32>,
      %swap3A_93 = vector.shape_cast %swap3A_92 : vector<1x16xf32> to vector<16xf32>
      %swap3A_94 = vector.shape_cast %broadcast_in_dim3A_3 : vector<16xf32> to vector<1x16xf32>
      tpu.vector_store %arg5[%swap3A_90, %swap3A_91], %swap3A_94 {strides = array<i32>} : memref<125x128xf32, #tpu.memory_space<vmem>>, vector<1x16xf32>,
      %swap3A_95 = arith.index_cast %scan3A_64 : i32 to index
      %swap3A_96 = arith.constant 96 : index
      %swap3A_97 = tpu.vector_load %arg5[%swap3A_95, %swap3A_96] {strides = array<i32>} : memref<125x128xf32, #tpu.memory_space<vmem>>, vector<1x16xf32>,
      %swap3A_98 = vector.shape_cast %swap3A_97 : vector<1x16xf32> to vector<16xf32>
      %swap3A_99 = vector.shape_cast %broadcast_in_dim3A_3 : vector<16xf32> to vector<1x16xf32>
      tpu.vector_store %arg5[%swap3A_95, %swap3A_96], %swap3A_99 {strides = array<i32>} : memref<125x128xf32, #tpu.memory_space<vmem>>, vector<1x16xf32>,
      %swap3A_100 = arith.index_cast %scan3A_64 : i32 to index
      %swap3A_101 = arith.constant 112 : index
      %swap3A_102 = tpu.vector_load %arg5[%swap3A_100, %swap3A_101] {strides = array<i32>} : memref<125x128xf32, #tpu.memory_space<vmem>>, vector<1x16xf32>,
      %swap3A_103 = vector.shape_cast %swap3A_102 : vector<1x16xf32> to vector<16xf32>
      %swap3A_104 = vector.shape_cast %broadcast_in_dim3A_3 : vector<16xf32> to vector<1x16xf32>
      tpu.vector_store %arg5[%swap3A_100, %swap3A_101], %swap3A_104 {strides = array<i32>} : memref<125x128xf32, #tpu.memory_space<vmem>>, vector<1x16xf32>,
      %scan3A_105 = arith.constant 0 : i32
      scf.yield %scan3A_105 : i32
    }
    %scan3A_38 = arith.constant 125 : i32
    "tpu.region"() ({
      %run_scoped3A = tpu.sem_alloc : memref<!tpu.dma_semaphore, #tpu.memory_space<semaphore_mem>>
      %dma_start3A = arith.constant 0 : i32
      %dma_start3A_64 = arith.constant 0 : i32
      %dma_start3A_65 = tpu.memref_slice %arg2[%add3A, %dma_start3A, %dma_start3A_64] : memref<32x80x125xi32, #tpu.memory_space<hbm>> -> memref<1x80x125xi32, #tpu.memory_space<hbm>>
      %dma_start3A_66 = tpu.memref_squeeze %dma_start3A_65 : memref<1x80x125xi32, #tpu.memory_space<hbm>> -> memref<80x125xi32, #tpu.memory_space<hbm>>
      %dma_start3A_67 = arith.constant 0 : i32
      %dma_start3A_68 = arith.constant 0 : i32
      %dma_start3A_69 = tpu.memref_slice %arg2[%add3A, %dma_start3A_67, %dma_start3A_68] : memref<32x80x125xi32, #tpu.memory_space<hbm>> -> memref<1x80x125xi32, #tpu.memory_space<hbm>>
      %dma_start3A_70 = tpu.memref_squeeze %dma_start3A_69 : memref<1x80x125xi32, #tpu.memory_space<hbm>> -> memref<80x125xi32, #tpu.memory_space<hbm>>
      tpu.enqueue_dma source(%dma_start3A_70 : memref<80x125xi32, #tpu.memory_space<hbm>>) target(%arg4 : memref<80x125xi32, #tpu.memory_space<vmem>>) target_semaphore(%run_scoped3A : memref<!tpu.dma_semaphore, #tpu.memory_space<semaphore_mem>>)
      %dma_wait3A = arith.constant 0 : i32
      %dma_wait3A_71 = arith.constant 0 : i32
      %dma_wait3A_72 = tpu.memref_slice %arg2[%add3A, %dma_wait3A, %dma_wait3A_71] : memref<32x80x125xi32, #tpu.memory_space<hbm>> -> memref<1x80x125xi32, #tpu.memory_space<hbm>>
      %dma_wait3A_73 = tpu.memref_squeeze %dma_wait3A_72 : memref<1x80x125xi32, #tpu.memory_space<hbm>> -> memref<80x125xi32, #tpu.memory_space<hbm>>
      %dma_wait3A_74 = arith.constant 0 : i32
      %dma_wait3A_75 = arith.constant 0 : i32
      %dma_wait3A_76 = tpu.memref_slice %arg2[%add3A, %dma_wait3A_74, %dma_wait3A_75] : memref<32x80x125xi32, #tpu.memory_space<hbm>> -> memref<1x80x125xi32, #tpu.memory_space<hbm>>
      %dma_wait3A_77 = tpu.memref_squeeze %dma_wait3A_76 : memref<1x80x125xi32, #tpu.memory_space<hbm>> -> memref<80x125xi32, #tpu.memory_space<hbm>>
      tpu.wait_dma2 semaphore(%run_scoped3A : memref<!tpu.dma_semaphore, #tpu.memory_space<semaphore_mem>>) src(%dma_wait3A_77 : memref<80x125xi32, #tpu.memory_space<hbm>>) dst(%arg4 : memref<80x125xi32, #tpu.memory_space<vmem>>)
      tpu.yield
    }) : () -> ()
    %barrier3A = arith.constant 0 : index
    tpu.barrier barrier_id(%barrier3A)
    %scan3A_39 = arith.constant 0 : i32
    %scan3A_40 = arith.constant 0 : i32
    %scan3A_41 = arith.constant 80 : i32
    %scan3A_42 = arith.addi %scan3A_40, %scan3A_41 : i32
    %scan3A_43 = arith.constant 1 : i32
    %scan3A_44 = scf.for %scan3A_64 = %scan3A_40 to %scan3A_42 step %scan3A_43 iter_args(%scan3A_65 = %scan3A_39) -> (i32)  : i32 {
      "tpu.region"() ({
        %run_scoped3A = tpu.sem_alloc : memref<!tpu.dma_semaphore, #tpu.memory_space<semaphore_mem>>
        %dma_start3A = arith.constant 0 : i32
        %dma_start3A_67 = tpu.memref_slice %arg4[%scan3A_64, %dma_start3A] : memref<80x125xi32, #tpu.memory_space<vmem>> -> memref<1x125xi32, #tpu.memory_space<vmem>>
        %dma_start3A_68 = tpu.memref_squeeze %dma_start3A_67 : memref<1x125xi32, #tpu.memory_space<vmem>> -> memref<125xi32, #tpu.memory_space<vmem>>
        %dma_start3A_69 = arith.constant 0 : i32
        %dma_start3A_70 = arith.constant 0 : i32
        %dma_start3A_71 = tpu.memref_slice %arg6[%dma_start3A_69, %dma_start3A_70] : memref<10000x128xf32, #tpu.memory_space<vmem_shared>> -> memref<10000x128xf32, #tpu.memory_space<vmem_shared>>
        tpu.enqueue_indirect_dma source(%arg5 : memref<125x128xf32, #tpu.memory_space<vmem>>) target(%dma_start3A_71 : memref<10000x128xf32, #tpu.memory_space<vmem_shared>>) offsets(%dma_start3A_68 : memref<125xi32, #tpu.memory_space<vmem>>) semaphore(%run_scoped3A : memref<!tpu.dma_semaphore, #tpu.memory_space<semaphore_mem>>) {add = true}
        %dma_wait3A = arith.constant 0 : i32
        %dma_wait3A_72 = tpu.memref_slice %arg4[%scan3A_64, %dma_wait3A] : memref<80x125xi32, #tpu.memory_space<vmem>> -> memref<1x125xi32, #tpu.memory_space<vmem>>
        %dma_wait3A_73 = tpu.memref_squeeze %dma_wait3A_72 : memref<1x125xi32, #tpu.memory_space<vmem>> -> memref<125xi32, #tpu.memory_space<vmem>>
        %dma_wait3A_74 = arith.constant 0 : i32
        %dma_wait3A_75 = arith.constant 0 : i32
        %dma_wait3A_76 = tpu.memref_slice %arg6[%dma_wait3A_74, %dma_wait3A_75] : memref<10000x128xf32, #tpu.memory_space<vmem_shared>> -> memref<10000x128xf32, #tpu.memory_space<vmem_shared>>
        tpu.wait_indirect_dma semaphore(%run_scoped3A : memref<!tpu.dma_semaphore, #tpu.memory_space<semaphore_mem>>) src(%arg5 : memref<125x128xf32, #tpu.memory_space<vmem>>) dst(%dma_wait3A_76 : memref<10000x128xf32, #tpu.memory_space<vmem_shared>>)
        tpu.yield
      }) : () -> ()
      %scan3A_66 = arith.constant 0 : i32
      scf.yield %scan3A_66 : i32
    }
    %scan3A_45 = arith.constant 80 : i32
    %barrier3A_46 = arith.constant 0 : index
    tpu.barrier barrier_id(%barrier3A_46)
    %add3A_47 = arith.constant 0 : i32
    %add3A_48 = arith.addi %add3A_47, %arg1 : i32
    %mul3A_49 = arith.constant 200 : i32
    %mul3A_50 = arith.muli %add3A_48, %mul3A_49 : i32
    "tpu.region"() ({
      %run_scoped3A = tpu.sem_alloc : memref<!tpu.dma_semaphore, #tpu.memory_space<semaphore_mem>>
      %dma_start3A = arith.constant 0 : i32
      %dma_start3A_64 = tpu.memref_slice %arg3[%arg0, %mul3A_50, %dma_start3A] : memref<2x10000x128xf32, #tpu.memory_space<hbm>> -> memref<1x200x128xf32, #tpu.memory_space<hbm>>
      %dma_start3A_65 = tpu.memref_squeeze %dma_start3A_64 : memref<1x200x128xf32, #tpu.memory_space<hbm>> -> memref<200x128xf32, #tpu.memory_space<hbm>>
      %dma_start3A_66 = arith.constant 0 : i32
      %dma_start3A_67 = tpu.memref_slice %arg6[%mul3A_50, %dma_start3A_66] : memref<10000x128xf32, #tpu.memory_space<vmem_shared>> -> memref<200x128xf32, #tpu.memory_space<vmem_shared>>
      tpu.enqueue_dma source(%dma_start3A_67 : memref<200x128xf32, #tpu.memory_space<vmem_shared>>) target(%dma_start3A_65 : memref<200x128xf32, #tpu.memory_space<hbm>>) target_semaphore(%run_scoped3A : memref<!tpu.dma_semaphore, #tpu.memory_space<semaphore_mem>>)
      %dma_wait3A = arith.constant 0 : i32
      %dma_wait3A_68 = tpu.memref_slice %arg3[%arg0, %mul3A_50, %dma_wait3A] : memref<2x10000x128xf32, #tpu.memory_space<hbm>> -> memref<1x200x128xf32, #tpu.memory_space<hbm>>
      %dma_wait3A_69 = tpu.memref_squeeze %dma_wait3A_68 : memref<1x200x128xf32, #tpu.memory_space<hbm>> -> memref<200x128xf32, #tpu.memory_space<hbm>>
      %dma_wait3A_70 = arith.constant 0 : i32
      %dma_wait3A_71 = tpu.memref_slice %arg6[%mul3A_50, %dma_wait3A_70] : memref<10000x128xf32, #tpu.memory_space<vmem_shared>> -> memref<200x128xf32, #tpu.memory_space<vmem_shared>>
      tpu.wait_dma2 semaphore(%run_scoped3A : memref<!tpu.dma_semaphore, #tpu.memory_space<semaphore_mem>>) src(%dma_wait3A_71 : memref<200x128xf32, #tpu.memory_space<vmem_shared>>) dst(%dma_wait3A_69 : memref<200x128xf32, #tpu.memory_space<hbm>>)
      tpu.yield
    }) : () -> ()
    %add3A_51 = arith.constant 16 : i32
    %add3A_52 = arith.addi %add3A_51, %arg1 : i32
    %mul3A_53 = arith.constant 200 : i32
    %mul3A_54 = arith.muli %add3A_52, %mul3A_53 : i32
    "tpu.region"() ({
      %run_scoped3A = tpu.sem_alloc : memref<!tpu.dma_semaphore, #tpu.memory_space<semaphore_mem>>
      %dma_start3A = arith.constant 0 : i32
      %dma_start3A_64 = tpu.memref_slice %arg3[%arg0, %mul3A_54, %dma_start3A] : memref<2x10000x128xf32, #tpu.memory_space<hbm>> -> memref<1x200x128xf32, #tpu.memory_space<hbm>>
      %dma_start3A_65 = tpu.memref_squeeze %dma_start3A_64 : memref<1x200x128xf32, #tpu.memory_space<hbm>> -> memref<200x128xf32, #tpu.memory_space<hbm>>
      %dma_start3A_66 = arith.constant 0 : i32
      %dma_start3A_67 = tpu.memref_slice %arg6[%mul3A_54, %dma_start3A_66] : memref<10000x128xf32, #tpu.memory_space<vmem_shared>> -> memref<200x128xf32, #tpu.memory_space<vmem_shared>>
      tpu.enqueue_dma source(%dma_start3A_67 : memref<200x128xf32, #tpu.memory_space<vmem_shared>>) target(%dma_start3A_65 : memref<200x128xf32, #tpu.memory_space<hbm>>) target_semaphore(%run_scoped3A : memref<!tpu.dma_semaphore, #tpu.memory_space<semaphore_mem>>)
      %dma_wait3A = arith.constant 0 : i32
      %dma_wait3A_68 = tpu.memref_slice %arg3[%arg0, %mul3A_54, %dma_wait3A] : memref<2x10000x128xf32, #tpu.memory_space<hbm>> -> memref<1x200x128xf32, #tpu.memory_space<hbm>>
      %dma_wait3A_69 = tpu.memref_squeeze %dma_wait3A_68 : memref<1x200x128xf32, #tpu.memory_space<hbm>> -> memref<200x128xf32, #tpu.memory_space<hbm>>
      %dma_wait3A_70 = arith.constant 0 : i32
      %dma_wait3A_71 = tpu.memref_slice %arg6[%mul3A_54, %dma_wait3A_70] : memref<10000x128xf32, #tpu.memory_space<vmem_shared>> -> memref<200x128xf32, #tpu.memory_space<vmem_shared>>
      tpu.wait_dma2 semaphore(%run_scoped3A : memref<!tpu.dma_semaphore, #tpu.memory_space<semaphore_mem>>) src(%dma_wait3A_71 : memref<200x128xf32, #tpu.memory_space<vmem_shared>>) dst(%dma_wait3A_69 : memref<200x128xf32, #tpu.memory_space<hbm>>)
      tpu.yield
    }) : () -> ()
    %add3A_55 = arith.constant 32 : i32
    %add3A_56 = arith.addi %add3A_55, %arg1 : i32
    %mul3A_57 = arith.constant 200 : i32
    %mul3A_58 = arith.muli %add3A_56, %mul3A_57 : i32
    "tpu.region"() ({
      %run_scoped3A = tpu.sem_alloc : memref<!tpu.dma_semaphore, #tpu.memory_space<semaphore_mem>>
      %dma_start3A = arith.constant 0 : i32
      %dma_start3A_64 = tpu.memref_slice %arg3[%arg0, %mul3A_58, %dma_start3A] : memref<2x10000x128xf32, #tpu.memory_space<hbm>> -> memref<1x200x128xf32, #tpu.memory_space<hbm>>
      %dma_start3A_65 = tpu.memref_squeeze %dma_start3A_64 : memref<1x200x128xf32, #tpu.memory_space<hbm>> -> memref<200x128xf32, #tpu.memory_space<hbm>>
      %dma_start3A_66 = arith.constant 0 : i32
      %dma_start3A_67 = tpu.memref_slice %arg6[%mul3A_58, %dma_start3A_66] : memref<10000x128xf32, #tpu.memory_space<vmem_shared>> -> memref<200x128xf32, #tpu.memory_space<vmem_shared>>
      tpu.enqueue_dma source(%dma_start3A_67 : memref<200x128xf32, #tpu.memory_space<vmem_shared>>) target(%dma_start3A_65 : memref<200x128xf32, #tpu.memory_space<hbm>>) target_semaphore(%run_scoped3A : memref<!tpu.dma_semaphore, #tpu.memory_space<semaphore_mem>>)
      %dma_wait3A = arith.constant 0 : i32
      %dma_wait3A_68 = tpu.memref_slice %arg3[%arg0, %mul3A_58, %dma_wait3A] : memref<2x10000x128xf32, #tpu.memory_space<hbm>> -> memref<1x200x128xf32, #tpu.memory_space<hbm>>
      %dma_wait3A_69 = tpu.memref_squeeze %dma_wait3A_68 : memref<1x200x128xf32, #tpu.memory_space<hbm>> -> memref<200x128xf32, #tpu.memory_space<hbm>>
      %dma_wait3A_70 = arith.constant 0 : i32
      %dma_wait3A_71 = tpu.memref_slice %arg6[%mul3A_58, %dma_wait3A_70] : memref<10000x128xf32, #tpu.memory_space<vmem_shared>> -> memref<200x128xf32, #tpu.memory_space<vmem_shared>>
      tpu.wait_dma2 semaphore(%run_scoped3A : memref<!tpu.dma_semaphore, #tpu.memory_space<semaphore_mem>>) src(%dma_wait3A_71 : memref<200x128xf32, #tpu.memory_space<vmem_shared>>) dst(%dma_wait3A_69 : memref<200x128xf32, #tpu.memory_space<hbm>>)
      tpu.yield
    }) : () -> ()
    %lt3A_59 = arith.constant 2 : i32
    %lt3A_60 = arith.cmpi slt, %arg1, %lt3A_59 : i32
    %convert_element_type3A_61 = arith.extui %lt3A_60 : i1 to i32
    %cond3A_62 = arith.constant 0 : i32
    %cond3A_63 = arith.cmpi ne, %convert_element_type3A_61, %cond3A_62 : i32
    scf.if %cond3A_63 {
      %add3A_64 = arith.constant 48 : i32
      %add3A_65 = arith.addi %add3A_64, %arg1 : i32
      %mul3A_66 = arith.constant 200 : i32
      %mul3A_67 = arith.muli %add3A_65, %mul3A_66 : i32
      "tpu.region"() ({
        %run_scoped3A = tpu.sem_alloc : memref<!tpu.dma_semaphore, #tpu.memory_space<semaphore_mem>>
        %dma_start3A = arith.constant 0 : i32
        %dma_start3A_68 = tpu.memref_slice %arg3[%arg0, %mul3A_67, %dma_start3A] : memref<2x10000x128xf32, #tpu.memory_space<hbm>> -> memref<1x200x128xf32, #tpu.memory_space<hbm>>
        %dma_start3A_69 = tpu.memref_squeeze %dma_start3A_68 : memref<1x200x128xf32, #tpu.memory_space<hbm>> -> memref<200x128xf32, #tpu.memory_space<hbm>>
        %dma_start3A_70 = arith.constant 0 : i32
        %dma_start3A_71 = tpu.memref_slice %arg6[%mul3A_67, %dma_start3A_70] : memref<10000x128xf32, #tpu.memory_space<vmem_shared>> -> memref<200x128xf32, #tpu.memory_space<vmem_shared>>
        tpu.enqueue_dma source(%dma_start3A_71 : memref<200x128xf32, #tpu.memory_space<vmem_shared>>) target(%dma_start3A_69 : memref<200x128xf32, #tpu.memory_space<hbm>>) target_semaphore(%run_scoped3A : memref<!tpu.dma_semaphore, #tpu.memory_space<semaphore_mem>>)
        %dma_wait3A = arith.constant 0 : i32
        %dma_wait3A_72 = tpu.memref_slice %arg3[%arg0, %mul3A_67, %dma_wait3A] : memref<2x10000x128xf32, #tpu.memory_space<hbm>> -> memref<1x200x128xf32, #tpu.memory_space<hbm>>
        %dma_wait3A_73 = tpu.memref_squeeze %dma_wait3A_72 : memref<1x200x128xf32, #tpu.memory_space<hbm>> -> memref<200x128xf32, #tpu.memory_space<hbm>>
        %dma_wait3A_74 = arith.constant 0 : i32
        %dma_wait3A_75 = tpu.memref_slice %arg6[%mul3A_67, %dma_wait3A_74] : memref<10000x128xf32, #tpu.memory_space<vmem_shared>> -> memref<200x128xf32, #tpu.memory_space<vmem_shared>>
        tpu.wait_dma2 semaphore(%run_scoped3A : memref<!tpu.dma_semaphore, #tpu.memory_space<semaphore_mem>>) src(%dma_wait3A_75 : memref<200x128xf32, #tpu.memory_space<vmem_shared>>) dst(%dma_wait3A_73 : memref<200x128xf32, #tpu.memory_space<hbm>>)
        tpu.yield
      }) : () -> ()
    } else {
    }
    return
  }
}

module attributes {stable_mosaic.version = 14 : i64} {
  func.func @body(%arg0: i32, %arg1: memref<1000x128xf32, #tpu.memory_space<vmem>>, %arg2: memref<2x1000x128xf32, #tpu.memory_space<vmem>>, %arg3: memref<2x1000x128xf32, #tpu.memory_space<vmem>>, %arg4: memref<256x128xf32, #tpu.memory_space<vmem>>, %arg5: memref<1x128xf32, #tpu.memory_space<vmem>>, %arg6: memref<1000x128xf32, #tpu.memory_space<vmem>>) attributes {dimension_semantics = [#tpu.dimension_semantics<arbitrary>], iteration_bounds = array<i64: 10>, scalar_prefetch = 0 : i64, scratch_operands = 0 : i64, tpu.core_type = #tpu.core_type<tc>, window_params = [{transform_indices = @transform_0, window_bounds = array<i64: 1000, 128>}, {transform_indices = @transform_1, window_bounds = array<i64: 2, 1000, 128>}, {transform_indices = @transform_2, window_bounds = array<i64: 2, 1000, 128>}, {pipeline_mode = #tpu.pipeline_mode<synchronous>, transform_indices = @transform_3, window_bounds = array<i64: 256, 128>}, {pipeline_mode = #tpu.pipeline_mode<synchronous>, transform_indices = @transform_4, window_bounds = array<i64: 1, 128>}, {transform_indices = @transform_5, window_bounds = array<i64: 1000, 128>}]} {
    %get3A = arith.constant 0 : index
    %get3A_0 = arith.constant 0 : index
    %get3A_1 = arith.constant 0 : index
    %get3A_2 = vector.load %arg3[%get3A, %get3A_0, %get3A_1] : memref<2x1000x128xf32, #tpu.memory_space<vmem>>, vector<1x1000x1xf32>
    %get3A_3 = vector.shape_cast %get3A_2 : vector<1x1000x1xf32> to vector<1000x1xf32>
    %get3A_4 = arith.constant 1 : index
    %get3A_5 = arith.constant 0 : index
    %get3A_6 = arith.constant 0 : index
    %get3A_7 = vector.load %arg3[%get3A_4, %get3A_5, %get3A_6] : memref<2x1000x128xf32, #tpu.memory_space<vmem>>, vector<1x1000x1xf32>
    %get3A_8 = vector.shape_cast %get3A_7 : vector<1x1000x1xf32> to vector<1000x1xf32>
    %add3A = arith.addf %get3A_3, %get3A_8 : vector<1000x1xf32>
    %max3A = arith.constant 1.000000e+00 : f32
    %max3A_9 = vector.broadcast %max3A : f32 to vector<1000x1xf32>
    %max3A_10 = arith.maximumf %add3A, %max3A_9 : vector<1000x1xf32>
    %div3A = arith.constant 1.000000e+00 : f32
    %div3A_11 = vector.broadcast %div3A : f32 to vector<1000x1xf32>
    %div3A_12 = arith.divf %div3A_11, %max3A_10 : vector<1000x1xf32>
    %get3A_13 = arith.constant 0 : index
    %get3A_14 = arith.constant 0 : index
    %get3A_15 = arith.constant 0 : index
    %get3A_16 = vector.load %arg2[%get3A_13, %get3A_14, %get3A_15] : memref<2x1000x128xf32, #tpu.memory_space<vmem>>, vector<1x1000x128xf32>
    %get3A_17 = vector.shape_cast %get3A_16 : vector<1x1000x128xf32> to vector<1000x128xf32>
    %get3A_18 = arith.constant 1 : index
    %get3A_19 = arith.constant 0 : index
    %get3A_20 = arith.constant 0 : index
    %get3A_21 = vector.load %arg2[%get3A_18, %get3A_19, %get3A_20] : memref<2x1000x128xf32, #tpu.memory_space<vmem>>, vector<1x1000x128xf32>
    %get3A_22 = vector.shape_cast %get3A_21 : vector<1x1000x128xf32> to vector<1000x128xf32>
    %add3A_23 = arith.addf %get3A_17, %get3A_22 : vector<1000x128xf32>
    %mul3A = vector.broadcast %div3A_12 : vector<1000x1xf32> to vector<1000x128xf32>
    %mul3A_24 = arith.mulf %add3A_23, %mul3A : vector<1000x128xf32>
    %get3A_25 = arith.constant 0 : index
    %get3A_26 = arith.constant 0 : index
    %get3A_27 = vector.load %arg1[%get3A_25, %get3A_26] : memref<1000x128xf32, #tpu.memory_space<vmem>>, vector<1000x128xf32>
    %get3A_28 = arith.constant 0 : index
    %get3A_29 = arith.constant 0 : index
    %get3A_30 = vector.load %arg4[%get3A_28, %get3A_29] : memref<256x128xf32, #tpu.memory_space<vmem>>, vector<128x128xf32>
    %dot_general3A = arith.constant dense<0.000000e+00> : vector<1000x128xf32>
    %dot_general3A_31 = tpu.matmul %get3A_27, %get3A_30, %dot_general3A {dimension_numbers = #tpu.dot_dimension_numbers<[1], [0], [0], [1], [0, 0, 1, 1], [], []>, precision = #tpu.contract_precision<fp32>, transpose_lhs_hint = false} : vector<1000x128xf32>, vector<128x128xf32>, vector<1000x128xf32> -> vector<1000x128xf32>
    %get3A_32 = arith.constant 128 : index
    %get3A_33 = arith.constant 0 : index
    %get3A_34 = vector.load %arg4[%get3A_32, %get3A_33] : memref<256x128xf32, #tpu.memory_space<vmem>>, vector<128x128xf32>
    %dot_general3A_35 = arith.constant dense<0.000000e+00> : vector<1000x128xf32>
    %dot_general3A_36 = tpu.matmul %mul3A_24, %get3A_34, %dot_general3A_35 {dimension_numbers = #tpu.dot_dimension_numbers<[1], [0], [0], [1], [0, 0, 1, 1], [], []>, precision = #tpu.contract_precision<fp32>, transpose_lhs_hint = false} : vector<1000x128xf32>, vector<128x128xf32>, vector<1000x128xf32> -> vector<1000x128xf32>
    %add3A_37 = arith.addf %dot_general3A_31, %dot_general3A_36 : vector<1000x128xf32>
    %get3A_38 = arith.constant 0 : index
    %get3A_39 = arith.constant 0 : index
    %get3A_40 = vector.load %arg5[%get3A_38, %get3A_39] : memref<1x128xf32, #tpu.memory_space<vmem>>, vector<1x128xf32>
    %add3A_41 = vector.broadcast %get3A_40 : vector<1x128xf32> to vector<1000x128xf32>
    %add3A_42 = arith.addf %add3A_37, %add3A_41 : vector<1000x128xf32>
    %reduce_max3A = arith.constant dense<0xFF800000> : vector<1000xf32>
    %reduce_max3A_43 = vector.multi_reduction <maximumf>, %add3A_42, %reduce_max3A [1] : vector<1000x128xf32> to vector<1000xf32>
    %broadcast_in_dim3A = vector.shape_cast %reduce_max3A_43 : vector<1000xf32> to vector<1000x1xf32>
    %sub3A = vector.broadcast %broadcast_in_dim3A : vector<1000x1xf32> to vector<1000x128xf32>
    %sub3A_44 = arith.subf %add3A_42, %sub3A : vector<1000x128xf32>
    %exp3A = math.exp %sub3A_44 : vector<1000x128xf32>
    %reduce_sum3A = arith.constant dense<0.000000e+00> : vector<1000xf32>
    %reduce_sum3A_45 = vector.multi_reduction <add>, %exp3A, %reduce_sum3A [1] : vector<1000x128xf32> to vector<1000xf32>
    %broadcast_in_dim3A_46 = vector.shape_cast %reduce_sum3A_45 : vector<1000xf32> to vector<1000x1xf32>
    %log3A = math.log %broadcast_in_dim3A_46 : vector<1000x1xf32>
    %add3A_47 = arith.addf %log3A, %broadcast_in_dim3A : vector<1000x1xf32>
    %sub3A_48 = vector.broadcast %add3A_47 : vector<1000x1xf32> to vector<1000x128xf32>
    %sub3A_49 = arith.subf %add3A_42, %sub3A_48 : vector<1000x128xf32>
    %swap3A = arith.constant 0 : index
    %swap3A_50 = arith.constant 0 : index
    %swap3A_51 = vector.load %arg6[%swap3A, %swap3A_50] : memref<1000x128xf32, #tpu.memory_space<vmem>>, vector<1000x128xf32>
    tpu.vector_store %arg6[%swap3A, %swap3A_50], %sub3A_49 {strides = array<i32>} : memref<1000x128xf32, #tpu.memory_space<vmem>>, vector<1000x128xf32>,
    return
  }
  func.func @transform_0(%arg0: i32) -> (i32, i32) {
    %c0_i32 = arith.constant 0 : i32
    %c0_i32_0 = arith.constant 0 : i32
    return %arg0, %c0_i32 : i32, i32
  }
  func.func @transform_1(%arg0: i32) -> (i32, i32, i32) {
    %c0_i32 = arith.constant 0 : i32
    %c0_i32_0 = arith.constant 0 : i32
    %c0_i32_1 = arith.constant 0 : i32
    return %c0_i32, %arg0, %c0_i32_0 : i32, i32, i32
  }
  func.func @transform_2(%arg0: i32) -> (i32, i32, i32) {
    %c0_i32 = arith.constant 0 : i32
    %c0_i32_0 = arith.constant 0 : i32
    %c0_i32_1 = arith.constant 0 : i32
    return %c0_i32, %arg0, %c0_i32_0 : i32, i32, i32
  }
  func.func @transform_3(%arg0: i32) -> (i32, i32) {
    %c0_i32 = arith.constant 0 : i32
    %c0_i32_0 = arith.constant 0 : i32
    %c0_i32_1 = arith.constant 0 : i32
    return %c0_i32, %c0_i32_0 : i32, i32
  }
  func.func @transform_4(%arg0: i32) -> (i32, i32) {
    %c0_i32 = arith.constant 0 : i32
    %c0_i32_0 = arith.constant 0 : i32
    %c0_i32_1 = arith.constant 0 : i32
    return %c0_i32, %c0_i32_0 : i32, i32
  }
  func.func @transform_5(%arg0: i32) -> (i32, i32) {
    %c0_i32 = arith.constant 0 : i32
    %c0_i32_0 = arith.constant 0 : i32
    return %arg0, %c0_i32 : i32, i32
  }
}

module attributes {stable_mosaic.version = 14 : i64} {
  func.func @body(%arg0: i32, %arg1: memref<1000x128xf32, #tpu.memory_space<vmem>>, %arg2: memref<2x1000x128xf32, #tpu.memory_space<vmem>>, %arg3: memref<2x1000x128xf32, #tpu.memory_space<vmem>>, %arg4: memref<256x128xf32, #tpu.memory_space<vmem>>, %arg5: memref<1x128xf32, #tpu.memory_space<vmem>>, %arg6: memref<1000x128xf32, #tpu.memory_space<vmem>>) attributes {dimension_semantics = [#tpu.dimension_semantics<arbitrary>], iteration_bounds = array<i64: 10>, scalar_prefetch = 0 : i64, scratch_operands = 0 : i64, tpu.core_type = #tpu.core_type<tc>, window_params = [{transform_indices = @transform_0, window_bounds = array<i64: 1000, 128>}, {transform_indices = @transform_1, window_bounds = array<i64: 2, 1000, 128>}, {transform_indices = @transform_2, window_bounds = array<i64: 2, 1000, 128>}, {pipeline_mode = #tpu.pipeline_mode<synchronous>, transform_indices = @transform_3, window_bounds = array<i64: 256, 128>}, {pipeline_mode = #tpu.pipeline_mode<synchronous>, transform_indices = @transform_4, window_bounds = array<i64: 1, 128>}, {transform_indices = @transform_5, window_bounds = array<i64: 1000, 128>}]} {
    %get3A = arith.constant 0 : index
    %get3A_0 = arith.constant 0 : index
    %get3A_1 = arith.constant 0 : index
    %get3A_2 = vector.load %arg3[%get3A, %get3A_0, %get3A_1] : memref<2x1000x128xf32, #tpu.memory_space<vmem>>, vector<1x1000x1xf32>
    %get3A_3 = vector.shape_cast %get3A_2 : vector<1x1000x1xf32> to vector<1000x1xf32>
    %get3A_4 = arith.constant 1 : index
    %get3A_5 = arith.constant 0 : index
    %get3A_6 = arith.constant 0 : index
    %get3A_7 = vector.load %arg3[%get3A_4, %get3A_5, %get3A_6] : memref<2x1000x128xf32, #tpu.memory_space<vmem>>, vector<1x1000x1xf32>
    %get3A_8 = vector.shape_cast %get3A_7 : vector<1x1000x1xf32> to vector<1000x1xf32>
    %add3A = arith.addf %get3A_3, %get3A_8 : vector<1000x1xf32>
    %max3A = arith.constant 1.000000e+00 : f32
    %max3A_9 = vector.broadcast %max3A : f32 to vector<1000x1xf32>
    %max3A_10 = arith.maximumf %add3A, %max3A_9 : vector<1000x1xf32>
    %div3A = arith.constant 1.000000e+00 : f32
    %div3A_11 = vector.broadcast %div3A : f32 to vector<1000x1xf32>
    %div3A_12 = arith.divf %div3A_11, %max3A_10 : vector<1000x1xf32>
    %get3A_13 = arith.constant 0 : index
    %get3A_14 = arith.constant 0 : index
    %get3A_15 = arith.constant 0 : index
    %get3A_16 = vector.load %arg2[%get3A_13, %get3A_14, %get3A_15] : memref<2x1000x128xf32, #tpu.memory_space<vmem>>, vector<1x1000x128xf32>
    %get3A_17 = vector.shape_cast %get3A_16 : vector<1x1000x128xf32> to vector<1000x128xf32>
    %get3A_18 = arith.constant 1 : index
    %get3A_19 = arith.constant 0 : index
    %get3A_20 = arith.constant 0 : index
    %get3A_21 = vector.load %arg2[%get3A_18, %get3A_19, %get3A_20] : memref<2x1000x128xf32, #tpu.memory_space<vmem>>, vector<1x1000x128xf32>
    %get3A_22 = vector.shape_cast %get3A_21 : vector<1x1000x128xf32> to vector<1000x128xf32>
    %add3A_23 = arith.addf %get3A_17, %get3A_22 : vector<1000x128xf32>
    %mul3A = vector.broadcast %div3A_12 : vector<1000x1xf32> to vector<1000x128xf32>
    %mul3A_24 = arith.mulf %add3A_23, %mul3A : vector<1000x128xf32>
    %get3A_25 = arith.constant 0 : index
    %get3A_26 = arith.constant 0 : index
    %get3A_27 = vector.load %arg1[%get3A_25, %get3A_26] : memref<1000x128xf32, #tpu.memory_space<vmem>>, vector<1000x128xf32>
    %get3A_28 = arith.constant 0 : index
    %get3A_29 = arith.constant 0 : index
    %get3A_30 = vector.load %arg4[%get3A_28, %get3A_29] : memref<256x128xf32, #tpu.memory_space<vmem>>, vector<128x128xf32>
    %dot_general3A = arith.constant dense<0.000000e+00> : vector<1000x128xf32>
    %dot_general3A_31 = tpu.matmul %get3A_27, %get3A_30, %dot_general3A {dimension_numbers = #tpu.dot_dimension_numbers<[1], [0], [0], [1], [0, 0, 1, 1], [], []>, precision = #tpu.contract_precision<fp32>, transpose_lhs_hint = false} : vector<1000x128xf32>, vector<128x128xf32>, vector<1000x128xf32> -> vector<1000x128xf32>
    %get3A_32 = arith.constant 128 : index
    %get3A_33 = arith.constant 0 : index
    %get3A_34 = vector.load %arg4[%get3A_32, %get3A_33] : memref<256x128xf32, #tpu.memory_space<vmem>>, vector<128x128xf32>
    %dot_general3A_35 = arith.constant dense<0.000000e+00> : vector<1000x128xf32>
    %dot_general3A_36 = tpu.matmul %mul3A_24, %get3A_34, %dot_general3A_35 {dimension_numbers = #tpu.dot_dimension_numbers<[1], [0], [0], [1], [0, 0, 1, 1], [], []>, precision = #tpu.contract_precision<fp32>, transpose_lhs_hint = false} : vector<1000x128xf32>, vector<128x128xf32>, vector<1000x128xf32> -> vector<1000x128xf32>
    %add3A_37 = arith.addf %dot_general3A_31, %dot_general3A_36 : vector<1000x128xf32>
    %get3A_38 = arith.constant 0 : index
    %get3A_39 = arith.constant 0 : index
    %get3A_40 = vector.load %arg5[%get3A_38, %get3A_39] : memref<1x128xf32, #tpu.memory_space<vmem>>, vector<1x128xf32>
    %add3A_41 = vector.broadcast %get3A_40 : vector<1x128xf32> to vector<1000x128xf32>
    %add3A_42 = arith.addf %add3A_37, %add3A_41 : vector<1000x128xf32>
    %max3A_43 = arith.constant 0.000000e+00 : f32
    %max3A_44 = vector.broadcast %max3A_43 : f32 to vector<1000x128xf32>
    %max3A_45 = arith.maximumf %add3A_42, %max3A_44 : vector<1000x128xf32>
    %swap3A = arith.constant 0 : index
    %swap3A_46 = arith.constant 0 : index
    %swap3A_47 = vector.load %arg6[%swap3A, %swap3A_46] : memref<1000x128xf32, #tpu.memory_space<vmem>>, vector<1000x128xf32>
    tpu.vector_store %arg6[%swap3A, %swap3A_46], %max3A_45 {strides = array<i32>} : memref<1000x128xf32, #tpu.memory_space<vmem>>, vector<1000x128xf32>,
    return
  }
  func.func @transform_0(%arg0: i32) -> (i32, i32) {
    %c0_i32 = arith.constant 0 : i32
    %c0_i32_0 = arith.constant 0 : i32
    return %arg0, %c0_i32 : i32, i32
  }
  func.func @transform_1(%arg0: i32) -> (i32, i32, i32) {
    %c0_i32 = arith.constant 0 : i32
    %c0_i32_0 = arith.constant 0 : i32
    %c0_i32_1 = arith.constant 0 : i32
    return %c0_i32, %arg0, %c0_i32_0 : i32, i32, i32
  }
  func.func @transform_2(%arg0: i32) -> (i32, i32, i32) {
    %c0_i32 = arith.constant 0 : i32
    %c0_i32_0 = arith.constant 0 : i32
    %c0_i32_1 = arith.constant 0 : i32
    return %c0_i32, %arg0, %c0_i32_0 : i32, i32, i32
  }
  func.func @transform_3(%arg0: i32) -> (i32, i32) {
    %c0_i32 = arith.constant 0 : i32
    %c0_i32_0 = arith.constant 0 : i32
    %c0_i32_1 = arith.constant 0 : i32
    return %c0_i32, %c0_i32_0 : i32, i32
  }
  func.func @transform_4(%arg0: i32) -> (i32, i32) {
    %c0_i32 = arith.constant 0 : i32
    %c0_i32_0 = arith.constant 0 : i32
    %c0_i32_1 = arith.constant 0 : i32
    return %c0_i32, %c0_i32_0 : i32, i32
  }
  func.func @transform_5(%arg0: i32) -> (i32, i32) {
    %c0_i32 = arith.constant 0 : i32
    %c0_i32_0 = arith.constant 0 : i32
    return %arg0, %c0_i32 : i32, i32
  }
}

</mosaic_0001>

<sc_bundles>
// kernel: kernel.12.cloned.1.call-start
scs
__scs_entry_jumppad:
0x0: {  	(pc) =	sbr.rel $0x88, $3  }
0x1: {  	(tag) =	ssettag $0x0;
	lr =	simm.s32 $0x1  }
0x2: {  	[smem:$0x3F99] =	sst lr;
	_ =	strace $0xD0000000  }
0x3: {  	_ = 	snop  }
0x4: {  	_ = 	snop  }
0x5: {  	_ = 	snop  }
0x6: {  	_ = 	snop  }
0x7: {  	_ = 	snop  }
__scs_overlays_trampoline_lowered:
0x8: {  	[smem:$0x3FA8] =	sst s0  }
0x9: {  	[smem:$0x3FA9] =	sst s1  }
0xa: {  	[smem:$0x3FAA] =	sst s2  }
0xb: {  	[smem:$0x3FAB] =	sst s3  }
0xc: {  	[smem:$0x3FAC] =	sst s4  }
0xd: {  	[smem:$0x3FAD] =	sst s5  }
0xe: {  	[smem:$0x3FAE] =	sst s6  }
0xf: {  	[smem:$0x3FAF] =	sst s7  }
0x10: {  	[smem:$0x3FB0] =	sst s8  }
0x11: {  	[smem:$0x3FB1] =	sst s9;
	s0 =	simm.s32 @!p0 $0x0  }
0x12: {  	s1 =	sld [smem:$0x3F97];
	s0 =	simm.s32 @p0 $0x1  }
0x13: {  	[smem:$0x3FB2] =	sst s0;
	s0 =	simm.s32 @!p1 $0x0  }
0x14: {  	s2 =	sld [smem:$0x3F96];
	s0 =	simm.s32 @p1 $0x1  }
0x15: {  	[smem:$0x3FB3] =	sst s0;
	s0 =	simm.s32 @!p2 $0x0  }
0x16: {  	s3 =	sld [smem:$0x3FDB];
	s0 =	simm.s32 @p2 $0x1  }
0x17: {  	s4 =	simm.s32 $0x1BF5;
	[smem:$0x3FB5] =	sst s0  }
0x18: {  	s0 =	sld [smem:$0x3F98];
	_ =	swait.ge [sflag:s4], $0x0  }
0x19: {  	s7 =	sld [smem:$0x3F99]  }
0x1a: {  	s8 =	sadd.s32 $0xFFFFE003, lr  }
0x1b: {  	s9 =	sadd.s32 $0xFFFFFEF7, lr;
	s5 =	simm.s32 $0xFFFFFFFF;
	p2 =	slt.u32 s8, $0xFFFFF086  }
0x1c: {  	p1 =	slt.u32 s9, $0xF7A;
	s5 =	simm.s32 @!p2 $0x0  }
0x1d: {  	s5 =	simm.s32 @p1 $0x1;
	p0 =	seq.s32 s7, s2  }
0x1e: {  	s7 =	smul.u32 @!p0 $0xF7A, s2;
	p2 =	seq.s32 @!p0 s5, $0x0  }
0x1f: {  	s9 =	smul.u32 $0xF7A, s1;
	s8 =	simm.s32 @!p0 $0x1BF5;
	p2 =	por !p2, p0  }
0x20: {  	[sflag:s8] =	ssyncset.s32 @!p0 $0xFFFFF086;
	s6 =	sadd.s32 @!p0 s3, s7;
	s7 =	simm.s32 @!p0 $0x108  }
0x21: {  	s3 =	sadd.s32 s3, s9;
	s6 =	sadd.s32 @!p0 $0x88, s6;
	s7 =	simm.s32 @p2 $0x1082  }
0x22: {  	[simem:s7], [sflag:s8] =	dma.local @!p0 [hbm:s6], $0xF7A  }
0x23: {  	s9 =	sor.u32 $0xD0000000, s2;
	s6 =	simm.s32 $0x108;
	_ =	swait.ge @!p0 [sflag:s8], $0x0  }
0x24: {  	s3 =	sadd.s32 $0x88, s3;
	s6 =	simm.s32 @!p1 $0x1082;
	[sflag:s4] =	ssyncset.s32 $0xFFFFF086  }
0x25: {  	[simem:s6], [sflag:s4] =	dma.local [hbm:s3], $0xF7A  }
0x26: {  	[smem:$0x3F99] =	sst s1;
	(tag) =	ssettag s2;
	_ =	strace s9  }
0x27: {  	s1 =	sld [smem:$0x3FA9]  }
0x28: {  	s2 =	sld [smem:$0x3FAA]  }
0x29: {  	s4 =	sld [smem:$0x3FAC]  }
0x2a: {  	p0 =	seq.s32 s5, $0x0;
	s5 =	sld [smem:$0x3FAD]  }
0x2b: {  	s6 =	sld [smem:$0x3FAE]  }
0x2c: {  	s7 =	sld [smem:$0x3FAF]  }
0x2d: {  	s3 =	simm.s32 $0x108;
	s8 =	sld [smem:$0x3FB0]  }
0x2e: {  	s3 =	simm.s32 @!p0 $0x1082;
	s9 =	sld [smem:$0x3FB1]  }
0x2f: {  	lr =	sadd.s32 s0, s3;
	s0 =	sld [smem:$0x3FA8]  }
0x30: {  	s3 =	sld [smem:$0x3FAB]  }
0x31: {  	[smem:$0x3FB4] =	sst s10  }
0x32: {  	s10 =	sld [smem:$0x3FB2];
	_ =	sdelay $0x3  }
0x33: {  	p0 =	seq.s32 s10, $0x1;
	s10 =	sld [smem:$0x3FB4];
	_ =	sdelay $0x3  }
0x34: {  	[smem:$0x3FB4] =	sst s10  }
0x35: {  	s10 =	sld [smem:$0x3FB3];
	_ =	sdelay $0x3  }
0x36: {  	p1 =	seq.s32 s10, $0x1;
	s10 =	sld [smem:$0x3FB4];
	_ =	sdelay $0x3  }
0x37: {  	[smem:$0x3FB4] =	sst s10  }
0x38: {  	s10 =	sld [smem:$0x3FB5]  }
0x39: {  	_ = 	snop;
	(pc) =	sbr.ind lr, $3  }
0x3a: {  	_ = 	snop  }
0x3b: {  	_ = 	snop  }
0x3c: {  	p2 =	seq.s32 s10, $0x1;
	s10 =	sld [smem:$0x3FB4]  }
0x3d: {  	_ =	shalt  }
0x3e: {  	_ =	shalt  }
0x3f: {  	_ =	shalt  }
0x40: {  	_ =	shalt  }
0x41: {  	_ =	shalt  }
0x42: {  	_ =	shalt  }
0x43: {  	_ =	shalt  }
0x44: {  	_ =	shalt  }
0x45: {  	_ =	shalt  }
0x46: {  	_ =	shalt  }
0x47: {  	_ =	shalt  }
0x48: {  	_ =	shalt  }
0x49: {  	_ =	shalt  }
0x4a: {  	_ =	shalt  }
0x4b: {  	_ =	shalt  }
0x4c: {  	_ =	shalt  }
0x4d: {  	_ =	shalt  }
0x4e: {  	_ =	shalt  }
0x4f: {  	_ =	shalt  }
0x50: {  	_ =	shalt  }
0x51: {  	_ =	shalt  }
0x52: {  	_ =	shalt  }
0x53: {  	_ =	shalt  }
0x54: {  	_ =	shalt  }
0x55: {  	_ =	shalt  }
0x56: {  	_ =	shalt  }
0x57: {  	_ =	shalt  }
0x58: {  	_ =	shalt  }
0x59: {  	_ =	shalt  }
0x5a: {  	_ =	shalt  }
0x5b: {  	_ =	shalt  }
0x5c: {  	_ =	shalt  }
0x5d: {  	_ =	shalt  }
0x5e: {  	_ =	shalt  }
0x5f: {  	_ =	shalt  }
0x60: {  	_ =	shalt  }
0x61: {  	_ =	shalt  }
0x62: {  	_ =	shalt  }
0x63: {  	_ =	shalt  }
0x64: {  	_ =	shalt  }
0x65: {  	_ =	shalt  }
0x66: {  	_ =	shalt  }
0x67: {  	_ =	shalt  }
0x68: {  	_ =	shalt  }
0x69: {  	_ =	shalt  }
0x6a: {  	_ =	shalt  }
0x6b: {  	_ =	shalt  }
0x6c: {  	_ =	shalt  }
0x6d: {  	_ =	shalt  }
0x6e: {  	_ =	shalt  }
0x6f: {  	_ =	shalt  }
0x70: {  	_ =	shalt  }
0x71: {  	_ =	shalt  }
0x72: {  	_ =	shalt  }
0x73: {  	_ =	shalt  }
0x74: {  	_ =	shalt  }
0x75: {  	_ =	shalt  }
0x76: {  	_ =	shalt  }
0x77: {  	_ =	shalt  }
0x78: {  	_ =	shalt  }
0x79: {  	_ =	shalt  }
0x7a: {  	_ =	shalt  }
0x7b: {  	_ =	shalt  }
0x7c: {  	_ =	shalt  }
0x7d: {  	_ =	shalt  }
0x7e: {  	_ =	shalt  }
0x7f: {  	_ =	shalt  }
0x80: {  	_ =	shalt  }
0x81: {  	_ =	shalt  }
0x82: {  	_ =	shalt  }
0x83: {  	_ =	shalt  }
0x84: {  	_ =	shalt  }
0x85: {  	_ =	shalt  }
0x86: {  	_ =	shalt  }
0x87: {  	_ =	shalt  }
.Lfunc_end0:
.L_simem_size_0:
called_computation.1_lowered:
.L_overlay_start_0:
0x88: {  	s2 =	sld [smem:$0x3FD9]  }
0x89: {  	s3 =	sld [smem:$0x3FFE];
	_ =	sdelay $0x1  }
0x8a: {  	s1 =	srdreg.scid  }
0x8b: {  	s0 =	sand.u32 $0x1, s1  }
0x8c: {  	s17 =	sshll.u32 s0, $0xA;
	s2 =	sadd.s32 s3, s2  }
0x8d: {  	s2 =	sadd.s32 s2, s17  }
0x8e: {  	[smem:$0x3FC0] =	sst s2  }
0x8f: {  	_ = 	snop  }
0x90: {  	s2 =	sld [smem:$0x3FC9];
	(tm) =	ssettm $0x1  }
0x91: {  	s18 =	sld [smem:$0x3FFB];
	_ =	sdelay $0x3  }
0x92: {  	_ =	strace s18  }
0x93: {  	s3 =	sld [smem:$0x3FFC];
	_ =	sdelay $0x3  }
0x94: {  	_ =	strace s3  }
0x95: {  	s3 =	sld [smem:$0x3FFD];
	_ =	sdelay $0x3  }
0x96: {  	_ =	strace s3  }
0x97: {  	_ =	strace $0x8FFFFFFF  }
0x98: {  	s19 =	sld [smem:$0x3FDB];
	_ =	sdelay $0x1  }
0x99: {  	s4 =	simm.s32 $_scs_section_size  }
0x9a: {  	s5 =	simm.s32 $_size__tile_overlayer_lowered;
	s6 =	simm.s32 $_tile_overlayer_lowered  }
0x9b: {  	s22 =	simm.s32 $0x1BFF;
	s21 =	sshll.u32 s6, $0x1;
	s3 =	sadd.s32 s4, s19  }
0x9c: {  	s7 =	simm.s32 $0x0;
	s20 =	sshll.u32 s5, $0x1;
	s5 =	sadd.s32 s21, s3  }
0x9d: {  	[timem:s7], [sflag:s22] =	dma.local [hbm:s5], s20  }
0x9e: {  	_ =	swait.ge [sflag:s22], s20  }
0x9f: {  	s4 =	ssub.s32 $0x0, s20;
	[sflag:s22] =	ssyncset.done $0x0  }
0xa0: {  	[sflag:s22] =	ssyncadd.s32 s4;
	_ =	sdelay $0x1  }
0xa1: {  	s23 =	simm.s32 $0x1B8B  }
0xa2: {  	_ =	swait.ge [sflag:s23], $0x1  }
0xa3: {  	[sflag:s23] =	ssyncset.done $0x0  }
0xa4: {  	s25 =	simm.s32 $0x1B8E;
	s24 =	sld [smem:$0x3FFE];
	[sflag:s23] =	ssyncadd.s32 $0xFFFFFFFF  }
0xa5: {  	s26 =	simm.s32 $execute0_lowered;
	[smem:$0x3FD2] =	sst s25  }
0xa6: {  	s5 =	sshll.u32 s26, $0x1;
	_ =	strace $0x80000046;
	[dreg:$0x1] =	wrdreg $0xFFFFFFFF  }
0xa7: {  	s28 =	simm.s32 $_size_execute0_lowered;
	s3 =	sadd.s32 s3, s5;
	[dreg:$0x0] =	wrdreg $0x0  }
0xa8: {  	s5 =	sshll.u32 s28, $0x1;
	[dreg:$0x2] =	wrdreg s3  }
0xa9: {  	[dreg:$0x3] =	wrdreg s5  }
0xaa: {  	[dreg:$0x4] =	wrdreg $0xC0  }
0xab: {  	_ =	task [dreg:s7], $0x5FFFF  }
0xac: {  	[dreg:$0x1] =	wrdreg $0xFFFFFFFF  }
0xad: {  	[dreg:$0x0] =	wrdreg $0x60  }
0xae: {  	[dreg:$0x2] =	wrdreg s2  }
0xaf: {  	[dreg:$0x3] =	wrdreg s24  }
0xb0: {  	[dreg:$0x4] =	wrdreg $0x90000  }
0xb1: {  	[dreg:$0x5] =	wrdreg $0xA  }
0xb2: {  	_ =	task.clear_ibuf [dreg:s7], $0x6FFFF;
	_ =	strace $0x90000046  }
0xb3: {  	s29 =	simm.s32 $0xA;
	_ =	strace $0x80000048  }
0xb4: {  	_ =	swait.ge [sflag:s29], $0x1  }
0xb5: {  	[sflag:s29] =	ssyncadd.s32 $0xFFFFFFFF  }
0xb6: {  	_ =	strace $0x90000048  }
0xb7: {  	_ =	sfence  }
0xb8: {  	s30 =	sld [smem:$0x0];
	_ =	sdelay $0x2  }
0xb9: {  	s31 =	sshll.u32 s1, $0xD;
	s1 =	sshrl.u32 s1, $0x2  }
0xba: {  	s3 =	sand.u32 $0x4000, s31;
	s1 =	sadd.s32 s1, s30  }
0xbb: {  	s0 =	sor.u32 s3, s0;
	s1 =	sshll.u32 s1, $0x11  }
0xbc: {  	s0 =	sor.u32 s1, s0  }
0xbd: {  	s0 =	sadd.s32 $0x8F2B, s0  }
0xbe: {  	[sflag:s0] =	ssyncadd.remote.s32 $0x1  }
0xbf: {  	_ =	sfence.sel $0xFFFF  }
0xc0: {  	[dreg:$0x0] =	wrdreg $0xFFFFFFFF;
	(pc) =	sbr.abs _section_cstart, $3  }
0xc1: {  	[dreg:$0x1] =	wrdreg $0xFFFFFFFF  }
0xc2: {  	_ =	task.clear_ibuf [dreg:s7], $0x2FFFF;
	_ =	strace $0x9FFFFFFF  }
0xc3: {  	(tm) =	ssettm $0x7FFFFFFF  }
tec
execute0_lowered:
.L_overlay_start_1:
0x0: {  	(tag) =	ssettag $0x1  }
0x1: {  	s0 =	stileid.u32  }
0x2: {  	s30 =	smul.u32 $0xFA00, s0  }
0x3: {  	s13 =	sor.u32 $0x10, s0;
	s20 =	smul.u32 $0x6400, s0  }
0x4: {  	s1 =	rddreg [dreg:$0x0];
	s14 =	sor.u32 $0x20, s0;
	s8 =	smul.u32 $0xFA00, s13  }
0x5: {  	s2 =	srdreg.scid;
	s16 =	sor.u32 $0x30, s0;
	s9 =	smul.u32 $0xFA00, s14  }
0x6: {  	s5 =	rddreg [dreg:$0x1];
	s6 =	sand.u32 $0x1, s2;
	s12 =	smul.u32 $0xFA00, s16  }
0x7: {  	s3 =	rddreg [dreg:$0x2];
	s4 =	simm.s32 $0x0;
	s18 =	smul.u32 $0x138800, s6  }
0x8: {  	s7 =	sshll.u32 s0, $0x1;
	s2 =	rddreg [dreg:$0x3];
	s25 =	smul.u32 $0x6400, s14  }
0x9: {  	[smem:$0x7FF] =	sst s4;
	s15 =	sadd.s32 $0x16A00, s5;
	s28 =	smul.u32 $0x6400, s16  }
0xa: {  	p0 =	sgt.u32 s0, $0x1;
	s31 =	ssub.s32 $0x2, s6;
	s29 =	smul.u32 $0x19000, s14  }
0xb: {  	s7 =	sor.u32 s6, s7;
	s16 =	smul.u32 $0x19000, s16;
	s10 =	sshrl.u32 s31, $0x1  }
0xc: {  	_ =	strace $0x80000047;
	s7 =	smul.u32 $0x500, s7;
	s17 =	ssub.s32 s31, s10  }
0xd: {  	s10 =	sshrl.u32 s8, $0x2;
	s19 =	sshrl.u32 s9, $0x2;
	s21 =	sshrl.u32 s12, $0x2  }
0xe: {  	s22 =	sadd.s32 s20, s18;
	s20 =	smul.u32 $0x6400, s13;
	s31 =	sshrl.u32 s29, $0x2  }
0xf: {  	s16 =	sshrl.u32 s16, $0x2;
	s11 =	sadd.s32 s7, s5;
	s7 =	sshrl.u32 s30, $0x2  }
0x10: {  	s6 =	sadd.s32 s10, s3;
	s8 =	sadd.s32 s21, s3;
	s23 =	sshrl.u32 s22, $0x3  }
0x11: {  	s21 =	smul.u32 $0x19000, s13;
	s5 =	sadd.s32 s7, s3;
	s7 =	sadd.s32 s19, s3  }
0x12: {  	s19 =	smul.u32 $0x19000, s0;
	s10 =	sadd.s32 $0xCA00, s11;
	s11 =	sadd.s32 $0x2A00, s11  }
0x13: {  	s12 =	sadd.s32 s15, s23;
	s20 =	sadd.s32 s18, s20;
	s9 =	sadd.s32 $0xFA000, s5  }
0x14: {  	s24 =	sshrl.u32 s20, $0x3;
	s26 =	sshrl.u32 s21, $0x2;
	s20 =	simm.s32 $0x7D  }
0x15: {  	s21 =	simm.s32 $0x1;
	s19 =	sshrl.u32 s19, $0x2;
	s13 =	sadd.s32 s15, s24  }
0x16: {  	s23 =	sadd.s32 s26, s3;
	s24 =	sadd.s32 s31, s3;
	s22 =	sadd.s32 s19, s3  }
0x17: {  	s19 =	sadd.s32 s18, s25;
	s18 =	sadd.s32 s18, s28;
	s25 =	sadd.s32 s16, s3  }
0x18: {  	s16 =	smax.u32 s17, $0x1;
	s17 =	simm.s32 $0x5000;
	s23 =	sshrl.u32 s23, $0x3  }
0x19: {  	s24 =	sshrl.u32 s24, $0x3;
	s30 =	sshrl.u32 s19, $0x3;
	s18 =	sshrl.u32 s18, $0x3  }
0x1a: {  	s19 =	simm.s32 $0x2800;
	s22 =	sshrl.u32 s22, $0x3;
	s25 =	sshrl.u32 @!p0 s25, $0x3  }
0x1b: {  	v0 =	vimm.f32 $0.0e+00;
	s14 =	sadd.s32 s15, s30;
	s15 =	sadd.s32 s15, s18;
	s18 =	simm.s32 $0x2  }
.LBB2_1:
0x1c: {  	s26 =	simm.s32 $0x0;
	s28 =	simm.s32 $0x200  }
.LBB2_2:
0x1d: {  	p1 =	sne.s32 s28, $0xF800;
	[tilespmem:s26+$0x5070] =	vst v0  }
0x1e: {  	[tilespmem:s26+$0x5000] =	vst v0  }
0x1f: {  	[tilespmem:s26+$0x5010] =	vst v0  }
.Ltmp0:
0x20: {  	[tilespmem:s26+$0x5020] =	vst v0;
	(pc) =	sbr.rel @p1 .LBB2_2-.Ltmp0, $4  }
0x21: {  	[tilespmem:s26+$0x5030] =	vst v0  }
0x22: {  	[tilespmem:s26+$0x5040] =	vst v0  }
0x23: {  	[tilespmem:s26+$0x5050] =	vst v0  }
0x24: {  	[tilespmem:s26+$0x5060] =	vst v0;
	s26 =	sshra.s32 s28, $0x2;
	s28 =	sadd.s32 $0x200, s28  }
0x25: {  	[tilespmem:s26+$0x5070] =	vst v0  }
0x26: {  	[tilespmem:s26+$0x5000] =	vst v0  }
0x27: {  	[tilespmem:s26+$0x5010] =	vst v0  }
0x28: {  	[tilespmem:s26+$0x5020] =	vst v0  }
0x29: {  	[tilespmem:s26+$0x5030] =	vst v0  }
0x2a: {  	[tilespmem:s26+$0x5040] =	vst v0  }
0x2b: {  	[tilespmem:s26+$0x5050] =	vst v0  }
0x2c: {  	[tilespmem:s26+$0x5060] =	vst v0  }
0x2d: {  	[spmem:s5] =	stream.linear.scatter [tilespmem:s17], [sflag:$0x2], $0x3E80, $0x38;
	[tilespmem:$0x1C880] =	vst v63  }
0x2e: {  	_ =	swait.ge [sflag:s18], $0x3E80  }
0x2f: {  	[sflag:s18] =	ssyncset.done $0x0  }
0x30: {  	[sflag:s18] =	ssyncadd.s32 $0xFFFFC180  }
0x31: {  	[spmem:s6] =	stream.linear.scatter [tilespmem:s17], [sflag:$0x2], $0x3E80, $0x38;
	[tilespmem:$0x1C880] =	vst v63  }
0x32: {  	_ =	swait.ge [sflag:s18], $0x3E80  }
0x33: {  	[sflag:s18] =	ssyncset.done $0x0  }
0x34: {  	[sflag:s18] =	ssyncadd.s32 $0xFFFFC180  }
0x35: {  	[spmem:s7] =	stream.linear.scatter [tilespmem:s17], [sflag:$0x2], $0x3E80, $0x38;
	[tilespmem:$0x1C880] =	vst v63  }
0x36: {  	_ =	swait.ge [sflag:s18], $0x3E80  }
0x37: {  	[sflag:s18] =	ssyncset.done $0x0  }
0x38: {  	[sflag:s18] =	ssyncadd.s32 $0xFFFFC180  }
0x39: {  	[spmem:s8] =	stream.linear.scatter [tilespmem:s17], [sflag:$0x2], $0x3E80, $0x38;
	[tilespmem:$0x1C880] =	vst v63  }
0x3a: {  	_ =	swait.ge [sflag:s18], $0x3E80  }
0x3b: {  	[sflag:s18] =	ssyncset.done $0x0  }
0x3c: {  	[sflag:s18] =	ssyncadd.s32 $0xFFFFC180  }
0x3d: {  	[spmem:s9] =	stream.linear.scatter [tilespmem:s17], [sflag:$0x2], $0x3E80, $0x38;
	[tilespmem:$0x1C880] =	vst v63  }
0x3e: {  	_ =	swait.ge [sflag:s18], $0x3E80  }
0x3f: {  	[sflag:s18] =	ssyncset.done $0x0  }
0x40: {  	s29 =	simm.s32 $0x0;
	[sflag:s18] =	ssyncadd.s32 $0xFFFFC180  }
0x41: {  	[tilespmem:s29], [sflag:$0x2] =	stream.linear.gather [hbm4b:s10+s29], $0x2800, $0x38;
	[tilespmem:$0x1C880] =	vst v63  }
0x42: {  	_ =	swait.ge [sflag:s18], $0x2800  }
0x43: {  	[sflag:s18] =	ssyncset.done $0x0  }
0x44: {  	[sflag:s18] =	ssyncadd.s32 $0xFFFFD800  }
0x45: {  	[tilespmem:s19], [sflag:$0x2] =	stream.linear.gather [hbm4b:s11+s29], $0x2800, $0x38;
	[tilespmem:$0x1C880] =	vst v63  }
0x46: {  	_ =	swait.ge [sflag:s18], $0x2800  }
0x47: {  	[sflag:s18] =	ssyncset.done $0x0  }
0x48: {  	[sflag:s18] =	ssyncadd.s32 $0xFFFFD800  }
0x49: {  	s30 =	simm.s32 $0x0;
	[bflag:$0x0] =	sbarrier.arrive $0xFFFF  }
0x4a: {  	[tilespmem:s17], [sflag:$0x1] =	stream.indirect.gather [hbm4b:s1+s20], $0x80, s30, s20, $0xb8;
	[tilespmem:$0x1C880] =	vst v63  }
0x4b: {  	_ =	swait.ge [sflag:s21], $0x3E80  }
0x4c: {  	[sflag:s21] =	ssyncset.done $0x0  }
0x4d: {  	s31 =	simm.s32 $0x2800;
	[sflag:s21] =	ssyncadd.s32 $0xFFFFC180  }
0x4e: {  	[spmem:s3] =	stream.indirect.scatter.add.f32 [tilespmem:s17], [sflag:$0x2], $0x80, s31, s20, $0xb8;
	[tilespmem:$0x1C880] =	vst v63  }
0x4f: {  	_ =	swait.ge [sflag:s18], $0x3E80  }
0x50: {  	s26 =	simm.s32 $0x200;
	s28 =	simm.s32 $0x400;
	[sflag:s18] =	ssyncset.done $0x0  }
.LBB2_4:
0x51: {  	s29 =	sshra.s32 s26, $0x2  }
0x52: {  	[sflag:s18] =	ssyncadd.s32 $0xFFFFC180;
	s26 =	smov.u32 s28;
	s30 =	sadd.s32 $0x200, s28  }
0x53: {  	[tilespmem:s17], [sflag:$0x1] =	stream.indirect.gather [hbm4b:s1+s20], $0x80, s29, s20, $0xb8;
	[tilespmem:$0x1C880] =	vst v63  }
0x54: {  	p1 =	sne.s32 s28, $0x9E00;
	_ =	swait.ge [sflag:s21], $0x3E80  }
.Ltmp1:
0x55: {  	[sflag:s21] =	ssyncset.done $0x0;
	(pc) =	sbr.rel @p1 .LBB2_4-.Ltmp1, $4  }
0x56: {  	s28 =	sadd.s32 $0x2800, s29;
	[sflag:s21] =	ssyncadd.s32 $0xFFFFC180  }
0x57: {  	[spmem:s3] =	stream.indirect.scatter.add.f32 [tilespmem:s17], [sflag:$0x2], $0x80, s28, s20, $0xb8;
	[tilespmem:$0x1C880] =	vst v63  }
0x58: {  	_ =	swait.ge [sflag:s18], $0x3E80  }
0x59: {  	s28 =	smov.u32 s30;
	[sflag:s18] =	ssyncset.done $0x0  }
0x5a: {  	s26 =	sshra.s32 s26, $0x2;
	[sflag:s18] =	ssyncadd.s32 $0xFFFFC180  }
0x5b: {  	[tilespmem:s17], [sflag:$0x1] =	stream.indirect.gather [hbm4b:s1+s20], $0x80, s26, s20, $0xb8;
	[tilespmem:$0x1C880] =	vst v63  }
0x5c: {  	_ =	swait.ge [sflag:s21], $0x3E80  }
0x5d: {  	[sflag:s21] =	ssyncset.done $0x0  }
0x5e: {  	s26 =	sadd.s32 $0x2800, s26;
	[sflag:s21] =	ssyncadd.s32 $0xFFFFC180  }
0x5f: {  	[spmem:s3] =	stream.indirect.scatter.add.f32 [tilespmem:s17], [sflag:$0x2], $0x80, s26, s20, $0xb8;
	[tilespmem:$0x1C880] =	vst v63  }
0x60: {  	_ =	swait.ge [sflag:s18], $0x3E80  }
0x61: {  	[sflag:s18] =	ssyncset.done $0x0  }
0x62: {  	s31 =	sshll.u32 s0, $0x6;
	[sflag:s18] =	ssyncadd.s32 $0xFFFFC180  }
0x63: {  	s26 =	sor.u32 $0x1C02, s31;
	[bflag:$0x0] =	sbarrier.arrive $0xFFFF  }
0x64: {  	[hbm:s12], [sflag:s26] =	dma.local [spmem:s22], $0xC80  }
0x65: {  	_ =	swait.ge [sflag:s18], $0xC80  }
0x66: {  	[sflag:s18] =	ssyncset.done $0x0  }
0x67: {  	[sflag:s18] =	ssyncadd.s32 $0xFFFFF380  }
0x68: {  	[hbm:s13], [sflag:s26] =	dma.local [spmem:s23], $0xC80  }
0x69: {  	_ =	swait.ge [sflag:s18], $0xC80  }
0x6a: {  	[sflag:s18] =	ssyncset.done $0x0  }
0x6b: {  	[sflag:s18] =	ssyncadd.s32 $0xFFFFF380  }
0x6c: {  	[hbm:s14], [sflag:s26] =	dma.local [spmem:s24], $0xC80  }
0x6d: {  	_ =	swait.ge [sflag:s18], $0xC80  }
0x6e: {  	s4 =	sadd.s32 $0x1, s4;
	[sflag:s18] =	ssyncset.done $0x0  }
0x6f: {  	p1 =	sne.s32 s4, s16;
	[sflag:s18] =	ssyncadd.s32 $0xFFFFF380  }
0x70: {  	[hbm:s15], [sflag:s26] =	dma.local @!p0 [spmem:s25], $0xC80  }
.Ltmp2:
0x71: {  	_ = 	snop;
	(pc) =	sbr.rel @p1 .LBB2_1-.Ltmp2, $4  }
0x72: {  	s26 =	simm.s32 @!p0 $0x2  }
0x73: {  	_ =	swait.ge @!p0 [sflag:s26], $0xC80  }
0x74: {  	[sflag:s26] =	ssyncset.done @!p0 $0x0  }
0x75: {  	[sflag:s26] =	ssyncadd.s32 @!p0 $0xFFFFF380  }
0x76: {  	_ =	sfence.sel $0x180000  }
0x77: {  	[bflag:$0x0] =	sbarrier.arrive $0xFFFF  }
0x78: {  	p0 =	sne.s32 s0, $0x0;
	_ =	strace $0x90000047  }
0x79: {  	s0 =	sadd.s32 @!p0 $0x100000, s2;
	[bflag:$0x2] =	sbarrier.arrive $0xFFFF  }
0x7a: {  	[sflag:s0] =	ssyncadd.tile.s32 @!p0 $0x1;
	_ =	shalt  }
.Lfunc_end2:
_tile_overlayer_lowered:
.L_overlay_start_2:
0x7b: {  	(tag) =	ssettag $0x2  }
0x7c: {  	s0 =	rddreg [dreg:$0x0];
	s2 =	stileid.u32  }
0x7d: {  	s1 =	rddreg [dreg:$0x1];
	p0 =	sne.s32 s2, $0x0  }
0x7e: {  	s3 =	rddreg [dreg:$0x2];
	[bflag:$0x3] =	sbarrier.arrive $0xFFFF;
	s2 =	simm.s32 @!p0 $0x1C02  }
0x7f: {  	[timem:s3], [sflag:s2] =	dma.local @!p0 [hbm:s0], s1  }
0x80: {  	s0 =	simm.s32 @!p0 $0x2  }
0x81: {  	_ =	swait.ge @!p0 [sflag:s0], s1  }
0x82: {  	s1 =	ssub.s32 @!p0 $0x0, s1;
	[sflag:s0] =	ssyncset.done @!p0 $0x0  }
0x83: {  	[sflag:s0] =	ssyncadd.s32 @!p0 s1  }
0x84: {  	[bflag:$0x3] =	sbarrier.arrive $0xFFFF  }
0x85: {  	_ =	shalt  }

// kernel: kernel.15.cloned.1.call-start
scs
__scs_entry_jumppad:
0x0: {  	(pc) =	sbr.rel $0x88, $3  }
0x1: {  	(tag) =	ssettag $0x0;
	lr =	simm.s32 $0x1  }
0x2: {  	[smem:$0x3F99] =	sst lr;
	_ =	strace $0xD0000000  }
0x3: {  	_ = 	snop  }
0x4: {  	_ = 	snop  }
0x5: {  	_ = 	snop  }
0x6: {  	_ = 	snop  }
0x7: {  	_ = 	snop  }
__scs_overlays_trampoline_lowered:
0x8: {  	[smem:$0x3FA8] =	sst s0  }
0x9: {  	[smem:$0x3FA9] =	sst s1  }
0xa: {  	[smem:$0x3FAA] =	sst s2  }
0xb: {  	[smem:$0x3FAB] =	sst s3  }
0xc: {  	[smem:$0x3FAC] =	sst s4  }
0xd: {  	[smem:$0x3FAD] =	sst s5  }
0xe: {  	[smem:$0x3FAE] =	sst s6  }
0xf: {  	[smem:$0x3FAF] =	sst s7  }
0x10: {  	[smem:$0x3FB0] =	sst s8  }
0x11: {  	[smem:$0x3FB1] =	sst s9;
	s0 =	simm.s32 @!p0 $0x0  }
0x12: {  	s1 =	sld [smem:$0x3F97];
	s0 =	simm.s32 @p0 $0x1  }
0x13: {  	[smem:$0x3FB2] =	sst s0;
	s0 =	simm.s32 @!p1 $0x0  }
0x14: {  	s2 =	sld [smem:$0x3F96];
	s0 =	simm.s32 @p1 $0x1  }
0x15: {  	[smem:$0x3FB3] =	sst s0;
	s0 =	simm.s32 @!p2 $0x0  }
0x16: {  	s3 =	sld [smem:$0x3FDB];
	s0 =	simm.s32 @p2 $0x1  }
0x17: {  	s4 =	simm.s32 $0x1BF5;
	[smem:$0x3FB5] =	sst s0  }
0x18: {  	s0 =	sld [smem:$0x3F98];
	_ =	swait.ge [sflag:s4], $0x0  }
0x19: {  	s7 =	sld [smem:$0x3F99]  }
0x1a: {  	s8 =	sadd.s32 $0xFFFFE003, lr  }
0x1b: {  	s9 =	sadd.s32 $0xFFFFFEF7, lr;
	s5 =	simm.s32 $0xFFFFFFFF;
	p2 =	slt.u32 s8, $0xFFFFF086  }
0x1c: {  	p1 =	slt.u32 s9, $0xF7A;
	s5 =	simm.s32 @!p2 $0x0  }
0x1d: {  	s5 =	simm.s32 @p1 $0x1;
	p0 =	seq.s32 s7, s2  }
0x1e: {  	s7 =	smul.u32 @!p0 $0xF7A, s2;
	p2 =	seq.s32 @!p0 s5, $0x0  }
0x1f: {  	s9 =	smul.u32 $0xF7A, s1;
	s8 =	simm.s32 @!p0 $0x1BF5;
	p2 =	por !p2, p0  }
0x20: {  	[sflag:s8] =	ssyncset.s32 @!p0 $0xFFFFF086;
	s6 =	sadd.s32 @!p0 s3, s7;
	s7 =	simm.s32 @!p0 $0x108  }
0x21: {  	s3 =	sadd.s32 s3, s9;
	s6 =	sadd.s32 @!p0 $0x88, s6;
	s7 =	simm.s32 @p2 $0x1082  }
0x22: {  	[simem:s7], [sflag:s8] =	dma.local @!p0 [hbm:s6], $0xF7A  }
0x23: {  	s9 =	sor.u32 $0xD0000000, s2;
	s6 =	simm.s32 $0x108;
	_ =	swait.ge @!p0 [sflag:s8], $0x0  }
0x24: {  	s3 =	sadd.s32 $0x88, s3;
	s6 =	simm.s32 @!p1 $0x1082;
	[sflag:s4] =	ssyncset.s32 $0xFFFFF086  }
0x25: {  	[simem:s6], [sflag:s4] =	dma.local [hbm:s3], $0xF7A  }
0x26: {  	[smem:$0x3F99] =	sst s1;
	(tag) =	ssettag s2;
	_ =	strace s9  }
0x27: {  	s1 =	sld [smem:$0x3FA9]  }
0x28: {  	s2 =	sld [smem:$0x3FAA]  }
0x29: {  	s4 =	sld [smem:$0x3FAC]  }
0x2a: {  	p0 =	seq.s32 s5, $0x0;
	s5 =	sld [smem:$0x3FAD]  }
0x2b: {  	s6 =	sld [smem:$0x3FAE]  }
0x2c: {  	s7 =	sld [smem:$0x3FAF]  }
0x2d: {  	s3 =	simm.s32 $0x108;
	s8 =	sld [smem:$0x3FB0]  }
0x2e: {  	s3 =	simm.s32 @!p0 $0x1082;
	s9 =	sld [smem:$0x3FB1]  }
0x2f: {  	lr =	sadd.s32 s0, s3;
	s0 =	sld [smem:$0x3FA8]  }
0x30: {  	s3 =	sld [smem:$0x3FAB]  }
0x31: {  	[smem:$0x3FB4] =	sst s10  }
0x32: {  	s10 =	sld [smem:$0x3FB2];
	_ =	sdelay $0x3  }
0x33: {  	p0 =	seq.s32 s10, $0x1;
	s10 =	sld [smem:$0x3FB4];
	_ =	sdelay $0x3  }
0x34: {  	[smem:$0x3FB4] =	sst s10  }
0x35: {  	s10 =	sld [smem:$0x3FB3];
	_ =	sdelay $0x3  }
0x36: {  	p1 =	seq.s32 s10, $0x1;
	s10 =	sld [smem:$0x3FB4];
	_ =	sdelay $0x3  }
0x37: {  	[smem:$0x3FB4] =	sst s10  }
0x38: {  	s10 =	sld [smem:$0x3FB5]  }
0x39: {  	_ = 	snop;
	(pc) =	sbr.ind lr, $3  }
0x3a: {  	_ = 	snop  }
0x3b: {  	_ = 	snop  }
0x3c: {  	p2 =	seq.s32 s10, $0x1;
	s10 =	sld [smem:$0x3FB4]  }
0x3d: {  	_ =	shalt  }
0x3e: {  	_ =	shalt  }
0x3f: {  	_ =	shalt  }
0x40: {  	_ =	shalt  }
0x41: {  	_ =	shalt  }
0x42: {  	_ =	shalt  }
0x43: {  	_ =	shalt  }
0x44: {  	_ =	shalt  }
0x45: {  	_ =	shalt  }
0x46: {  	_ =	shalt  }
0x47: {  	_ =	shalt  }
0x48: {  	_ =	shalt  }
0x49: {  	_ =	shalt  }
0x4a: {  	_ =	shalt  }
0x4b: {  	_ =	shalt  }
0x4c: {  	_ =	shalt  }
0x4d: {  	_ =	shalt  }
0x4e: {  	_ =	shalt  }
0x4f: {  	_ =	shalt  }
0x50: {  	_ =	shalt  }
0x51: {  	_ =	shalt  }
0x52: {  	_ =	shalt  }
0x53: {  	_ =	shalt  }
0x54: {  	_ =	shalt  }
0x55: {  	_ =	shalt  }
0x56: {  	_ =	shalt  }
0x57: {  	_ =	shalt  }
0x58: {  	_ =	shalt  }
0x59: {  	_ =	shalt  }
0x5a: {  	_ =	shalt  }
0x5b: {  	_ =	shalt  }
0x5c: {  	_ =	shalt  }
0x5d: {  	_ =	shalt  }
0x5e: {  	_ =	shalt  }
0x5f: {  	_ =	shalt  }
0x60: {  	_ =	shalt  }
0x61: {  	_ =	shalt  }
0x62: {  	_ =	shalt  }
0x63: {  	_ =	shalt  }
0x64: {  	_ =	shalt  }
0x65: {  	_ =	shalt  }
0x66: {  	_ =	shalt  }
0x67: {  	_ =	shalt  }
0x68: {  	_ =	shalt  }
0x69: {  	_ =	shalt  }
0x6a: {  	_ =	shalt  }
0x6b: {  	_ =	shalt  }
0x6c: {  	_ =	shalt  }
0x6d: {  	_ =	shalt  }
0x6e: {  	_ =	shalt  }
0x6f: {  	_ =	shalt  }
0x70: {  	_ =	shalt  }
0x71: {  	_ =	shalt  }
0x72: {  	_ =	shalt  }
0x73: {  	_ =	shalt  }
0x74: {  	_ =	shalt  }
0x75: {  	_ =	shalt  }
0x76: {  	_ =	shalt  }
0x77: {  	_ =	shalt  }
0x78: {  	_ =	shalt  }
0x79: {  	_ =	shalt  }
0x7a: {  	_ =	shalt  }
0x7b: {  	_ =	shalt  }
0x7c: {  	_ =	shalt  }
0x7d: {  	_ =	shalt  }
0x7e: {  	_ =	shalt  }
0x7f: {  	_ =	shalt  }
0x80: {  	_ =	shalt  }
0x81: {  	_ =	shalt  }
0x82: {  	_ =	shalt  }
0x83: {  	_ =	shalt  }
0x84: {  	_ =	shalt  }
0x85: {  	_ =	shalt  }
0x86: {  	_ =	shalt  }
0x87: {  	_ =	shalt  }
.Lfunc_end0:
.L_simem_size_0:
called_computation.2_lowered:
.L_overlay_start_0:
0x88: {  	s2 =	sld [smem:$0x3FD9]  }
0x89: {  	s3 =	sld [smem:$0x3FFE];
	_ =	sdelay $0x1  }
0x8a: {  	s1 =	srdreg.scid  }
0x8b: {  	s0 =	sand.u32 $0x1, s1  }
0x8c: {  	s17 =	sshll.u32 s0, $0xA;
	s2 =	sadd.s32 s3, s2  }
0x8d: {  	s2 =	sadd.s32 s2, s17  }
0x8e: {  	[smem:$0x3FC0] =	sst s2  }
0x8f: {  	_ = 	snop  }
0x90: {  	s2 =	sld [smem:$0x3FD0];
	(tm) =	ssettm $0x1  }
0x91: {  	s18 =	sld [smem:$0x3FFB];
	_ =	sdelay $0x3  }
0x92: {  	_ =	strace s18  }
0x93: {  	s3 =	sld [smem:$0x3FFC];
	_ =	sdelay $0x3  }
0x94: {  	_ =	strace s3  }
0x95: {  	s3 =	sld [smem:$0x3FFD];
	_ =	sdelay $0x3  }
0x96: {  	_ =	strace s3  }
0x97: {  	_ =	strace $0x8FFFFFFF  }
0x98: {  	s19 =	sld [smem:$0x3FDB];
	_ =	sdelay $0x1  }
0x99: {  	s4 =	simm.s32 $_scs_section_size  }
0x9a: {  	s5 =	simm.s32 $_size__tile_overlayer_lowered;
	s6 =	simm.s32 $_tile_overlayer_lowered  }
0x9b: {  	s22 =	simm.s32 $0x1BFF;
	s21 =	sshll.u32 s6, $0x1;
	s3 =	sadd.s32 s4, s19  }
0x9c: {  	s7 =	simm.s32 $0x0;
	s20 =	sshll.u32 s5, $0x1;
	s5 =	sadd.s32 s21, s3  }
0x9d: {  	[timem:s7], [sflag:s22] =	dma.local [hbm:s5], s20  }
0x9e: {  	_ =	swait.ge [sflag:s22], s20  }
0x9f: {  	s4 =	ssub.s32 $0x0, s20;
	[sflag:s22] =	ssyncset.done $0x0  }
0xa0: {  	[sflag:s22] =	ssyncadd.s32 s4;
	_ =	sdelay $0x1  }
0xa1: {  	s23 =	simm.s32 $0x1B8B  }
0xa2: {  	_ =	swait.ge [sflag:s23], $0x1  }
0xa3: {  	[sflag:s23] =	ssyncset.done $0x0  }
0xa4: {  	s25 =	simm.s32 $0x1B8E;
	s24 =	sld [smem:$0x3FFE];
	[sflag:s23] =	ssyncadd.s32 $0xFFFFFFFF  }
0xa5: {  	s26 =	simm.s32 $execute0_lowered;
	[smem:$0x3FD2] =	sst s25  }
0xa6: {  	s5 =	sshll.u32 s26, $0x1;
	_ =	strace $0x8000004C;
	[dreg:$0x1] =	wrdreg $0xFFFFFFFF  }
0xa7: {  	s28 =	simm.s32 $_size_execute0_lowered;
	s3 =	sadd.s32 s3, s5;
	[dreg:$0x0] =	wrdreg $0x0  }
0xa8: {  	s5 =	sshll.u32 s28, $0x1;
	[dreg:$0x2] =	wrdreg s3  }
0xa9: {  	[dreg:$0x3] =	wrdreg s5  }
0xaa: {  	[dreg:$0x4] =	wrdreg $0xC0  }
0xab: {  	_ =	task [dreg:s7], $0x5FFFF  }
0xac: {  	[dreg:$0x1] =	wrdreg $0xFFFFFFFF  }
0xad: {  	[dreg:$0x0] =	wrdreg $0x60  }
0xae: {  	[dreg:$0x2] =	wrdreg s2  }
0xaf: {  	[dreg:$0x3] =	wrdreg s24  }
0xb0: {  	[dreg:$0x4] =	wrdreg $0x90000  }
0xb1: {  	[dreg:$0x5] =	wrdreg $0x9  }
0xb2: {  	_ =	task.clear_ibuf [dreg:s7], $0x6FFFF;
	_ =	strace $0x9000004C  }
0xb3: {  	s29 =	simm.s32 $0x9;
	_ =	strace $0x8000004E  }
0xb4: {  	_ =	swait.ge [sflag:s29], $0x1  }
0xb5: {  	[sflag:s29] =	ssyncadd.s32 $0xFFFFFFFF  }
0xb6: {  	_ =	strace $0x9000004E  }
0xb7: {  	_ =	sfence  }
0xb8: {  	s30 =	sld [smem:$0x0];
	_ =	sdelay $0x2  }
0xb9: {  	s31 =	sshll.u32 s1, $0xD;
	s1 =	sshrl.u32 s1, $0x2  }
0xba: {  	s3 =	sand.u32 $0x4000, s31;
	s1 =	sadd.s32 s1, s30  }
0xbb: {  	s0 =	sor.u32 s3, s0;
	s1 =	sshll.u32 s1, $0x11  }
0xbc: {  	s0 =	sor.u32 s1, s0  }
0xbd: {  	s0 =	sadd.s32 $0x8F2B, s0  }
0xbe: {  	[sflag:s0] =	ssyncadd.remote.s32 $0x1  }
0xbf: {  	_ =	sfence.sel $0xFFFF  }
0xc0: {  	[dreg:$0x0] =	wrdreg $0xFFFFFFFF;
	(pc) =	sbr.abs _section_cstart, $3  }
0xc1: {  	[dreg:$0x1] =	wrdreg $0xFFFFFFFF  }
0xc2: {  	_ =	task.clear_ibuf [dreg:s7], $0x2FFFF;
	_ =	strace $0x9FFFFFFF  }
0xc3: {  	(tm) =	ssettm $0x7FFFFFFF  }
tec
execute0_lowered:
.L_overlay_start_1:
0x0: {  	(tag) =	ssettag $0x1  }
0x1: {  	s0 =	stileid.u32  }
0x2: {  	s30 =	smul.u32 $0xFA00, s0  }
0x3: {  	s13 =	sor.u32 $0x10, s0;
	s20 =	smul.u32 $0x6400, s0  }
0x4: {  	s1 =	rddreg [dreg:$0x0];
	s14 =	sor.u32 $0x20, s0;
	s8 =	smul.u32 $0xFA00, s13  }
0x5: {  	s2 =	srdreg.scid;
	s16 =	sor.u32 $0x30, s0;
	s9 =	smul.u32 $0xFA00, s14  }
0x6: {  	s5 =	rddreg [dreg:$0x1];
	s6 =	sand.u32 $0x1, s2;
	s12 =	smul.u32 $0xFA00, s16  }
0x7: {  	s3 =	rddreg [dreg:$0x2];
	s4 =	simm.s32 $0x0;
	s18 =	smul.u32 $0x138800, s6  }
0x8: {  	s7 =	sshll.u32 s0, $0x1;
	s2 =	rddreg [dreg:$0x3];
	s25 =	smul.u32 $0x6400, s14  }
0x9: {  	[smem:$0x7FF] =	sst s4;
	s15 =	sadd.s32 $0x16A00, s5;
	s28 =	smul.u32 $0x6400, s16  }
0xa: {  	p0 =	sgt.u32 s0, $0x1;
	s31 =	ssub.s32 $0x2, s6;
	s29 =	smul.u32 $0x19000, s14  }
0xb: {  	s7 =	sor.u32 s6, s7;
	s16 =	smul.u32 $0x19000, s16;
	s10 =	sshrl.u32 s31, $0x1  }
0xc: {  	_ =	strace $0x8000004D;
	s7 =	smul.u32 $0x500, s7;
	s17 =	ssub.s32 s31, s10  }
0xd: {  	s10 =	sshrl.u32 s8, $0x2;
	s19 =	sshrl.u32 s9, $0x2;
	s21 =	sshrl.u32 s12, $0x2  }
0xe: {  	s22 =	sadd.s32 s20, s18;
	s20 =	smul.u32 $0x6400, s13;
	s31 =	sshrl.u32 s29, $0x2  }
0xf: {  	s16 =	sshrl.u32 s16, $0x2;
	s11 =	sadd.s32 s7, s5;
	s7 =	sshrl.u32 s30, $0x2  }
0x10: {  	s6 =	sadd.s32 s10, s3;
	s8 =	sadd.s32 s21, s3;
	s23 =	sshrl.u32 s22, $0x3  }
0x11: {  	s21 =	smul.u32 $0x19000, s13;
	s5 =	sadd.s32 s7, s3;
	s7 =	sadd.s32 s19, s3  }
0x12: {  	s19 =	smul.u32 $0x19000, s0;
	s10 =	sadd.s32 $0xCA00, s11;
	s11 =	sadd.s32 $0x2A00, s11  }
0x13: {  	s12 =	sadd.s32 s15, s23;
	s20 =	sadd.s32 s18, s20;
	s9 =	sadd.s32 $0xFA000, s5  }
0x14: {  	s24 =	sshrl.u32 s20, $0x3;
	s26 =	sshrl.u32 s21, $0x2;
	s20 =	simm.s32 $0x7D  }
0x15: {  	s21 =	simm.s32 $0x1;
	s19 =	sshrl.u32 s19, $0x2;
	s13 =	sadd.s32 s15, s24  }
0x16: {  	s23 =	sadd.s32 s26, s3;
	s24 =	sadd.s32 s31, s3;
	s22 =	sadd.s32 s19, s3  }
0x17: {  	s19 =	sadd.s32 s18, s25;
	s18 =	sadd.s32 s18, s28;
	s25 =	sadd.s32 s16, s3  }
0x18: {  	s16 =	smax.u32 s17, $0x1;
	s17 =	simm.s32 $0x5000;
	s23 =	sshrl.u32 s23, $0x3  }
0x19: {  	s24 =	sshrl.u32 s24, $0x3;
	s30 =	sshrl.u32 s19, $0x3;
	s18 =	sshrl.u32 s18, $0x3  }
0x1a: {  	s19 =	simm.s32 $0x2800;
	s22 =	sshrl.u32 s22, $0x3;
	s25 =	sshrl.u32 @!p0 s25, $0x3  }
0x1b: {  	v0 =	vimm.f32 $0.0e+00;
	s14 =	sadd.s32 s15, s30;
	s15 =	sadd.s32 s15, s18;
	s18 =	simm.s32 $0x2  }
.LBB2_1:
0x1c: {  	s26 =	simm.s32 $0x0;
	s28 =	simm.s32 $0x200  }
.LBB2_2:
0x1d: {  	p1 =	sne.s32 s28, $0xF800;
	[tilespmem:s26+$0x5070] =	vst v0  }
0x1e: {  	[tilespmem:s26+$0x5000] =	vst v0  }
0x1f: {  	[tilespmem:s26+$0x5010] =	vst v0  }
.Ltmp0:
0x20: {  	[tilespmem:s26+$0x5020] =	vst v0;
	(pc) =	sbr.rel @p1 .LBB2_2-.Ltmp0, $4  }
0x21: {  	[tilespmem:s26+$0x5030] =	vst v0  }
0x22: {  	[tilespmem:s26+$0x5040] =	vst v0  }
0x23: {  	[tilespmem:s26+$0x5050] =	vst v0  }
0x24: {  	[tilespmem:s26+$0x5060] =	vst v0;
	s26 =	sshra.s32 s28, $0x2;
	s28 =	sadd.s32 $0x200, s28  }
0x25: {  	[tilespmem:s26+$0x5070] =	vst v0  }
0x26: {  	[tilespmem:s26+$0x5000] =	vst v0  }
0x27: {  	[tilespmem:s26+$0x5010] =	vst v0  }
0x28: {  	[tilespmem:s26+$0x5020] =	vst v0  }
0x29: {  	[tilespmem:s26+$0x5030] =	vst v0  }
0x2a: {  	[tilespmem:s26+$0x5040] =	vst v0  }
0x2b: {  	[tilespmem:s26+$0x5050] =	vst v0  }
0x2c: {  	[tilespmem:s26+$0x5060] =	vst v0  }
0x2d: {  	[spmem:s5] =	stream.linear.scatter [tilespmem:s17], [sflag:$0x2], $0x3E80, $0x38;
	[tilespmem:$0x1C880] =	vst v63  }
0x2e: {  	_ =	swait.ge [sflag:s18], $0x3E80  }
0x2f: {  	[sflag:s18] =	ssyncset.done $0x0  }
0x30: {  	[sflag:s18] =	ssyncadd.s32 $0xFFFFC180  }
0x31: {  	[spmem:s6] =	stream.linear.scatter [tilespmem:s17], [sflag:$0x2], $0x3E80, $0x38;
	[tilespmem:$0x1C880] =	vst v63  }
0x32: {  	_ =	swait.ge [sflag:s18], $0x3E80  }
0x33: {  	[sflag:s18] =	ssyncset.done $0x0  }
0x34: {  	[sflag:s18] =	ssyncadd.s32 $0xFFFFC180  }
0x35: {  	[spmem:s7] =	stream.linear.scatter [tilespmem:s17], [sflag:$0x2], $0x3E80, $0x38;
	[tilespmem:$0x1C880] =	vst v63  }
0x36: {  	_ =	swait.ge [sflag:s18], $0x3E80  }
0x37: {  	[sflag:s18] =	ssyncset.done $0x0  }
0x38: {  	[sflag:s18] =	ssyncadd.s32 $0xFFFFC180  }
0x39: {  	[spmem:s8] =	stream.linear.scatter [tilespmem:s17], [sflag:$0x2], $0x3E80, $0x38;
	[tilespmem:$0x1C880] =	vst v63  }
0x3a: {  	_ =	swait.ge [sflag:s18], $0x3E80  }
0x3b: {  	[sflag:s18] =	ssyncset.done $0x0  }
0x3c: {  	[sflag:s18] =	ssyncadd.s32 $0xFFFFC180  }
0x3d: {  	[spmem:s9] =	stream.linear.scatter [tilespmem:s17], [sflag:$0x2], $0x3E80, $0x38;
	[tilespmem:$0x1C880] =	vst v63  }
0x3e: {  	_ =	swait.ge [sflag:s18], $0x3E80  }
0x3f: {  	[sflag:s18] =	ssyncset.done $0x0  }
0x40: {  	s29 =	simm.s32 $0x0;
	[sflag:s18] =	ssyncadd.s32 $0xFFFFC180  }
0x41: {  	[tilespmem:s29], [sflag:$0x2] =	stream.linear.gather [hbm4b:s10+s29], $0x2800, $0x38;
	[tilespmem:$0x1C880] =	vst v63  }
0x42: {  	_ =	swait.ge [sflag:s18], $0x2800  }
0x43: {  	[sflag:s18] =	ssyncset.done $0x0  }
0x44: {  	[sflag:s18] =	ssyncadd.s32 $0xFFFFD800  }
0x45: {  	[tilespmem:s19], [sflag:$0x2] =	stream.linear.gather [hbm4b:s11+s29], $0x2800, $0x38;
	[tilespmem:$0x1C880] =	vst v63  }
0x46: {  	_ =	swait.ge [sflag:s18], $0x2800  }
0x47: {  	[sflag:s18] =	ssyncset.done $0x0  }
0x48: {  	[sflag:s18] =	ssyncadd.s32 $0xFFFFD800  }
0x49: {  	s30 =	simm.s32 $0x0;
	[bflag:$0x0] =	sbarrier.arrive $0xFFFF  }
0x4a: {  	[tilespmem:s17], [sflag:$0x1] =	stream.indirect.gather [hbm4b:s1+s20], $0x80, s30, s20, $0xb8;
	[tilespmem:$0x1C880] =	vst v63  }
0x4b: {  	_ =	swait.ge [sflag:s21], $0x3E80  }
0x4c: {  	[sflag:s21] =	ssyncset.done $0x0  }
0x4d: {  	s31 =	simm.s32 $0x2800;
	[sflag:s21] =	ssyncadd.s32 $0xFFFFC180  }
0x4e: {  	[spmem:s3] =	stream.indirect.scatter.add.f32 [tilespmem:s17], [sflag:$0x2], $0x80, s31, s20, $0xb8;
	[tilespmem:$0x1C880] =	vst v63  }
0x4f: {  	_ =	swait.ge [sflag:s18], $0x3E80  }
0x50: {  	s26 =	simm.s32 $0x200;
	s28 =	simm.s32 $0x400;
	[sflag:s18] =	ssyncset.done $0x0  }
.LBB2_4:
0x51: {  	s29 =	sshra.s32 s26, $0x2  }
0x52: {  	[sflag:s18] =	ssyncadd.s32 $0xFFFFC180;
	s26 =	smov.u32 s28;
	s30 =	sadd.s32 $0x200, s28  }
0x53: {  	[tilespmem:s17], [sflag:$0x1] =	stream.indirect.gather [hbm4b:s1+s20], $0x80, s29, s20, $0xb8;
	[tilespmem:$0x1C880] =	vst v63  }
0x54: {  	p1 =	sne.s32 s28, $0x9E00;
	_ =	swait.ge [sflag:s21], $0x3E80  }
.Ltmp1:
0x55: {  	[sflag:s21] =	ssyncset.done $0x0;
	(pc) =	sbr.rel @p1 .LBB2_4-.Ltmp1, $4  }
0x56: {  	s28 =	sadd.s32 $0x2800, s29;
	[sflag:s21] =	ssyncadd.s32 $0xFFFFC180  }
0x57: {  	[spmem:s3] =	stream.indirect.scatter.add.f32 [tilespmem:s17], [sflag:$0x2], $0x80, s28, s20, $0xb8;
	[tilespmem:$0x1C880] =	vst v63  }
0x58: {  	_ =	swait.ge [sflag:s18], $0x3E80  }
0x59: {  	s28 =	smov.u32 s30;
	[sflag:s18] =	ssyncset.done $0x0  }
0x5a: {  	s26 =	sshra.s32 s26, $0x2;
	[sflag:s18] =	ssyncadd.s32 $0xFFFFC180  }
0x5b: {  	[tilespmem:s17], [sflag:$0x1] =	stream.indirect.gather [hbm4b:s1+s20], $0x80, s26, s20, $0xb8;
	[tilespmem:$0x1C880] =	vst v63  }
0x5c: {  	_ =	swait.ge [sflag:s21], $0x3E80  }
0x5d: {  	[sflag:s21] =	ssyncset.done $0x0  }
0x5e: {  	s26 =	sadd.s32 $0x2800, s26;
	[sflag:s21] =	ssyncadd.s32 $0xFFFFC180  }
0x5f: {  	[spmem:s3] =	stream.indirect.scatter.add.f32 [tilespmem:s17], [sflag:$0x2], $0x80, s26, s20, $0xb8;
	[tilespmem:$0x1C880] =	vst v63  }
0x60: {  	_ =	swait.ge [sflag:s18], $0x3E80  }
0x61: {  	[sflag:s18] =	ssyncset.done $0x0  }
0x62: {  	s31 =	sshll.u32 s0, $0x6;
	[sflag:s18] =	ssyncadd.s32 $0xFFFFC180  }
0x63: {  	s26 =	sor.u32 $0x1C02, s31;
	[bflag:$0x0] =	sbarrier.arrive $0xFFFF  }
0x64: {  	[hbm:s12], [sflag:s26] =	dma.local [spmem:s22], $0xC80  }
0x65: {  	_ =	swait.ge [sflag:s18], $0xC80  }
0x66: {  	[sflag:s18] =	ssyncset.done $0x0  }
0x67: {  	[sflag:s18] =	ssyncadd.s32 $0xFFFFF380  }
0x68: {  	[hbm:s13], [sflag:s26] =	dma.local [spmem:s23], $0xC80  }
0x69: {  	_ =	swait.ge [sflag:s18], $0xC80  }
0x6a: {  	[sflag:s18] =	ssyncset.done $0x0  }
0x6b: {  	[sflag:s18] =	ssyncadd.s32 $0xFFFFF380  }
0x6c: {  	[hbm:s14], [sflag:s26] =	dma.local [spmem:s24], $0xC80  }
0x6d: {  	_ =	swait.ge [sflag:s18], $0xC80  }
0x6e: {  	s4 =	sadd.s32 $0x1, s4;
	[sflag:s18] =	ssyncset.done $0x0  }
0x6f: {  	p1 =	sne.s32 s4, s16;
	[sflag:s18] =	ssyncadd.s32 $0xFFFFF380  }
0x70: {  	[hbm:s15], [sflag:s26] =	dma.local @!p0 [spmem:s25], $0xC80  }
.Ltmp2:
0x71: {  	_ = 	snop;
	(pc) =	sbr.rel @p1 .LBB2_1-.Ltmp2, $4  }
0x72: {  	s26 =	simm.s32 @!p0 $0x2  }
0x73: {  	_ =	swait.ge @!p0 [sflag:s26], $0xC80  }
0x74: {  	[sflag:s26] =	ssyncset.done @!p0 $0x0  }
0x75: {  	[sflag:s26] =	ssyncadd.s32 @!p0 $0xFFFFF380  }
0x76: {  	_ =	sfence.sel $0x180000  }
0x77: {  	[bflag:$0x0] =	sbarrier.arrive $0xFFFF  }
0x78: {  	p0 =	sne.s32 s0, $0x0;
	_ =	strace $0x9000004D  }
0x79: {  	s0 =	sadd.s32 @!p0 $0x100000, s2;
	[bflag:$0x2] =	sbarrier.arrive $0xFFFF  }
0x7a: {  	[sflag:s0] =	ssyncadd.tile.s32 @!p0 $0x1;
	_ =	shalt  }
.Lfunc_end2:
_tile_overlayer_lowered:
.L_overlay_start_2:
0x7b: {  	(tag) =	ssettag $0x2  }
0x7c: {  	s0 =	rddreg [dreg:$0x0];
	s2 =	stileid.u32  }
0x7d: {  	s1 =	rddreg [dreg:$0x1];
	p0 =	sne.s32 s2, $0x0  }
0x7e: {  	s3 =	rddreg [dreg:$0x2];
	[bflag:$0x3] =	sbarrier.arrive $0xFFFF;
	s2 =	simm.s32 @!p0 $0x1C02  }
0x7f: {  	[timem:s3], [sflag:s2] =	dma.local @!p0 [hbm:s0], s1  }
0x80: {  	s0 =	simm.s32 @!p0 $0x2  }
0x81: {  	_ =	swait.ge @!p0 [sflag:s0], s1  }
0x82: {  	s1 =	ssub.s32 @!p0 $0x0, s1;
	[sflag:s0] =	ssyncset.done @!p0 $0x0  }
0x83: {  	[sflag:s0] =	ssyncadd.s32 @!p0 s1  }
0x84: {  	[bflag:$0x3] =	sbarrier.arrive $0xFFFF  }
0x85: {  	_ =	shalt  }

// kernel: kernel.18.cloned.1.call-start
scs
__scs_entry_jumppad:
0x0: {  	(pc) =	sbr.rel $0x88, $3  }
0x1: {  	(tag) =	ssettag $0x0;
	lr =	simm.s32 $0x1  }
0x2: {  	[smem:$0x3F99] =	sst lr;
	_ =	strace $0xD0000000  }
0x3: {  	_ = 	snop  }
0x4: {  	_ = 	snop  }
0x5: {  	_ = 	snop  }
0x6: {  	_ = 	snop  }
0x7: {  	_ = 	snop  }
__scs_overlays_trampoline_lowered:
0x8: {  	[smem:$0x3FA8] =	sst s0  }
0x9: {  	[smem:$0x3FA9] =	sst s1  }
0xa: {  	[smem:$0x3FAA] =	sst s2  }
0xb: {  	[smem:$0x3FAB] =	sst s3  }
0xc: {  	[smem:$0x3FAC] =	sst s4  }
0xd: {  	[smem:$0x3FAD] =	sst s5  }
0xe: {  	[smem:$0x3FAE] =	sst s6  }
0xf: {  	[smem:$0x3FAF] =	sst s7  }
0x10: {  	[smem:$0x3FB0] =	sst s8  }
0x11: {  	[smem:$0x3FB1] =	sst s9;
	s0 =	simm.s32 @!p0 $0x0  }
0x12: {  	s1 =	sld [smem:$0x3F97];
	s0 =	simm.s32 @p0 $0x1  }
0x13: {  	[smem:$0x3FB2] =	sst s0;
	s0 =	simm.s32 @!p1 $0x0  }
0x14: {  	s2 =	sld [smem:$0x3F96];
	s0 =	simm.s32 @p1 $0x1  }
0x15: {  	[smem:$0x3FB3] =	sst s0;
	s0 =	simm.s32 @!p2 $0x0  }
0x16: {  	s3 =	sld [smem:$0x3FDB];
	s0 =	simm.s32 @p2 $0x1  }
0x17: {  	s4 =	simm.s32 $0x1BF5;
	[smem:$0x3FB5] =	sst s0  }
0x18: {  	s0 =	sld [smem:$0x3F98];
	_ =	swait.ge [sflag:s4], $0x0  }
0x19: {  	s7 =	sld [smem:$0x3F99]  }
0x1a: {  	s8 =	sadd.s32 $0xFFFFE003, lr  }
0x1b: {  	s9 =	sadd.s32 $0xFFFFFEF7, lr;
	s5 =	simm.s32 $0xFFFFFFFF;
	p2 =	slt.u32 s8, $0xFFFFF086  }
0x1c: {  	p1 =	slt.u32 s9, $0xF7A;
	s5 =	simm.s32 @!p2 $0x0  }
0x1d: {  	s5 =	simm.s32 @p1 $0x1;
	p0 =	seq.s32 s7, s2  }
0x1e: {  	s7 =	smul.u32 @!p0 $0xF7A, s2;
	p2 =	seq.s32 @!p0 s5, $0x0  }
0x1f: {  	s9 =	smul.u32 $0xF7A, s1;
	s8 =	simm.s32 @!p0 $0x1BF5;
	p2 =	por !p2, p0  }
0x20: {  	[sflag:s8] =	ssyncset.s32 @!p0 $0xFFFFF086;
	s6 =	sadd.s32 @!p0 s3, s7;
	s7 =	simm.s32 @!p0 $0x108  }
0x21: {  	s3 =	sadd.s32 s3, s9;
	s6 =	sadd.s32 @!p0 $0x88, s6;
	s7 =	simm.s32 @p2 $0x1082  }
0x22: {  	[simem:s7], [sflag:s8] =	dma.local @!p0 [hbm:s6], $0xF7A  }
0x23: {  	s9 =	sor.u32 $0xD0000000, s2;
	s6 =	simm.s32 $0x108;
	_ =	swait.ge @!p0 [sflag:s8], $0x0  }
0x24: {  	s3 =	sadd.s32 $0x88, s3;
	s6 =	simm.s32 @!p1 $0x1082;
	[sflag:s4] =	ssyncset.s32 $0xFFFFF086  }
0x25: {  	[simem:s6], [sflag:s4] =	dma.local [hbm:s3], $0xF7A  }
0x26: {  	[smem:$0x3F99] =	sst s1;
	(tag) =	ssettag s2;
	_ =	strace s9  }
0x27: {  	s1 =	sld [smem:$0x3FA9]  }
0x28: {  	s2 =	sld [smem:$0x3FAA]  }
0x29: {  	s4 =	sld [smem:$0x3FAC]  }
0x2a: {  	p0 =	seq.s32 s5, $0x0;
	s5 =	sld [smem:$0x3FAD]  }
0x2b: {  	s6 =	sld [smem:$0x3FAE]  }
0x2c: {  	s7 =	sld [smem:$0x3FAF]  }
0x2d: {  	s3 =	simm.s32 $0x108;
	s8 =	sld [smem:$0x3FB0]  }
0x2e: {  	s3 =	simm.s32 @!p0 $0x1082;
	s9 =	sld [smem:$0x3FB1]  }
0x2f: {  	lr =	sadd.s32 s0, s3;
	s0 =	sld [smem:$0x3FA8]  }
0x30: {  	s3 =	sld [smem:$0x3FAB]  }
0x31: {  	[smem:$0x3FB4] =	sst s10  }
0x32: {  	s10 =	sld [smem:$0x3FB2];
	_ =	sdelay $0x3  }
0x33: {  	p0 =	seq.s32 s10, $0x1;
	s10 =	sld [smem:$0x3FB4];
	_ =	sdelay $0x3  }
0x34: {  	[smem:$0x3FB4] =	sst s10  }
0x35: {  	s10 =	sld [smem:$0x3FB3];
	_ =	sdelay $0x3  }
0x36: {  	p1 =	seq.s32 s10, $0x1;
	s10 =	sld [smem:$0x3FB4];
	_ =	sdelay $0x3  }
0x37: {  	[smem:$0x3FB4] =	sst s10  }
0x38: {  	s10 =	sld [smem:$0x3FB5]  }
0x39: {  	_ = 	snop;
	(pc) =	sbr.ind lr, $3  }
0x3a: {  	_ = 	snop  }
0x3b: {  	_ = 	snop  }
0x3c: {  	p2 =	seq.s32 s10, $0x1;
	s10 =	sld [smem:$0x3FB4]  }
0x3d: {  	_ =	shalt  }
0x3e: {  	_ =	shalt  }
0x3f: {  	_ =	shalt  }
0x40: {  	_ =	shalt  }
0x41: {  	_ =	shalt  }
0x42: {  	_ =	shalt  }
0x43: {  	_ =	shalt  }
0x44: {  	_ =	shalt  }
0x45: {  	_ =	shalt  }
0x46: {  	_ =	shalt  }
0x47: {  	_ =	shalt  }
0x48: {  	_ =	shalt  }
0x49: {  	_ =	shalt  }
0x4a: {  	_ =	shalt  }
0x4b: {  	_ =	shalt  }
0x4c: {  	_ =	shalt  }
0x4d: {  	_ =	shalt  }
0x4e: {  	_ =	shalt  }
0x4f: {  	_ =	shalt  }
0x50: {  	_ =	shalt  }
0x51: {  	_ =	shalt  }
0x52: {  	_ =	shalt  }
0x53: {  	_ =	shalt  }
0x54: {  	_ =	shalt  }
0x55: {  	_ =	shalt  }
0x56: {  	_ =	shalt  }
0x57: {  	_ =	shalt  }
0x58: {  	_ =	shalt  }
0x59: {  	_ =	shalt  }
0x5a: {  	_ =	shalt  }
0x5b: {  	_ =	shalt  }
0x5c: {  	_ =	shalt  }
0x5d: {  	_ =	shalt  }
0x5e: {  	_ =	shalt  }
0x5f: {  	_ =	shalt  }
0x60: {  	_ =	shalt  }
0x61: {  	_ =	shalt  }
0x62: {  	_ =	shalt  }
0x63: {  	_ =	shalt  }
0x64: {  	_ =	shalt  }
0x65: {  	_ =	shalt  }
0x66: {  	_ =	shalt  }
0x67: {  	_ =	shalt  }
0x68: {  	_ =	shalt  }
0x69: {  	_ =	shalt  }
0x6a: {  	_ =	shalt  }
0x6b: {  	_ =	shalt  }
0x6c: {  	_ =	shalt  }
0x6d: {  	_ =	shalt  }
0x6e: {  	_ =	shalt  }
0x6f: {  	_ =	shalt  }
0x70: {  	_ =	shalt  }
0x71: {  	_ =	shalt  }
0x72: {  	_ =	shalt  }
0x73: {  	_ =	shalt  }
0x74: {  	_ =	shalt  }
0x75: {  	_ =	shalt  }
0x76: {  	_ =	shalt  }
0x77: {  	_ =	shalt  }
0x78: {  	_ =	shalt  }
0x79: {  	_ =	shalt  }
0x7a: {  	_ =	shalt  }
0x7b: {  	_ =	shalt  }
0x7c: {  	_ =	shalt  }
0x7d: {  	_ =	shalt  }
0x7e: {  	_ =	shalt  }
0x7f: {  	_ =	shalt  }
0x80: {  	_ =	shalt  }
0x81: {  	_ =	shalt  }
0x82: {  	_ =	shalt  }
0x83: {  	_ =	shalt  }
0x84: {  	_ =	shalt  }
0x85: {  	_ =	shalt  }
0x86: {  	_ =	shalt  }
0x87: {  	_ =	shalt  }
.Lfunc_end0:
.L_simem_size_0:
called_computation.3_lowered:
.L_overlay_start_0:
0x88: {  	s2 =	sld [smem:$0x3FD9]  }
0x89: {  	s3 =	sld [smem:$0x3FFE];
	_ =	sdelay $0x1  }
0x8a: {  	s1 =	srdreg.scid  }
0x8b: {  	s0 =	sand.u32 $0x1, s1  }
0x8c: {  	s17 =	sshll.u32 s0, $0xA;
	s2 =	sadd.s32 s3, s2  }
0x8d: {  	s2 =	sadd.s32 s2, s17  }
0x8e: {  	[smem:$0x3FC0] =	sst s2  }
0x8f: {  	_ = 	snop  }
0x90: {  	s2 =	sld [smem:$0x3FD0];
	(tm) =	ssettm $0x1  }
0x91: {  	s18 =	sld [smem:$0x3FFB];
	_ =	sdelay $0x3  }
0x92: {  	_ =	strace s18  }
0x93: {  	s3 =	sld [smem:$0x3FFC];
	_ =	sdelay $0x3  }
0x94: {  	_ =	strace s3  }
0x95: {  	s3 =	sld [smem:$0x3FFD];
	_ =	sdelay $0x3  }
0x96: {  	_ =	strace s3  }
0x97: {  	_ =	strace $0x8FFFFFFF  }
0x98: {  	s19 =	sld [smem:$0x3FDB];
	_ =	sdelay $0x1  }
0x99: {  	s4 =	simm.s32 $_scs_section_size  }
0x9a: {  	s5 =	simm.s32 $_size__tile_overlayer_lowered;
	s6 =	simm.s32 $_tile_overlayer_lowered  }
0x9b: {  	s22 =	simm.s32 $0x1BFF;
	s21 =	sshll.u32 s6, $0x1;
	s3 =	sadd.s32 s4, s19  }
0x9c: {  	s7 =	simm.s32 $0x0;
	s20 =	sshll.u32 s5, $0x1;
	s5 =	sadd.s32 s21, s3  }
0x9d: {  	[timem:s7], [sflag:s22] =	dma.local [hbm:s5], s20  }
0x9e: {  	_ =	swait.ge [sflag:s22], s20  }
0x9f: {  	s4 =	ssub.s32 $0x0, s20;
	[sflag:s22] =	ssyncset.done $0x0  }
0xa0: {  	[sflag:s22] =	ssyncadd.s32 s4;
	_ =	sdelay $0x1  }
0xa1: {  	s23 =	simm.s32 $0x1B8B  }
0xa2: {  	_ =	swait.ge [sflag:s23], $0x1  }
0xa3: {  	[sflag:s23] =	ssyncset.done $0x0  }
0xa4: {  	s25 =	simm.s32 $0x1B8E;
	s24 =	sld [smem:$0x3FFE];
	[sflag:s23] =	ssyncadd.s32 $0xFFFFFFFF  }
0xa5: {  	s26 =	simm.s32 $execute0_lowered;
	[smem:$0x3FD2] =	sst s25  }
0xa6: {  	s5 =	sshll.u32 s26, $0x1;
	_ =	strace $0x8000004F;
	[dreg:$0x1] =	wrdreg $0xFFFFFFFF  }
0xa7: {  	s28 =	simm.s32 $_size_execute0_lowered;
	s3 =	sadd.s32 s3, s5;
	[dreg:$0x0] =	wrdreg $0x0  }
0xa8: {  	s5 =	sshll.u32 s28, $0x1;
	[dreg:$0x2] =	wrdreg s3  }
0xa9: {  	[dreg:$0x3] =	wrdreg s5  }
0xaa: {  	[dreg:$0x4] =	wrdreg $0xC0  }
0xab: {  	_ =	task [dreg:s7], $0x5FFFF  }
0xac: {  	[dreg:$0x1] =	wrdreg $0xFFFFFFFF  }
0xad: {  	[dreg:$0x0] =	wrdreg $0x60  }
0xae: {  	[dreg:$0x2] =	wrdreg s2  }
0xaf: {  	[dreg:$0x3] =	wrdreg s24  }
0xb0: {  	[dreg:$0x4] =	wrdreg $0x90000  }
0xb1: {  	[dreg:$0x5] =	wrdreg $0x9  }
0xb2: {  	_ =	task.clear_ibuf [dreg:s7], $0x6FFFF;
	_ =	strace $0x9000004F  }
0xb3: {  	s29 =	simm.s32 $0x9;
	_ =	strace $0x80000051  }
0xb4: {  	_ =	swait.ge [sflag:s29], $0x1  }
0xb5: {  	[sflag:s29] =	ssyncadd.s32 $0xFFFFFFFF  }
0xb6: {  	_ =	strace $0x90000051  }
0xb7: {  	_ =	sfence  }
0xb8: {  	s30 =	sld [smem:$0x0];
	_ =	sdelay $0x2  }
0xb9: {  	s31 =	sshll.u32 s1, $0xD;
	s1 =	sshrl.u32 s1, $0x2  }
0xba: {  	s3 =	sand.u32 $0x4000, s31;
	s1 =	sadd.s32 s1, s30  }
0xbb: {  	s0 =	sor.u32 s3, s0;
	s1 =	sshll.u32 s1, $0x11  }
0xbc: {  	s0 =	sor.u32 s1, s0  }
0xbd: {  	s0 =	sadd.s32 $0x8F2B, s0  }
0xbe: {  	[sflag:s0] =	ssyncadd.remote.s32 $0x1  }
0xbf: {  	_ =	sfence.sel $0xFFFF  }
0xc0: {  	[dreg:$0x0] =	wrdreg $0xFFFFFFFF;
	(pc) =	sbr.abs _section_cstart, $3  }
0xc1: {  	[dreg:$0x1] =	wrdreg $0xFFFFFFFF  }
0xc2: {  	_ =	task.clear_ibuf [dreg:s7], $0x2FFFF;
	_ =	strace $0x9FFFFFFF  }
0xc3: {  	(tm) =	ssettm $0x7FFFFFFF  }
tec
execute0_lowered:
.L_overlay_start_1:
0x0: {  	(tag) =	ssettag $0x1  }
0x1: {  	s0 =	stileid.u32  }
0x2: {  	s30 =	smul.u32 $0xFA00, s0  }
0x3: {  	s13 =	sor.u32 $0x10, s0;
	s20 =	smul.u32 $0x6400, s0  }
0x4: {  	s1 =	rddreg [dreg:$0x0];
	s14 =	sor.u32 $0x20, s0;
	s8 =	smul.u32 $0xFA00, s13  }
0x5: {  	s2 =	srdreg.scid;
	s16 =	sor.u32 $0x30, s0;
	s9 =	smul.u32 $0xFA00, s14  }
0x6: {  	s5 =	rddreg [dreg:$0x1];
	s6 =	sand.u32 $0x1, s2;
	s12 =	smul.u32 $0xFA00, s16  }
0x7: {  	s3 =	rddreg [dreg:$0x2];
	s4 =	simm.s32 $0x0;
	s18 =	smul.u32 $0x138800, s6  }
0x8: {  	s7 =	sshll.u32 s0, $0x1;
	s2 =	rddreg [dreg:$0x3];
	s25 =	smul.u32 $0x6400, s14  }
0x9: {  	[smem:$0x7FF] =	sst s4;
	s15 =	sadd.s32 $0x16A00, s5;
	s28 =	smul.u32 $0x6400, s16  }
0xa: {  	p0 =	sgt.u32 s0, $0x1;
	s31 =	ssub.s32 $0x2, s6;
	s29 =	smul.u32 $0x19000, s14  }
0xb: {  	s7 =	sor.u32 s6, s7;
	s16 =	smul.u32 $0x19000, s16;
	s10 =	sshrl.u32 s31, $0x1  }
0xc: {  	_ =	strace $0x80000050;
	s7 =	smul.u32 $0x500, s7;
	s17 =	ssub.s32 s31, s10  }
0xd: {  	s10 =	sshrl.u32 s8, $0x2;
	s19 =	sshrl.u32 s9, $0x2;
	s21 =	sshrl.u32 s12, $0x2  }
0xe: {  	s22 =	sadd.s32 s20, s18;
	s20 =	smul.u32 $0x6400, s13;
	s31 =	sshrl.u32 s29, $0x2  }
0xf: {  	s16 =	sshrl.u32 s16, $0x2;
	s11 =	sadd.s32 s7, s5;
	s7 =	sshrl.u32 s30, $0x2  }
0x10: {  	s6 =	sadd.s32 s10, s3;
	s8 =	sadd.s32 s21, s3;
	s23 =	sshrl.u32 s22, $0x3  }
0x11: {  	s21 =	smul.u32 $0x19000, s13;
	s5 =	sadd.s32 s7, s3;
	s7 =	sadd.s32 s19, s3  }
0x12: {  	s19 =	smul.u32 $0x19000, s0;
	s10 =	sadd.s32 $0xCA00, s11;
	s11 =	sadd.s32 $0x2A00, s11  }
0x13: {  	s12 =	sadd.s32 s15, s23;
	s20 =	sadd.s32 s18, s20;
	s9 =	sadd.s32 $0xFA000, s5  }
0x14: {  	s24 =	sshrl.u32 s20, $0x3;
	s26 =	sshrl.u32 s21, $0x2;
	s20 =	simm.s32 $0x7D  }
0x15: {  	s21 =	simm.s32 $0x1;
	s19 =	sshrl.u32 s19, $0x2;
	s13 =	sadd.s32 s15, s24  }
0x16: {  	s23 =	sadd.s32 s26, s3;
	s24 =	sadd.s32 s31, s3;
	s22 =	sadd.s32 s19, s3  }
0x17: {  	s19 =	sadd.s32 s18, s25;
	s18 =	sadd.s32 s18, s28;
	s25 =	sadd.s32 s16, s3  }
0x18: {  	s16 =	smax.u32 s17, $0x1;
	s17 =	simm.s32 $0x5000;
	s23 =	sshrl.u32 s23, $0x3  }
0x19: {  	s24 =	sshrl.u32 s24, $0x3;
	s30 =	sshrl.u32 s19, $0x3;
	s18 =	sshrl.u32 s18, $0x3  }
0x1a: {  	s19 =	simm.s32 $0x2800;
	s22 =	sshrl.u32 s22, $0x3;
	s25 =	sshrl.u32 @!p0 s25, $0x3  }
0x1b: {  	v0 =	vimm.f32 $0.0e+00;
	s14 =	sadd.s32 s15, s30;
	s15 =	sadd.s32 s15, s18;
	s18 =	simm.s32 $0x2  }
.LBB2_1:
0x1c: {  	s26 =	simm.s32 $0x0;
	s28 =	simm.s32 $0x200  }
.LBB2_2:
0x1d: {  	p1 =	sne.s32 s28, $0xF800;
	[tilespmem:s26+$0x5070] =	vst v0  }
0x1e: {  	[tilespmem:s26+$0x5000] =	vst v0  }
0x1f: {  	[tilespmem:s26+$0x5010] =	vst v0  }
.Ltmp0:
0x20: {  	[tilespmem:s26+$0x5020] =	vst v0;
	(pc) =	sbr.rel @p1 .LBB2_2-.Ltmp0, $4  }
0x21: {  	[tilespmem:s26+$0x5030] =	vst v0  }
0x22: {  	[tilespmem:s26+$0x5040] =	vst v0  }
0x23: {  	[tilespmem:s26+$0x5050] =	vst v0  }
0x24: {  	[tilespmem:s26+$0x5060] =	vst v0;
	s26 =	sshra.s32 s28, $0x2;
	s28 =	sadd.s32 $0x200, s28  }
0x25: {  	[tilespmem:s26+$0x5070] =	vst v0  }
0x26: {  	[tilespmem:s26+$0x5000] =	vst v0  }
0x27: {  	[tilespmem:s26+$0x5010] =	vst v0  }
0x28: {  	[tilespmem:s26+$0x5020] =	vst v0  }
0x29: {  	[tilespmem:s26+$0x5030] =	vst v0  }
0x2a: {  	[tilespmem:s26+$0x5040] =	vst v0  }
0x2b: {  	[tilespmem:s26+$0x5050] =	vst v0  }
0x2c: {  	[tilespmem:s26+$0x5060] =	vst v0  }
0x2d: {  	[spmem:s5] =	stream.linear.scatter [tilespmem:s17], [sflag:$0x2], $0x3E80, $0x38;
	[tilespmem:$0x1C880] =	vst v63  }
0x2e: {  	_ =	swait.ge [sflag:s18], $0x3E80  }
0x2f: {  	[sflag:s18] =	ssyncset.done $0x0  }
0x30: {  	[sflag:s18] =	ssyncadd.s32 $0xFFFFC180  }
0x31: {  	[spmem:s6] =	stream.linear.scatter [tilespmem:s17], [sflag:$0x2], $0x3E80, $0x38;
	[tilespmem:$0x1C880] =	vst v63  }
0x32: {  	_ =	swait.ge [sflag:s18], $0x3E80  }
0x33: {  	[sflag:s18] =	ssyncset.done $0x0  }
0x34: {  	[sflag:s18] =	ssyncadd.s32 $0xFFFFC180  }
0x35: {  	[spmem:s7] =	stream.linear.scatter [tilespmem:s17], [sflag:$0x2], $0x3E80, $0x38;
	[tilespmem:$0x1C880] =	vst v63  }
0x36: {  	_ =	swait.ge [sflag:s18], $0x3E80  }
0x37: {  	[sflag:s18] =	ssyncset.done $0x0  }
0x38: {  	[sflag:s18] =	ssyncadd.s32 $0xFFFFC180  }
0x39: {  	[spmem:s8] =	stream.linear.scatter [tilespmem:s17], [sflag:$0x2], $0x3E80, $0x38;
	[tilespmem:$0x1C880] =	vst v63  }
0x3a: {  	_ =	swait.ge [sflag:s18], $0x3E80  }
0x3b: {  	[sflag:s18] =	ssyncset.done $0x0  }
0x3c: {  	[sflag:s18] =	ssyncadd.s32 $0xFFFFC180  }
0x3d: {  	[spmem:s9] =	stream.linear.scatter [tilespmem:s17], [sflag:$0x2], $0x3E80, $0x38;
	[tilespmem:$0x1C880] =	vst v63  }
0x3e: {  	_ =	swait.ge [sflag:s18], $0x3E80  }
0x3f: {  	[sflag:s18] =	ssyncset.done $0x0  }
0x40: {  	s29 =	simm.s32 $0x0;
	[sflag:s18] =	ssyncadd.s32 $0xFFFFC180  }
0x41: {  	[tilespmem:s29], [sflag:$0x2] =	stream.linear.gather [hbm4b:s10+s29], $0x2800, $0x38;
	[tilespmem:$0x1C880] =	vst v63  }
0x42: {  	_ =	swait.ge [sflag:s18], $0x2800  }
0x43: {  	[sflag:s18] =	ssyncset.done $0x0  }
0x44: {  	[sflag:s18] =	ssyncadd.s32 $0xFFFFD800  }
0x45: {  	[tilespmem:s19], [sflag:$0x2] =	stream.linear.gather [hbm4b:s11+s29], $0x2800, $0x38;
	[tilespmem:$0x1C880] =	vst v63  }
0x46: {  	_ =	swait.ge [sflag:s18], $0x2800  }
0x47: {  	[sflag:s18] =	ssyncset.done $0x0  }
0x48: {  	[sflag:s18] =	ssyncadd.s32 $0xFFFFD800  }
0x49: {  	s30 =	simm.s32 $0x0;
	[bflag:$0x0] =	sbarrier.arrive $0xFFFF  }
0x4a: {  	[tilespmem:s17], [sflag:$0x1] =	stream.indirect.gather [hbm4b:s1+s20], $0x80, s30, s20, $0xb8;
	[tilespmem:$0x1C880] =	vst v63  }
0x4b: {  	_ =	swait.ge [sflag:s21], $0x3E80  }
0x4c: {  	[sflag:s21] =	ssyncset.done $0x0  }
0x4d: {  	s31 =	simm.s32 $0x2800;
	[sflag:s21] =	ssyncadd.s32 $0xFFFFC180  }
0x4e: {  	[spmem:s3] =	stream.indirect.scatter.add.f32 [tilespmem:s17], [sflag:$0x2], $0x80, s31, s20, $0xb8;
	[tilespmem:$0x1C880] =	vst v63  }
0x4f: {  	_ =	swait.ge [sflag:s18], $0x3E80  }
0x50: {  	s26 =	simm.s32 $0x200;
	s28 =	simm.s32 $0x400;
	[sflag:s18] =	ssyncset.done $0x0  }
.LBB2_4:
0x51: {  	s29 =	sshra.s32 s26, $0x2  }
0x52: {  	[sflag:s18] =	ssyncadd.s32 $0xFFFFC180;
	s26 =	smov.u32 s28;
	s30 =	sadd.s32 $0x200, s28  }
0x53: {  	[tilespmem:s17], [sflag:$0x1] =	stream.indirect.gather [hbm4b:s1+s20], $0x80, s29, s20, $0xb8;
	[tilespmem:$0x1C880] =	vst v63  }
0x54: {  	p1 =	sne.s32 s28, $0x9E00;
	_ =	swait.ge [sflag:s21], $0x3E80  }
.Ltmp1:
0x55: {  	[sflag:s21] =	ssyncset.done $0x0;
	(pc) =	sbr.rel @p1 .LBB2_4-.Ltmp1, $4  }
0x56: {  	s28 =	sadd.s32 $0x2800, s29;
	[sflag:s21] =	ssyncadd.s32 $0xFFFFC180  }
0x57: {  	[spmem:s3] =	stream.indirect.scatter.add.f32 [tilespmem:s17], [sflag:$0x2], $0x80, s28, s20, $0xb8;
	[tilespmem:$0x1C880] =	vst v63  }
0x58: {  	_ =	swait.ge [sflag:s18], $0x3E80  }
0x59: {  	s28 =	smov.u32 s30;
	[sflag:s18] =	ssyncset.done $0x0  }
0x5a: {  	s26 =	sshra.s32 s26, $0x2;
	[sflag:s18] =	ssyncadd.s32 $0xFFFFC180  }
0x5b: {  	[tilespmem:s17], [sflag:$0x1] =	stream.indirect.gather [hbm4b:s1+s20], $0x80, s26, s20, $0xb8;
	[tilespmem:$0x1C880] =	vst v63  }
0x5c: {  	_ =	swait.ge [sflag:s21], $0x3E80  }
0x5d: {  	[sflag:s21] =	ssyncset.done $0x0  }
0x5e: {  	s26 =	sadd.s32 $0x2800, s26;
	[sflag:s21] =	ssyncadd.s32 $0xFFFFC180  }
0x5f: {  	[spmem:s3] =	stream.indirect.scatter.add.f32 [tilespmem:s17], [sflag:$0x2], $0x80, s26, s20, $0xb8;
	[tilespmem:$0x1C880] =	vst v63  }
0x60: {  	_ =	swait.ge [sflag:s18], $0x3E80  }
0x61: {  	[sflag:s18] =	ssyncset.done $0x0  }
0x62: {  	s31 =	sshll.u32 s0, $0x6;
	[sflag:s18] =	ssyncadd.s32 $0xFFFFC180  }
0x63: {  	s26 =	sor.u32 $0x1C02, s31;
	[bflag:$0x0] =	sbarrier.arrive $0xFFFF  }
0x64: {  	[hbm:s12], [sflag:s26] =	dma.local [spmem:s22], $0xC80  }
0x65: {  	_ =	swait.ge [sflag:s18], $0xC80  }
0x66: {  	[sflag:s18] =	ssyncset.done $0x0  }
0x67: {  	[sflag:s18] =	ssyncadd.s32 $0xFFFFF380  }
0x68: {  	[hbm:s13], [sflag:s26] =	dma.local [spmem:s23], $0xC80  }
0x69: {  	_ =	swait.ge [sflag:s18], $0xC80  }
0x6a: {  	[sflag:s18] =	ssyncset.done $0x0  }
0x6b: {  	[sflag:s18] =	ssyncadd.s32 $0xFFFFF380  }
0x6c: {  	[hbm:s14], [sflag:s26] =	dma.local [spmem:s24], $0xC80  }
0x6d: {  	_ =	swait.ge [sflag:s18], $0xC80  }
0x6e: {  	s4 =	sadd.s32 $0x1, s4;
	[sflag:s18] =	ssyncset.done $0x0  }
0x6f: {  	p1 =	sne.s32 s4, s16;
	[sflag:s18] =	ssyncadd.s32 $0xFFFFF380  }
0x70: {  	[hbm:s15], [sflag:s26] =	dma.local @!p0 [spmem:s25], $0xC80  }
.Ltmp2:
0x71: {  	_ = 	snop;
	(pc) =	sbr.rel @p1 .LBB2_1-.Ltmp2, $4  }
0x72: {  	s26 =	simm.s32 @!p0 $0x2  }
0x73: {  	_ =	swait.ge @!p0 [sflag:s26], $0xC80  }
0x74: {  	[sflag:s26] =	ssyncset.done @!p0 $0x0  }
0x75: {  	[sflag:s26] =	ssyncadd.s32 @!p0 $0xFFFFF380  }
0x76: {  	_ =	sfence.sel $0x180000  }
0x77: {  	[bflag:$0x0] =	sbarrier.arrive $0xFFFF  }
0x78: {  	p0 =	sne.s32 s0, $0x0;
	_ =	strace $0x90000050  }
0x79: {  	s0 =	sadd.s32 @!p0 $0x100000, s2;
	[bflag:$0x2] =	sbarrier.arrive $0xFFFF  }
0x7a: {  	[sflag:s0] =	ssyncadd.tile.s32 @!p0 $0x1;
	_ =	shalt  }
.Lfunc_end2:
_tile_overlayer_lowered:
.L_overlay_start_2:
0x7b: {  	(tag) =	ssettag $0x2  }
0x7c: {  	s0 =	rddreg [dreg:$0x0];
	s2 =	stileid.u32  }
0x7d: {  	s1 =	rddreg [dreg:$0x1];
	p0 =	sne.s32 s2, $0x0  }
0x7e: {  	s3 =	rddreg [dreg:$0x2];
	[bflag:$0x3] =	sbarrier.arrive $0xFFFF;
	s2 =	simm.s32 @!p0 $0x1C02  }
0x7f: {  	[timem:s3], [sflag:s2] =	dma.local @!p0 [hbm:s0], s1  }
0x80: {  	s0 =	simm.s32 @!p0 $0x2  }
0x81: {  	_ =	swait.ge @!p0 [sflag:s0], s1  }
0x82: {  	s1 =	ssub.s32 @!p0 $0x0, s1;
	[sflag:s0] =	ssyncset.done @!p0 $0x0  }
0x83: {  	[sflag:s0] =	ssyncadd.s32 @!p0 s1  }
0x84: {  	[bflag:$0x3] =	sbarrier.arrive $0xFFFF  }
0x85: {  	_ =	shalt  }

// kernel: kernel.9.cloned.1.call-start
scs
__scs_entry_jumppad:
0x0: {  	(pc) =	sbr.rel $0x88, $3  }
0x1: {  	(tag) =	ssettag $0x0;
	lr =	simm.s32 $0x1  }
0x2: {  	[smem:$0x3F99] =	sst lr;
	_ =	strace $0xD0000000  }
0x3: {  	_ = 	snop  }
0x4: {  	_ = 	snop  }
0x5: {  	_ = 	snop  }
0x6: {  	_ = 	snop  }
0x7: {  	_ = 	snop  }
__scs_overlays_trampoline_lowered:
0x8: {  	[smem:$0x3FA8] =	sst s0  }
0x9: {  	[smem:$0x3FA9] =	sst s1  }
0xa: {  	[smem:$0x3FAA] =	sst s2  }
0xb: {  	[smem:$0x3FAB] =	sst s3  }
0xc: {  	[smem:$0x3FAC] =	sst s4  }
0xd: {  	[smem:$0x3FAD] =	sst s5  }
0xe: {  	[smem:$0x3FAE] =	sst s6  }
0xf: {  	[smem:$0x3FAF] =	sst s7  }
0x10: {  	[smem:$0x3FB0] =	sst s8  }
0x11: {  	[smem:$0x3FB1] =	sst s9;
	s0 =	simm.s32 @!p0 $0x0  }
0x12: {  	s1 =	sld [smem:$0x3F97];
	s0 =	simm.s32 @p0 $0x1  }
0x13: {  	[smem:$0x3FB2] =	sst s0;
	s0 =	simm.s32 @!p1 $0x0  }
0x14: {  	s2 =	sld [smem:$0x3F96];
	s0 =	simm.s32 @p1 $0x1  }
0x15: {  	[smem:$0x3FB3] =	sst s0;
	s0 =	simm.s32 @!p2 $0x0  }
0x16: {  	s3 =	sld [smem:$0x3FDB];
	s0 =	simm.s32 @p2 $0x1  }
0x17: {  	s4 =	simm.s32 $0x1BF5;
	[smem:$0x3FB5] =	sst s0  }
0x18: {  	s0 =	sld [smem:$0x3F98];
	_ =	swait.ge [sflag:s4], $0x0  }
0x19: {  	s7 =	sld [smem:$0x3F99]  }
0x1a: {  	s8 =	sadd.s32 $0xFFFFE003, lr  }
0x1b: {  	s9 =	sadd.s32 $0xFFFFFEF7, lr;
	s5 =	simm.s32 $0xFFFFFFFF;
	p2 =	slt.u32 s8, $0xFFFFF086  }
0x1c: {  	p1 =	slt.u32 s9, $0xF7A;
	s5 =	simm.s32 @!p2 $0x0  }
0x1d: {  	s5 =	simm.s32 @p1 $0x1;
	p0 =	seq.s32 s7, s2  }
0x1e: {  	s7 =	smul.u32 @!p0 $0xF7A, s2;
	p2 =	seq.s32 @!p0 s5, $0x0  }
0x1f: {  	s9 =	smul.u32 $0xF7A, s1;
	s8 =	simm.s32 @!p0 $0x1BF5;
	p2 =	por !p2, p0  }
0x20: {  	[sflag:s8] =	ssyncset.s32 @!p0 $0xFFFFF086;
	s6 =	sadd.s32 @!p0 s3, s7;
	s7 =	simm.s32 @!p0 $0x108  }
0x21: {  	s3 =	sadd.s32 s3, s9;
	s6 =	sadd.s32 @!p0 $0x88, s6;
	s7 =	simm.s32 @p2 $0x1082  }
0x22: {  	[simem:s7], [sflag:s8] =	dma.local @!p0 [hbm:s6], $0xF7A  }
0x23: {  	s9 =	sor.u32 $0xD0000000, s2;
	s6 =	simm.s32 $0x108;
	_ =	swait.ge @!p0 [sflag:s8], $0x0  }
0x24: {  	s3 =	sadd.s32 $0x88, s3;
	s6 =	simm.s32 @!p1 $0x1082;
	[sflag:s4] =	ssyncset.s32 $0xFFFFF086  }
0x25: {  	[simem:s6], [sflag:s4] =	dma.local [hbm:s3], $0xF7A  }
0x26: {  	[smem:$0x3F99] =	sst s1;
	(tag) =	ssettag s2;
	_ =	strace s9  }
0x27: {  	s1 =	sld [smem:$0x3FA9]  }
0x28: {  	s2 =	sld [smem:$0x3FAA]  }
0x29: {  	s4 =	sld [smem:$0x3FAC]  }
0x2a: {  	p0 =	seq.s32 s5, $0x0;
	s5 =	sld [smem:$0x3FAD]  }
0x2b: {  	s6 =	sld [smem:$0x3FAE]  }
0x2c: {  	s7 =	sld [smem:$0x3FAF]  }
0x2d: {  	s3 =	simm.s32 $0x108;
	s8 =	sld [smem:$0x3FB0]  }
0x2e: {  	s3 =	simm.s32 @!p0 $0x1082;
	s9 =	sld [smem:$0x3FB1]  }
0x2f: {  	lr =	sadd.s32 s0, s3;
	s0 =	sld [smem:$0x3FA8]  }
0x30: {  	s3 =	sld [smem:$0x3FAB]  }
0x31: {  	[smem:$0x3FB4] =	sst s10  }
0x32: {  	s10 =	sld [smem:$0x3FB2];
	_ =	sdelay $0x3  }
0x33: {  	p0 =	seq.s32 s10, $0x1;
	s10 =	sld [smem:$0x3FB4];
	_ =	sdelay $0x3  }
0x34: {  	[smem:$0x3FB4] =	sst s10  }
0x35: {  	s10 =	sld [smem:$0x3FB3];
	_ =	sdelay $0x3  }
0x36: {  	p1 =	seq.s32 s10, $0x1;
	s10 =	sld [smem:$0x3FB4];
	_ =	sdelay $0x3  }
0x37: {  	[smem:$0x3FB4] =	sst s10  }
0x38: {  	s10 =	sld [smem:$0x3FB5]  }
0x39: {  	_ = 	snop;
	(pc) =	sbr.ind lr, $3  }
0x3a: {  	_ = 	snop  }
0x3b: {  	_ = 	snop  }
0x3c: {  	p2 =	seq.s32 s10, $0x1;
	s10 =	sld [smem:$0x3FB4]  }
0x3d: {  	_ =	shalt  }
0x3e: {  	_ =	shalt  }
0x3f: {  	_ =	shalt  }
0x40: {  	_ =	shalt  }
0x41: {  	_ =	shalt  }
0x42: {  	_ =	shalt  }
0x43: {  	_ =	shalt  }
0x44: {  	_ =	shalt  }
0x45: {  	_ =	shalt  }
0x46: {  	_ =	shalt  }
0x47: {  	_ =	shalt  }
0x48: {  	_ =	shalt  }
0x49: {  	_ =	shalt  }
0x4a: {  	_ =	shalt  }
0x4b: {  	_ =	shalt  }
0x4c: {  	_ =	shalt  }
0x4d: {  	_ =	shalt  }
0x4e: {  	_ =	shalt  }
0x4f: {  	_ =	shalt  }
0x50: {  	_ =	shalt  }
0x51: {  	_ =	shalt  }
0x52: {  	_ =	shalt  }
0x53: {  	_ =	shalt  }
0x54: {  	_ =	shalt  }
0x55: {  	_ =	shalt  }
0x56: {  	_ =	shalt  }
0x57: {  	_ =	shalt  }
0x58: {  	_ =	shalt  }
0x59: {  	_ =	shalt  }
0x5a: {  	_ =	shalt  }
0x5b: {  	_ =	shalt  }
0x5c: {  	_ =	shalt  }
0x5d: {  	_ =	shalt  }
0x5e: {  	_ =	shalt  }
0x5f: {  	_ =	shalt  }
0x60: {  	_ =	shalt  }
0x61: {  	_ =	shalt  }
0x62: {  	_ =	shalt  }
0x63: {  	_ =	shalt  }
0x64: {  	_ =	shalt  }
0x65: {  	_ =	shalt  }
0x66: {  	_ =	shalt  }
0x67: {  	_ =	shalt  }
0x68: {  	_ =	shalt  }
0x69: {  	_ =	shalt  }
0x6a: {  	_ =	shalt  }
0x6b: {  	_ =	shalt  }
0x6c: {  	_ =	shalt  }
0x6d: {  	_ =	shalt  }
0x6e: {  	_ =	shalt  }
0x6f: {  	_ =	shalt  }
0x70: {  	_ =	shalt  }
0x71: {  	_ =	shalt  }
0x72: {  	_ =	shalt  }
0x73: {  	_ =	shalt  }
0x74: {  	_ =	shalt  }
0x75: {  	_ =	shalt  }
0x76: {  	_ =	shalt  }
0x77: {  	_ =	shalt  }
0x78: {  	_ =	shalt  }
0x79: {  	_ =	shalt  }
0x7a: {  	_ =	shalt  }
0x7b: {  	_ =	shalt  }
0x7c: {  	_ =	shalt  }
0x7d: {  	_ =	shalt  }
0x7e: {  	_ =	shalt  }
0x7f: {  	_ =	shalt  }
0x80: {  	_ =	shalt  }
0x81: {  	_ =	shalt  }
0x82: {  	_ =	shalt  }
0x83: {  	_ =	shalt  }
0x84: {  	_ =	shalt  }
0x85: {  	_ =	shalt  }
0x86: {  	_ =	shalt  }
0x87: {  	_ =	shalt  }
.Lfunc_end0:
.L_simem_size_0:
called_computation_lowered:
.L_overlay_start_0:
0x88: {  	s2 =	sld [smem:$0x3FD9]  }
0x89: {  	s3 =	sld [smem:$0x3FFE];
	_ =	sdelay $0x1  }
0x8a: {  	s1 =	srdreg.scid  }
0x8b: {  	s0 =	sand.u32 $0x1, s1  }
0x8c: {  	s17 =	sshll.u32 s0, $0xA;
	s2 =	sadd.s32 s3, s2  }
0x8d: {  	s2 =	sadd.s32 s2, s17  }
0x8e: {  	[smem:$0x3FC0] =	sst s2  }
0x8f: {  	_ = 	snop  }
0x90: {  	(tm) =	ssettm $0x1  }
0x91: {  	s18 =	sld [smem:$0x3FFB];
	_ =	sdelay $0x3  }
0x92: {  	_ =	strace s18  }
0x93: {  	s2 =	sld [smem:$0x3FFC];
	_ =	sdelay $0x3  }
0x94: {  	_ =	strace s2  }
0x95: {  	s2 =	sld [smem:$0x3FFD];
	_ =	sdelay $0x3  }
0x96: {  	_ =	strace s2  }
0x97: {  	_ =	strace $0x8FFFFFFF  }
0x98: {  	s19 =	sld [smem:$0x3FDB];
	_ =	sdelay $0x1  }
0x99: {  	s20 =	simm.s32 $_scs_section_size  }
0x9a: {  	s4 =	simm.s32 $_size__tile_overlayer_lowered;
	s5 =	simm.s32 $_tile_overlayer_lowered  }
0x9b: {  	s6 =	simm.s32 $0x1BFF;
	s21 =	sshll.u32 s5, $0x1;
	s3 =	sadd.s32 s20, s19  }
0x9c: {  	s22 =	simm.s32 $0x0;
	s4 =	sshll.u32 s4, $0x1;
	s5 =	sadd.s32 s21, s3  }
0x9d: {  	[timem:s22], [sflag:s6] =	dma.local [hbm:s5], s4  }
0x9e: {  	_ =	swait.ge [sflag:s6], s4  }
0x9f: {  	s4 =	ssub.s32 $0x0, s4;
	[sflag:s6] =	ssyncset.done $0x0  }
0xa0: {  	[sflag:s6] =	ssyncadd.s32 s4;
	_ =	sdelay $0x1  }
0xa1: {  	s23 =	simm.s32 $0x1B8B  }
0xa2: {  	_ =	swait.ge [sflag:s23], $0x1  }
0xa3: {  	[sflag:s23] =	ssyncset.done $0x0  }
0xa4: {  	[sflag:s23] =	ssyncadd.s32 $0xFFFFFFFF  }
0xa5: {  	s4 =	sld [smem:$0x0]  }
0xa6: {  	s5 =	sand.u32 $0xFFFFFFFE, s1  }
0xa7: {  	p0 =	sne.s32 s1, s5  }
0xa8: {  	s5 =	sshll.u32 @p0 s5, $0xE  }
0xa9: {  	s5 =	sadd.s32 @p0 $0x11B8D, s5;
	s6 =	sshll.u32 @p0 s4, $0x11  }
0xaa: {  	s5 =	sor.u32 @p0 s6, s5  }
0xab: {  	[sflag:s5] =	ssyncadd.remote.s32 @p0 $0x1;
	_ =	sdelay $0x1  }
0xac: {  	s5 =	simm.s32 @p0 $0x1B8D  }
0xad: {  	_ =	swait.eq @p0 [sflag:s5], $0x1  }
0xae: {  	[sflag:s5] =	ssyncadd.s32 @p0 $0xFFFFFFFF  }
0xaf: {  	s6 =	sshll.u32 @!p0 s1, $0xE  }
0xb0: {  	s6 =	sor.u32 @!p0 $0x4000, s6;
	s5 =	simm.s32 @!p0 $0x1B8D  }
0xb1: {  	s4 =	sshll.u32 @!p0 s4, $0x11;
	s6 =	sadd.s32 @!p0 $0x11B8D, s6;
	_ =	swait.eq @!p0 [sflag:s5], $0x1  }
0xb2: {  	s4 =	sor.u32 @!p0 s4, s6;
	[sflag:s5] =	ssyncadd.s32 @!p0 $0xFFFFFFFF  }
0xb3: {  	s25 =	simm.s32 $0x1B8E;
	s24 =	sld [smem:$0x3FFE];
	[sflag:s4] =	ssyncadd.remote.s32 @!p0 $0x1  }
0xb4: {  	s26 =	simm.s32 $execute0_lowered;
	[smem:$0x3FD2] =	sst s25  }
0xb5: {  	s5 =	sshll.u32 s26, $0x1;
	_ =	strace $0x80000049;
	[dreg:$0x1] =	wrdreg $0xFFFFFFFF  }
0xb6: {  	s28 =	simm.s32 $_size_execute0_lowered;
	s3 =	sadd.s32 s3, s5;
	[dreg:$0x0] =	wrdreg $0x0  }
0xb7: {  	s5 =	sshll.u32 s28, $0x1;
	[dreg:$0x2] =	wrdreg s3  }
0xb8: {  	[dreg:$0x3] =	wrdreg s5  }
0xb9: {  	[dreg:$0x4] =	wrdreg $0xC0  }
0xba: {  	_ =	task [dreg:s22], $0x5FFFF  }
0xbb: {  	[dreg:$0x1] =	wrdreg $0xFFFFFFFF  }
0xbc: {  	[dreg:$0x0] =	wrdreg $0x60  }
0xbd: {  	[dreg:$0x2] =	wrdreg s24  }
0xbe: {  	[dreg:$0x3] =	wrdreg $0x68000  }
0xbf: {  	[dreg:$0x4] =	wrdreg $0x9  }
0xc0: {  	_ =	task.clear_ibuf [dreg:s22], $0x5FFFF;
	_ =	strace $0x90000049  }
0xc1: {  	s29 =	simm.s32 $0x9;
	_ =	strace $0x8000004B  }
0xc2: {  	_ =	swait.ge [sflag:s29], $0x1  }
0xc3: {  	[sflag:s29] =	ssyncadd.s32 $0xFFFFFFFF  }
0xc4: {  	_ =	strace $0x9000004B  }
0xc5: {  	_ =	sfence  }
0xc6: {  	s30 =	sld [smem:$0x0];
	_ =	sdelay $0x2  }
0xc7: {  	s31 =	sshll.u32 s1, $0xD;
	s1 =	sshrl.u32 s1, $0x2  }
0xc8: {  	s4 =	sand.u32 $0x4000, s31;
	s1 =	sadd.s32 s1, s30  }
0xc9: {  	s0 =	sor.u32 s4, s0;
	s1 =	sshll.u32 s1, $0x11  }
0xca: {  	s0 =	sor.u32 s1, s0  }
0xcb: {  	s0 =	sadd.s32 $0x8F2B, s0  }
0xcc: {  	[sflag:s0] =	ssyncadd.remote.s32 $0x1  }
0xcd: {  	_ =	sfence.sel $0xFFFF  }
0xce: {  	[dreg:$0x0] =	wrdreg $0xFFFFFFFF;
	(pc) =	sbr.abs _section_cstart, $3  }
0xcf: {  	[dreg:$0x1] =	wrdreg $0xFFFFFFFF  }
0xd0: {  	_ =	task.clear_ibuf [dreg:s22], $0x2FFFF;
	_ =	strace $0x9FFFFFFF  }
0xd1: {  	(tm) =	ssettm $0x7FFFFFFF  }
tec
execute0_lowered:
.L_overlay_start_1:
0x0: {  	(tag) =	ssettag $0x1  }
0x1: {  	s0 =	stileid.u32  }
0x2: {  	s16 =	smul.u32 $0xFA00, s0  }
0x3: {  	s20 =	smul.u32 $0x6400, s0  }
0x4: {  	s4 =	rddreg [dreg:$0x0];
	s11 =	sor.u32 $0x10, s0;
	s23 =	smul.u32 $0x19000, s0  }
0x5: {  	s1 =	srdreg.scid;
	s12 =	sor.u32 $0x20, s0;
	s7 =	smul.u32 $0xFA00, s11  }
0x6: {  	s2 =	rddreg [dreg:$0x1];
	s14 =	sor.u32 $0x30, s0;
	s8 =	smul.u32 $0xFA00, s12  }
0x7: {  	s3 =	simm.s32 $0x0;
	s5 =	sand.u32 $0x1, s1;
	s15 =	smul.u32 $0xFA00, s14  }
0x8: {  	s6 =	sshll.u32 s0, $0x1;
	s1 =	rddreg [dreg:$0x2];
	s26 =	smul.u32 $0x6400, s12  }
0x9: {  	[smem:$0x7FF] =	sst s3;
	s13 =	sadd.s32 $0x64C00, s4;
	s29 =	smul.u32 $0x19000, s12  }
0xa: {  	p0 =	sgt.u32 s0, $0x1;
	s6 =	sor.u32 s5, s6;
	s31 =	smul.u32 $0x6400, s14  }
0xb: {  	_ =	strace $0x8000004A;
	s17 =	ssub.s32 $0x2, s5;
	s14 =	smul.u32 $0x19000, s14  }
0xc: {  	s6 =	smul.u32 $0x500, s6;
	s10 =	sshrl.u32 s17, $0x1;
	s24 =	sshrl.u32 s23, $0x2  }
0xd: {  	s18 =	sshrl.u32 s7, $0x2;
	s19 =	sshrl.u32 s8, $0x2;
	s21 =	sshrl.u32 s15, $0x2  }
0xe: {  	s15 =	sshrl.u32 s29, $0x2;
	s14 =	sshrl.u32 s14, $0x2;
	s9 =	sadd.s32 s6, s4  }
0xf: {  	s6 =	sshrl.u32 s16, $0x2;
	s16 =	ssub.s32 s17, s10;
	s17 =	smul.u32 $0x138800, s5  }
0x10: {  	s5 =	sadd.s32 s18, s2;
	s7 =	sadd.s32 s21, s2;
	s18 =	smul.u32 $0x6400, s11  }
0x11: {  	s21 =	sadd.s32 s15, s2;
	s15 =	simm.s32 $0x2800;
	s4 =	sadd.s32 s6, s2  }
0x12: {  	s6 =	sadd.s32 s19, s2;
	s9 =	sadd.s32 $0x2A00, s9;
	s19 =	smul.u32 $0x19000, s11  }
0x13: {  	s22 =	sadd.s32 s20, s17;
	s8 =	sadd.s32 $0xFA000, s4;
	s25 =	sadd.s32 s17, s18  }
0x14: {  	s20 =	sadd.s32 s24, s2;
	s30 =	sadd.s32 s17, s26;
	s17 =	sadd.s32 s17, s31  }
0x15: {  	s10 =	sshrl.u32 s22, $0x3;
	s28 =	sshrl.u32 s25, $0x3;
	s19 =	sshrl.u32 s19, $0x2  }
0x16: {  	s12 =	sshrl.u32 s30, $0x3;
	s17 =	sshrl.u32 s17, $0x3;
	s22 =	sadd.s32 s14, s2  }
0x17: {  	s14 =	smax.u32 s16, $0x1;
	s16 =	simm.s32 $0x1;
	s18 =	sshrl.u32 s20, $0x3  }
0x18: {  	s20 =	sshrl.u32 s21, $0x3;
	s10 =	sadd.s32 s13, s10;
	s11 =	sadd.s32 s13, s28  }
0x19: {  	s19 =	sadd.s32 s19, s2;
	s12 =	sadd.s32 s13, s12;
	s13 =	sadd.s32 s13, s17  }
0x1a: {  	v0 =	vimm.f32 $0.0e+00;
	v1 =	vimm.f32 $1.000000000e+00;
	s17 =	simm.s32 $0x7D;
	s21 =	sshrl.u32 @!p0 s22, $0x3;
	s19 =	sshrl.u32 s19, $0x3  }
.LBB2_1:
0x1b: {  	s22 =	simm.s32 $0x0;
	s23 =	simm.s32 $0x200  }
.LBB2_2:
0x1c: {  	p1 =	sne.s32 s23, $0xF800;
	[tilespmem:s22+$0x2870] =	vst v0  }
0x1d: {  	[tilespmem:s22+$0x2800] =	vst v0  }
0x1e: {  	[tilespmem:s22+$0x2810] =	vst v0  }
.Ltmp0:
0x1f: {  	[tilespmem:s22+$0x2820] =	vst v0;
	(pc) =	sbr.rel @p1 .LBB2_2-.Ltmp0, $4  }
0x20: {  	[tilespmem:s22+$0x2830] =	vst v0  }
0x21: {  	[tilespmem:s22+$0x2840] =	vst v0  }
0x22: {  	[tilespmem:s22+$0x2850] =	vst v0  }
0x23: {  	[tilespmem:s22+$0x2860] =	vst v0;
	s22 =	sshra.s32 s23, $0x2;
	s23 =	sadd.s32 $0x200, s23  }
0x24: {  	[tilespmem:s22+$0x2870] =	vst v0  }
0x25: {  	[tilespmem:s22+$0x2800] =	vst v0  }
0x26: {  	[tilespmem:s22+$0x2810] =	vst v0  }
0x27: {  	[tilespmem:s22+$0x2820] =	vst v0  }
0x28: {  	[tilespmem:s22+$0x2830] =	vst v0  }
0x29: {  	[tilespmem:s22+$0x2840] =	vst v0  }
0x2a: {  	[tilespmem:s22+$0x2850] =	vst v0  }
0x2b: {  	[tilespmem:s22+$0x2860] =	vst v0  }
0x2c: {  	[spmem:s4] =	stream.linear.scatter [tilespmem:s15], [sflag:$0x1], $0x3E80, $0x38;
	[tilespmem:$0x1A080] =	vst v63  }
0x2d: {  	_ =	swait.ge [sflag:s16], $0x3E80  }
0x2e: {  	[sflag:s16] =	ssyncset.done $0x0  }
0x2f: {  	[sflag:s16] =	ssyncadd.s32 $0xFFFFC180  }
0x30: {  	[spmem:s5] =	stream.linear.scatter [tilespmem:s15], [sflag:$0x1], $0x3E80, $0x38;
	[tilespmem:$0x1A080] =	vst v63  }
0x31: {  	_ =	swait.ge [sflag:s16], $0x3E80  }
0x32: {  	[sflag:s16] =	ssyncset.done $0x0  }
0x33: {  	[sflag:s16] =	ssyncadd.s32 $0xFFFFC180  }
0x34: {  	[spmem:s6] =	stream.linear.scatter [tilespmem:s15], [sflag:$0x1], $0x3E80, $0x38;
	[tilespmem:$0x1A080] =	vst v63  }
0x35: {  	_ =	swait.ge [sflag:s16], $0x3E80  }
0x36: {  	[sflag:s16] =	ssyncset.done $0x0  }
0x37: {  	[sflag:s16] =	ssyncadd.s32 $0xFFFFC180  }
0x38: {  	[spmem:s7] =	stream.linear.scatter [tilespmem:s15], [sflag:$0x1], $0x3E80, $0x38;
	[tilespmem:$0x1A080] =	vst v63  }
0x39: {  	_ =	swait.ge [sflag:s16], $0x3E80  }
0x3a: {  	[sflag:s16] =	ssyncset.done $0x0  }
0x3b: {  	[sflag:s16] =	ssyncadd.s32 $0xFFFFC180  }
0x3c: {  	[spmem:s8] =	stream.linear.scatter [tilespmem:s15], [sflag:$0x1], $0x3E80, $0x38;
	[tilespmem:$0x1A080] =	vst v63  }
0x3d: {  	_ =	swait.ge [sflag:s16], $0x3E80  }
0x3e: {  	[sflag:s16] =	ssyncset.done $0x0  }
0x3f: {  	s22 =	simm.s32 $0x0;
	s23 =	simm.s32 $0x200;
	[sflag:s16] =	ssyncadd.s32 $0xFFFFC180  }
.LBB2_4:
0x40: {  	p1 =	sne.s32 s23, $0xF800;
	[tilespmem:s22+$0x2870] =	vst v1  }
0x41: {  	[tilespmem:s22+$0x2800] =	vst v1  }
0x42: {  	[tilespmem:s22+$0x2810] =	vst v1  }
.Ltmp1:
0x43: {  	[tilespmem:s22+$0x2820] =	vst v1;
	(pc) =	sbr.rel @p1 .LBB2_4-.Ltmp1, $4  }
0x44: {  	[tilespmem:s22+$0x2830] =	vst v1  }
0x45: {  	[tilespmem:s22+$0x2840] =	vst v1  }
0x46: {  	[tilespmem:s22+$0x2850] =	vst v1  }
0x47: {  	[tilespmem:s22+$0x2860] =	vst v1;
	s22 =	sshra.s32 s23, $0x2;
	s23 =	sadd.s32 $0x200, s23  }
0x48: {  	[tilespmem:s22+$0x2870] =	vst v1  }
0x49: {  	[tilespmem:s22+$0x2800] =	vst v1  }
0x4a: {  	[tilespmem:s22+$0x2810] =	vst v1  }
0x4b: {  	[tilespmem:s22+$0x2820] =	vst v1  }
0x4c: {  	[tilespmem:s22+$0x2830] =	vst v1  }
0x4d: {  	[tilespmem:s22+$0x2840] =	vst v1  }
0x4e: {  	[tilespmem:s22+$0x2850] =	vst v1  }
0x4f: {  	[tilespmem:s22+$0x2860] =	vst v1;
	s30 =	simm.s32 $0x0  }
0x50: {  	[tilespmem:s30], [sflag:$0x1] =	stream.linear.gather [hbm4b:s9+s30], $0x2800, $0x38;
	[tilespmem:$0x1A080] =	vst v63  }
0x51: {  	_ =	swait.ge [sflag:s16], $0x2800  }
0x52: {  	[sflag:s16] =	ssyncset.done $0x0  }
0x53: {  	[sflag:s16] =	ssyncadd.s32 $0xFFFFD800  }
0x54: {  	s31 =	simm.s32 $0x0;
	[bflag:$0x0] =	sbarrier.arrive $0xFFFF  }
0x55: {  	[spmem:s2] =	stream.indirect.scatter.add.f32 [tilespmem:s15], [sflag:$0x1], $0x80, s31, s17, $0xb8;
	[tilespmem:$0x1A080] =	vst v63  }
0x56: {  	_ =	swait.ge [sflag:s16], $0x3E80  }
0x57: {  	s22 =	simm.s32 $0x200;
	[sflag:s16] =	ssyncset.done $0x0  }
.LBB2_6:
0x58: {  	s23 =	sshra.s32 s22, $0x2;
	[sflag:s16] =	ssyncadd.s32 $0xFFFFC180;
	p1 =	sne.s32 s22, $0x9E00  }
0x59: {  	[spmem:s2] =	stream.indirect.scatter.add.f32 [tilespmem:s15], [sflag:$0x1], $0x80, s23, s17, $0xb8;
	[tilespmem:$0x1A080] =	vst v63  }
.Ltmp2:
0x5a: {  	_ = 	snop;
	(pc) =	sbr.rel @p1 .LBB2_6-.Ltmp2, $4  }
0x5b: {  	_ = 	snop  }
0x5c: {  	s22 =	sadd.s32 $0x200, s22  }
0x5d: {  	_ =	swait.ge [sflag:s16], $0x3E80  }
0x5e: {  	[sflag:s16] =	ssyncset.done $0x0  }
0x5f: {  	[sflag:s16] =	ssyncadd.s32 $0xFFFFC180;
	s22 =	sshll.u32 s0, $0x6  }
0x60: {  	[bflag:$0x0] =	sbarrier.arrive $0xFFFF;
	s22 =	sor.u32 $0x1C01, s22  }
0x61: {  	[hbm:s10], [sflag:s22] =	dma.local [spmem:s18], $0xC80  }
0x62: {  	_ =	swait.ge [sflag:s16], $0xC80  }
0x63: {  	[sflag:s16] =	ssyncset.done $0x0  }
0x64: {  	[sflag:s16] =	ssyncadd.s32 $0xFFFFF380  }
0x65: {  	[hbm:s11], [sflag:s22] =	dma.local [spmem:s19], $0xC80  }
0x66: {  	_ =	swait.ge [sflag:s16], $0xC80  }
0x67: {  	[sflag:s16] =	ssyncset.done $0x0  }
0x68: {  	[sflag:s16] =	ssyncadd.s32 $0xFFFFF380  }
0x69: {  	[hbm:s12], [sflag:s22] =	dma.local [spmem:s20], $0xC80  }
0x6a: {  	_ =	swait.ge [sflag:s16], $0xC80  }
0x6b: {  	s3 =	sadd.s32 $0x1, s3;
	[sflag:s16] =	ssyncset.done $0x0  }
0x6c: {  	p1 =	sne.s32 s3, s14;
	[sflag:s16] =	ssyncadd.s32 $0xFFFFF380  }
0x6d: {  	[hbm:s13], [sflag:s22] =	dma.local @!p0 [spmem:s21], $0xC80  }
.Ltmp3:
0x6e: {  	_ = 	snop;
	(pc) =	sbr.rel @p1 .LBB2_1-.Ltmp3, $4  }
0x6f: {  	s22 =	simm.s32 @!p0 $0x1  }
0x70: {  	_ =	swait.ge @!p0 [sflag:s22], $0xC80  }
0x71: {  	[sflag:s22] =	ssyncset.done @!p0 $0x0  }
0x72: {  	[sflag:s22] =	ssyncadd.s32 @!p0 $0xFFFFF380  }
0x73: {  	_ =	sfence.sel $0x180000  }
0x74: {  	[bflag:$0x0] =	sbarrier.arrive $0xFFFF  }
0x75: {  	p0 =	sne.s32 s0, $0x0;
	_ =	strace $0x9000004A  }
0x76: {  	s0 =	sadd.s32 @!p0 $0x100000, s1;
	[bflag:$0x2] =	sbarrier.arrive $0xFFFF  }
0x77: {  	[sflag:s0] =	ssyncadd.tile.s32 @!p0 $0x1;
	_ =	shalt  }
.Lfunc_end2:
_tile_overlayer_lowered:
.L_overlay_start_2:
0x78: {  	(tag) =	ssettag $0x2  }
0x79: {  	s0 =	rddreg [dreg:$0x0];
	s2 =	stileid.u32  }
0x7a: {  	s1 =	rddreg [dreg:$0x1];
	p0 =	sne.s32 s2, $0x0  }
0x7b: {  	s3 =	rddreg [dreg:$0x2];
	[bflag:$0x3] =	sbarrier.arrive $0xFFFF;
	s2 =	simm.s32 @!p0 $0x1C01  }
0x7c: {  	[timem:s3], [sflag:s2] =	dma.local @!p0 [hbm:s0], s1  }
0x7d: {  	s0 =	simm.s32 @!p0 $0x1  }
0x7e: {  	_ =	swait.ge @!p0 [sflag:s0], s1  }
0x7f: {  	s1 =	ssub.s32 @!p0 $0x0, s1;
	[sflag:s0] =	ssyncset.done @!p0 $0x0  }
0x80: {  	[sflag:s0] =	ssyncadd.s32 @!p0 s1  }
0x81: {  	[bflag:$0x3] =	sbarrier.arrive $0xFFFF  }
0x82: {  	_ =	shalt  }

</sc_bundles>
